<compile_context>
chip_gen: v7x
topology: tpu7x:2x2x1
jax: 0.10.2.dev20260603
libtpu: 0.0.44.dev20260713+nightly
codegen_flags: <defaults>
</compile_context>

<pallas_src>
import functools

import jax
import jax.numpy as jnp
from jax import lax
from jax.experimental import pallas as pl
from jax.experimental.pallas import tpu as pltpu
from jax.experimental.pallas import tpu_sc as plsc

VOCAB = 1000000
D_MODEL = 64
BATCH = 4096
HIST = 200

NUM_CORES = 2
NUM_SUBCORES = 16
NUM_WORKERS = NUM_CORES * NUM_SUBCORES

B_TOTAL = BATCH * HIST
PER_W = B_TOTAL // NUM_WORKERS
CHUNK = 128
NUM_CHUNKS = PER_W // CHUNK

_mesh = plsc.VectorSubcoreMesh(core_axis_name="c", subcore_axis_name="s")


@functools.partial(
    pl.kernel,
    out_type=jax.ShapeDtypeStruct((B_TOTAL, D_MODEL), jnp.float32),
    mesh=_mesh,
    scratch_types=[
        [pltpu.VMEM((CHUNK,), jnp.int32)] * 2,
        [pltpu.VMEM((CHUNK,), jnp.int32)] * 2,
        pltpu.VMEM((2, CHUNK, 2 * D_MODEL), jnp.float32),
        pltpu.VMEM((2, CHUNK, D_MODEL), jnp.float32),
        [pltpu.SemaphoreType.DMA] * 2,
        [pltpu.SemaphoreType.DMA] * 2,
    ],
)
def _embed(idx_hbm, tabp_hbm, out_hbm, ridx, gidx, pbuf, obuf, gsems, osems):
    wid = lax.axis_index("s") * NUM_CORES + lax.axis_index("c")
    base0 = pl.multiple_of(wid * PER_W, 8)

    def gstart(c, b):
        base = pl.multiple_of(base0 + c * CHUNK, 8)
        pltpu.sync_copy(idx_hbm.at[pl.ds(base, CHUNK)], ridx[b])
        for m in range(CHUNK // 16):
            sl = pl.ds(m * 16, 16)
            gidx[b][sl] = lax.shift_right_logical(ridx[b][sl], 1)
        pltpu.async_copy(tabp_hbm.at[gidx[b]], pbuf.at[b], gsems[b])

    def gwait(b):
        pltpu.make_async_copy(
            tabp_hbm.at[gidx[b]], pbuf.at[b], gsems[b]
        ).wait()

    def ostart(c, b):
        base = pl.multiple_of(base0 + c * CHUNK, 8)
        pltpu.async_copy(obuf.at[b], out_hbm.at[pl.ds(base, CHUNK)], osems[b])

    def owait(b):
        pltpu.make_async_copy(
            obuf.at[b], out_hbm.at[pl.ds(base0, CHUNK)], osems[b]
        ).wait()

    def compact_rows(b):
        @pl.loop(0, CHUNK // 16)
        def _(q):
            vv = ridx[b][pl.ds(q * 16, 16)]
            offs = (vv & 1) * D_MODEL
            for t in range(16):
                k = q * 16 + t
                ofs = offs[t]
                for m in range(D_MODEL // 16):
                    obuf[b, k, pl.ds(m * 16, 16)] = pbuf[
                        b, k, pl.ds(ofs + m * 16, 16)
                    ]

    gstart(0, 0)
    gstart(1, 1)

    def gpair(j, carry):
        for b in range(2):
            c = 2 * j + b
            gwait(b)

            @pl.when(c >= 2)
            def _():
                owait(b)

            compact_rows(b)
            ostart(c, b)

            @pl.when(c + 2 < NUM_CHUNKS)
            def _():
                gstart(c + 2, b)

        return carry

    lax.fori_loop(0, NUM_CHUNKS // 2, gpair, 0)
    for b in range(2):
        owait(b)


def kernel(X, table):
    idx = X.reshape(-1)
    tabp = table.reshape(VOCAB // 2, 2 * D_MODEL)
    out = _embed(idx, tabp)
    return out.reshape(X.shape + (table.shape[1],))

# --- scband reference (transcript-rebuilt; emitter-appended) ---
"""Pipeline reference for scband-embedder-19533511262878 (READ-ONLY COPY).

The authoritative reference and input builder live on the scoring server;
editing this copy changes nothing except your own understanding.
"""

import jax, jax.numpy as jnp
import numpy as np

VOCAB = 1000000
D_MODEL = 64
BATCH = 4096
HIST = 200


def setup_inputs(seed: int = 0) -> dict:
    key = jax.random.key(seed)
    k_idx, k_tab = jax.random.split(key)
    X = jax.random.randint(k_idx, (BATCH, HIST), 0, VOCAB, dtype=jnp.int64 if jax.config.jax_enable_x64 else jnp.int32)
    table = jax.random.normal(k_tab, (VOCAB, D_MODEL), dtype=jnp.float32)
    return {"X": X, "table": table}


def reference(X, table):
    # nn.Embedding forward: gather rows of the embedding table by index
    return jnp.take(table, X, axis=0)

if __name__ == "__main__":
    import jax
    _d = setup_inputs()
    print(jax.jit(kernel)(*tuple(_d.values())))

</pallas_src>

<mosaic_0001>
#map = affine_map<(d0, d1) -> (0)>
#map1 = affine_map<(d0, d1) -> (0, 0)>
module attributes {stable_mosaic.version = 14 : i64} {
  func.func @_embed(%arg0: i32, %arg1: i32, %arg2: memref<819200xi32, #tpu.memory_space<hbm>>, %arg3: memref<500000x128xf32, #tpu.memory_space<hbm>>, %arg4: memref<819200x64xf32, #tpu.memory_space<hbm>>, %arg5: memref<128xi32, #tpu.memory_space<vmem>>, %arg6: memref<128xi32, #tpu.memory_space<vmem>>, %arg7: memref<128xi32, #tpu.memory_space<vmem>>, %arg8: memref<128xi32, #tpu.memory_space<vmem>>, %arg9: memref<2x128x128xf32, #tpu.memory_space<vmem>>, %arg10: memref<2x128x64xf32, #tpu.memory_space<vmem>>, %arg11: memref<!tpu.dma_semaphore, #tpu.memory_space<semaphore_mem>>, %arg12: memref<!tpu.dma_semaphore, #tpu.memory_space<semaphore_mem>>, %arg13: memref<!tpu.dma_semaphore, #tpu.memory_space<semaphore_mem>>, %arg14: memref<!tpu.dma_semaphore, #tpu.memory_space<semaphore_mem>>) attributes {dimension_semantics = [#tpu.dimension_semantics<core_parallel>, #tpu.dimension_semantics<subcore_parallel>], iteration_bounds = array<i64: 2, 16>, scalar_prefetch = 0 : i64, scratch_operands = 10 : i64, tpu.core_type = #tpu.core_type<sc_vector_subcore>, window_params = [{transform_indices = #map}, {transform_indices = #map1}, {transform_indices = #map1}]} {
    %mul3A = arith.constant 2 : i32
    %mul3A_0 = arith.muli %arg1, %mul3A : i32
    %add3A = arith.addi %mul3A_0, %arg0 : i32
    %mul3A_1 = arith.constant 25600 : i32
    %mul3A_2 = arith.muli %add3A, %mul3A_1 : i32
    %multiple_of3A = tpu.assume_multiple %mul3A_2, 8 : i32
    %add3A_3 = arith.constant 0 : i32
    %add3A_4 = arith.addi %multiple_of3A, %add3A_3 : i32
    %multiple_of3A_5 = tpu.assume_multiple %add3A_4, 8 : i32
    "tpu.region"() ({
      %run_scoped3A = tpu.sem_alloc : memref<!tpu.dma_semaphore, #tpu.memory_space<semaphore_mem>>
      %dma_start3A_211 = tpu.memref_slice %arg2[%multiple_of3A_5] : memref<819200xi32, #tpu.memory_space<hbm>> -> memref<128xi32, #tpu.memory_space<hbm>>
      %dma_start3A_212 = tpu.memref_slice %arg2[%multiple_of3A_5] : memref<819200xi32, #tpu.memory_space<hbm>> -> memref<128xi32, #tpu.memory_space<hbm>>
      tpu.enqueue_dma source(%dma_start3A_212 : memref<128xi32, #tpu.memory_space<hbm>>) target(%arg5 : memref<128xi32, #tpu.memory_space<vmem>>) target_semaphore(%run_scoped3A : memref<!tpu.dma_semaphore, #tpu.memory_space<semaphore_mem>>)
      %dma_wait3A_213 = tpu.memref_slice %arg2[%multiple_of3A_5] : memref<819200xi32, #tpu.memory_space<hbm>> -> memref<128xi32, #tpu.memory_space<hbm>>
      %dma_wait3A_214 = tpu.memref_slice %arg2[%multiple_of3A_5] : memref<819200xi32, #tpu.memory_space<hbm>> -> memref<128xi32, #tpu.memory_space<hbm>>
      tpu.wait_dma2 semaphore(%run_scoped3A : memref<!tpu.dma_semaphore, #tpu.memory_space<semaphore_mem>>) src(%dma_wait3A_214 : memref<128xi32, #tpu.memory_space<hbm>>) dst(%arg5 : memref<128xi32, #tpu.memory_space<vmem>>)
      tpu.yield
    }) : () -> ()
    %get3A = arith.constant 0 : index
    %get3A_6 = tpu.vector_load %arg5[%get3A] {strides = array<i32>} : memref<128xi32, #tpu.memory_space<vmem>>, vector<16xi32>,
    %get3A_7 = vector.shape_cast %get3A_6 : vector<16xi32> to vector<16xi32>
    %shift_right_logical3A = arith.constant 1 : i32
    %shift_right_logical3A_8 = vector.broadcast %shift_right_logical3A : i32 to vector<16xi32>
    %shift_right_logical3A_9 = arith.shrui %get3A_7, %shift_right_logical3A_8 : vector<16xi32>
    %swap3A = arith.constant 0 : index
    %swap3A_10 = tpu.vector_load %arg7[%swap3A] {strides = array<i32>} : memref<128xi32, #tpu.memory_space<vmem>>, vector<16xi32>,
    %swap3A_11 = vector.shape_cast %swap3A_10 : vector<16xi32> to vector<16xi32>
    %swap3A_12 = vector.shape_cast %shift_right_logical3A_9 : vector<16xi32> to vector<16xi32>
    tpu.vector_store %arg7[%swap3A], %swap3A_12 {strides = array<i32>} : memref<128xi32, #tpu.memory_space<vmem>>, vector<16xi32>,
    %get3A_13 = arith.constant 16 : index
    %get3A_14 = tpu.vector_load %arg5[%get3A_13] {strides = array<i32>} : memref<128xi32, #tpu.memory_space<vmem>>, vector<16xi32>,
    %get3A_15 = vector.shape_cast %get3A_14 : vector<16xi32> to vector<16xi32>
    %shift_right_logical3A_16 = arith.constant 1 : i32
    %shift_right_logical3A_17 = vector.broadcast %shift_right_logical3A_16 : i32 to vector<16xi32>
    %shift_right_logical3A_18 = arith.shrui %get3A_15, %shift_right_logical3A_17 : vector<16xi32>
    %swap3A_19 = arith.constant 16 : index
    %swap3A_20 = tpu.vector_load %arg7[%swap3A_19] {strides = array<i32>} : memref<128xi32, #tpu.memory_space<vmem>>, vector<16xi32>,
    %swap3A_21 = vector.shape_cast %swap3A_20 : vector<16xi32> to vector<16xi32>
    %swap3A_22 = vector.shape_cast %shift_right_logical3A_18 : vector<16xi32> to vector<16xi32>
    tpu.vector_store %arg7[%swap3A_19], %swap3A_22 {strides = array<i32>} : memref<128xi32, #tpu.memory_space<vmem>>, vector<16xi32>,
    %get3A_23 = arith.constant 32 : index
    %get3A_24 = tpu.vector_load %arg5[%get3A_23] {strides = array<i32>} : memref<128xi32, #tpu.memory_space<vmem>>, vector<16xi32>,
    %get3A_25 = vector.shape_cast %get3A_24 : vector<16xi32> to vector<16xi32>
    %shift_right_logical3A_26 = arith.constant 1 : i32
    %shift_right_logical3A_27 = vector.broadcast %shift_right_logical3A_26 : i32 to vector<16xi32>
    %shift_right_logical3A_28 = arith.shrui %get3A_25, %shift_right_logical3A_27 : vector<16xi32>
    %swap3A_29 = arith.constant 32 : index
    %swap3A_30 = tpu.vector_load %arg7[%swap3A_29] {strides = array<i32>} : memref<128xi32, #tpu.memory_space<vmem>>, vector<16xi32>,
    %swap3A_31 = vector.shape_cast %swap3A_30 : vector<16xi32> to vector<16xi32>
    %swap3A_32 = vector.shape_cast %shift_right_logical3A_28 : vector<16xi32> to vector<16xi32>
    tpu.vector_store %arg7[%swap3A_29], %swap3A_32 {strides = array<i32>} : memref<128xi32, #tpu.memory_space<vmem>>, vector<16xi32>,
    %get3A_33 = arith.constant 48 : index
    %get3A_34 = tpu.vector_load %arg5[%get3A_33] {strides = array<i32>} : memref<128xi32, #tpu.memory_space<vmem>>, vector<16xi32>,
    %get3A_35 = vector.shape_cast %get3A_34 : vector<16xi32> to vector<16xi32>
    %shift_right_logical3A_36 = arith.constant 1 : i32
    %shift_right_logical3A_37 = vector.broadcast %shift_right_logical3A_36 : i32 to vector<16xi32>
    %shift_right_logical3A_38 = arith.shrui %get3A_35, %shift_right_logical3A_37 : vector<16xi32>
    %swap3A_39 = arith.constant 48 : index
    %swap3A_40 = tpu.vector_load %arg7[%swap3A_39] {strides = array<i32>} : memref<128xi32, #tpu.memory_space<vmem>>, vector<16xi32>,
    %swap3A_41 = vector.shape_cast %swap3A_40 : vector<16xi32> to vector<16xi32>
    %swap3A_42 = vector.shape_cast %shift_right_logical3A_38 : vector<16xi32> to vector<16xi32>
    tpu.vector_store %arg7[%swap3A_39], %swap3A_42 {strides = array<i32>} : memref<128xi32, #tpu.memory_space<vmem>>, vector<16xi32>,
    %get3A_43 = arith.constant 64 : index
    %get3A_44 = tpu.vector_load %arg5[%get3A_43] {strides = array<i32>} : memref<128xi32, #tpu.memory_space<vmem>>, vector<16xi32>,
    %get3A_45 = vector.shape_cast %get3A_44 : vector<16xi32> to vector<16xi32>
    %shift_right_logical3A_46 = arith.constant 1 : i32
    %shift_right_logical3A_47 = vector.broadcast %shift_right_logical3A_46 : i32 to vector<16xi32>
    %shift_right_logical3A_48 = arith.shrui %get3A_45, %shift_right_logical3A_47 : vector<16xi32>
    %swap3A_49 = arith.constant 64 : index
    %swap3A_50 = tpu.vector_load %arg7[%swap3A_49] {strides = array<i32>} : memref<128xi32, #tpu.memory_space<vmem>>, vector<16xi32>,
    %swap3A_51 = vector.shape_cast %swap3A_50 : vector<16xi32> to vector<16xi32>
    %swap3A_52 = vector.shape_cast %shift_right_logical3A_48 : vector<16xi32> to vector<16xi32>
    tpu.vector_store %arg7[%swap3A_49], %swap3A_52 {strides = array<i32>} : memref<128xi32, #tpu.memory_space<vmem>>, vector<16xi32>,
    %get3A_53 = arith.constant 80 : index
    %get3A_54 = tpu.vector_load %arg5[%get3A_53] {strides = array<i32>} : memref<128xi32, #tpu.memory_space<vmem>>, vector<16xi32>,
    %get3A_55 = vector.shape_cast %get3A_54 : vector<16xi32> to vector<16xi32>
    %shift_right_logical3A_56 = arith.constant 1 : i32
    %shift_right_logical3A_57 = vector.broadcast %shift_right_logical3A_56 : i32 to vector<16xi32>
    %shift_right_logical3A_58 = arith.shrui %get3A_55, %shift_right_logical3A_57 : vector<16xi32>
    %swap3A_59 = arith.constant 80 : index
    %swap3A_60 = tpu.vector_load %arg7[%swap3A_59] {strides = array<i32>} : memref<128xi32, #tpu.memory_space<vmem>>, vector<16xi32>,
    %swap3A_61 = vector.shape_cast %swap3A_60 : vector<16xi32> to vector<16xi32>
    %swap3A_62 = vector.shape_cast %shift_right_logical3A_58 : vector<16xi32> to vector<16xi32>
    tpu.vector_store %arg7[%swap3A_59], %swap3A_62 {strides = array<i32>} : memref<128xi32, #tpu.memory_space<vmem>>, vector<16xi32>,
    %get3A_63 = arith.constant 96 : index
    %get3A_64 = tpu.vector_load %arg5[%get3A_63] {strides = array<i32>} : memref<128xi32, #tpu.memory_space<vmem>>, vector<16xi32>,
    %get3A_65 = vector.shape_cast %get3A_64 : vector<16xi32> to vector<16xi32>
    %shift_right_logical3A_66 = arith.constant 1 : i32
    %shift_right_logical3A_67 = vector.broadcast %shift_right_logical3A_66 : i32 to vector<16xi32>
    %shift_right_logical3A_68 = arith.shrui %get3A_65, %shift_right_logical3A_67 : vector<16xi32>
    %swap3A_69 = arith.constant 96 : index
    %swap3A_70 = tpu.vector_load %arg7[%swap3A_69] {strides = array<i32>} : memref<128xi32, #tpu.memory_space<vmem>>, vector<16xi32>,
    %swap3A_71 = vector.shape_cast %swap3A_70 : vector<16xi32> to vector<16xi32>
    %swap3A_72 = vector.shape_cast %shift_right_logical3A_68 : vector<16xi32> to vector<16xi32>
    tpu.vector_store %arg7[%swap3A_69], %swap3A_72 {strides = array<i32>} : memref<128xi32, #tpu.memory_space<vmem>>, vector<16xi32>,
    %get3A_73 = arith.constant 112 : index
    %get3A_74 = tpu.vector_load %arg5[%get3A_73] {strides = array<i32>} : memref<128xi32, #tpu.memory_space<vmem>>, vector<16xi32>,
    %get3A_75 = vector.shape_cast %get3A_74 : vector<16xi32> to vector<16xi32>
    %shift_right_logical3A_76 = arith.constant 1 : i32
    %shift_right_logical3A_77 = vector.broadcast %shift_right_logical3A_76 : i32 to vector<16xi32>
    %shift_right_logical3A_78 = arith.shrui %get3A_75, %shift_right_logical3A_77 : vector<16xi32>
    %swap3A_79 = arith.constant 112 : index
    %swap3A_80 = tpu.vector_load %arg7[%swap3A_79] {strides = array<i32>} : memref<128xi32, #tpu.memory_space<vmem>>, vector<16xi32>,
    %swap3A_81 = vector.shape_cast %swap3A_80 : vector<16xi32> to vector<16xi32>
    %swap3A_82 = vector.shape_cast %shift_right_logical3A_78 : vector<16xi32> to vector<16xi32>
    tpu.vector_store %arg7[%swap3A_79], %swap3A_82 {strides = array<i32>} : memref<128xi32, #tpu.memory_space<vmem>>, vector<16xi32>,
    %dma_start3A = arith.constant 0 : i32
    %dma_start3A_83 = arith.constant 0 : i32
    %dma_start3A_84 = arith.constant 0 : i32
    %dma_start3A_85 = tpu.memref_slice %arg9[%dma_start3A, %dma_start3A_83, %dma_start3A_84] : memref<2x128x128xf32, #tpu.memory_space<vmem>> -> memref<1x128x128xf32, #tpu.memory_space<vmem>>
    %dma_start3A_86 = tpu.memref_squeeze %dma_start3A_85 : memref<1x128x128xf32, #tpu.memory_space<vmem>> -> memref<128x128xf32, #tpu.memory_space<vmem>>
    %dma_start3A_87 = arith.constant 0 : i32
    %dma_start3A_88 = arith.constant 0 : i32
    %dma_start3A_89 = tpu.memref_slice %arg3[%dma_start3A_87, %dma_start3A_88] : memref<500000x128xf32, #tpu.memory_space<hbm>> -> memref<500000x128xf32, #tpu.memory_space<hbm>>
    tpu.enqueue_indirect_dma source(%dma_start3A_89 : memref<500000x128xf32, #tpu.memory_space<hbm>>) target(%dma_start3A_86 : memref<128x128xf32, #tpu.memory_space<vmem>>) offsets(%arg7 : memref<128xi32, #tpu.memory_space<vmem>>) semaphore(%arg11 : memref<!tpu.dma_semaphore, #tpu.memory_space<semaphore_mem>>)
    %add3A_90 = arith.constant 128 : i32
    %add3A_91 = arith.addi %multiple_of3A, %add3A_90 : i32
    %multiple_of3A_92 = tpu.assume_multiple %add3A_91, 8 : i32
    "tpu.region"() ({
      %run_scoped3A = tpu.sem_alloc : memref<!tpu.dma_semaphore, #tpu.memory_space<semaphore_mem>>
      %dma_start3A_211 = tpu.memref_slice %arg2[%multiple_of3A_92] : memref<819200xi32, #tpu.memory_space<hbm>> -> memref<128xi32, #tpu.memory_space<hbm>>
      %dma_start3A_212 = tpu.memref_slice %arg2[%multiple_of3A_92] : memref<819200xi32, #tpu.memory_space<hbm>> -> memref<128xi32, #tpu.memory_space<hbm>>
      tpu.enqueue_dma source(%dma_start3A_212 : memref<128xi32, #tpu.memory_space<hbm>>) target(%arg6 : memref<128xi32, #tpu.memory_space<vmem>>) target_semaphore(%run_scoped3A : memref<!tpu.dma_semaphore, #tpu.memory_space<semaphore_mem>>)
      %dma_wait3A_213 = tpu.memref_slice %arg2[%multiple_of3A_92] : memref<819200xi32, #tpu.memory_space<hbm>> -> memref<128xi32, #tpu.memory_space<hbm>>
      %dma_wait3A_214 = tpu.memref_slice %arg2[%multiple_of3A_92] : memref<819200xi32, #tpu.memory_space<hbm>> -> memref<128xi32, #tpu.memory_space<hbm>>
      tpu.wait_dma2 semaphore(%run_scoped3A : memref<!tpu.dma_semaphore, #tpu.memory_space<semaphore_mem>>) src(%dma_wait3A_214 : memref<128xi32, #tpu.memory_space<hbm>>) dst(%arg6 : memref<128xi32, #tpu.memory_space<vmem>>)
      tpu.yield
    }) : () -> ()
    %get3A_93 = arith.constant 0 : index
    %get3A_94 = tpu.vector_load %arg6[%get3A_93] {strides = array<i32>} : memref<128xi32, #tpu.memory_space<vmem>>, vector<16xi32>,
    %get3A_95 = vector.shape_cast %get3A_94 : vector<16xi32> to vector<16xi32>
    %shift_right_logical3A_96 = arith.constant 1 : i32
    %shift_right_logical3A_97 = vector.broadcast %shift_right_logical3A_96 : i32 to vector<16xi32>
    %shift_right_logical3A_98 = arith.shrui %get3A_95, %shift_right_logical3A_97 : vector<16xi32>
    %swap3A_99 = arith.constant 0 : index
    %swap3A_100 = tpu.vector_load %arg8[%swap3A_99] {strides = array<i32>} : memref<128xi32, #tpu.memory_space<vmem>>, vector<16xi32>,
    %swap3A_101 = vector.shape_cast %swap3A_100 : vector<16xi32> to vector<16xi32>
    %swap3A_102 = vector.shape_cast %shift_right_logical3A_98 : vector<16xi32> to vector<16xi32>
    tpu.vector_store %arg8[%swap3A_99], %swap3A_102 {strides = array<i32>} : memref<128xi32, #tpu.memory_space<vmem>>, vector<16xi32>,
    %get3A_103 = arith.constant 16 : index
    %get3A_104 = tpu.vector_load %arg6[%get3A_103] {strides = array<i32>} : memref<128xi32, #tpu.memory_space<vmem>>, vector<16xi32>,
    %get3A_105 = vector.shape_cast %get3A_104 : vector<16xi32> to vector<16xi32>
    %shift_right_logical3A_106 = arith.constant 1 : i32
    %shift_right_logical3A_107 = vector.broadcast %shift_right_logical3A_106 : i32 to vector<16xi32>
    %shift_right_logical3A_108 = arith.shrui %get3A_105, %shift_right_logical3A_107 : vector<16xi32>
    %swap3A_109 = arith.constant 16 : index
    %swap3A_110 = tpu.vector_load %arg8[%swap3A_109] {strides = array<i32>} : memref<128xi32, #tpu.memory_space<vmem>>, vector<16xi32>,
    %swap3A_111 = vector.shape_cast %swap3A_110 : vector<16xi32> to vector<16xi32>
    %swap3A_112 = vector.shape_cast %shift_right_logical3A_108 : vector<16xi32> to vector<16xi32>
    tpu.vector_store %arg8[%swap3A_109], %swap3A_112 {strides = array<i32>} : memref<128xi32, #tpu.memory_space<vmem>>, vector<16xi32>,
    %get3A_113 = arith.constant 32 : index
    %get3A_114 = tpu.vector_load %arg6[%get3A_113] {strides = array<i32>} : memref<128xi32, #tpu.memory_space<vmem>>, vector<16xi32>,
    %get3A_115 = vector.shape_cast %get3A_114 : vector<16xi32> to vector<16xi32>
    %shift_right_logical3A_116 = arith.constant 1 : i32
    %shift_right_logical3A_117 = vector.broadcast %shift_right_logical3A_116 : i32 to vector<16xi32>
    %shift_right_logical3A_118 = arith.shrui %get3A_115, %shift_right_logical3A_117 : vector<16xi32>
    %swap3A_119 = arith.constant 32 : index
    %swap3A_120 = tpu.vector_load %arg8[%swap3A_119] {strides = array<i32>} : memref<128xi32, #tpu.memory_space<vmem>>, vector<16xi32>,
    %swap3A_121 = vector.shape_cast %swap3A_120 : vector<16xi32> to vector<16xi32>
    %swap3A_122 = vector.shape_cast %shift_right_logical3A_118 : vector<16xi32> to vector<16xi32>
    tpu.vector_store %arg8[%swap3A_119], %swap3A_122 {strides = array<i32>} : memref<128xi32, #tpu.memory_space<vmem>>, vector<16xi32>,
    %get3A_123 = arith.constant 48 : index
    %get3A_124 = tpu.vector_load %arg6[%get3A_123] {strides = array<i32>} : memref<128xi32, #tpu.memory_space<vmem>>, vector<16xi32>,
    %get3A_125 = vector.shape_cast %get3A_124 : vector<16xi32> to vector<16xi32>
    %shift_right_logical3A_126 = arith.constant 1 : i32
    %shift_right_logical3A_127 = vector.broadcast %shift_right_logical3A_126 : i32 to vector<16xi32>
    %shift_right_logical3A_128 = arith.shrui %get3A_125, %shift_right_logical3A_127 : vector<16xi32>
    %swap3A_129 = arith.constant 48 : index
    %swap3A_130 = tpu.vector_load %arg8[%swap3A_129] {strides = array<i32>} : memref<128xi32, #tpu.memory_space<vmem>>, vector<16xi32>,
    %swap3A_131 = vector.shape_cast %swap3A_130 : vector<16xi32> to vector<16xi32>
    %swap3A_132 = vector.shape_cast %shift_right_logical3A_128 : vector<16xi32> to vector<16xi32>
    tpu.vector_store %arg8[%swap3A_129], %swap3A_132 {strides = array<i32>} : memref<128xi32, #tpu.memory_space<vmem>>, vector<16xi32>,
    %get3A_133 = arith.constant 64 : index
    %get3A_134 = tpu.vector_load %arg6[%get3A_133] {strides = array<i32>} : memref<128xi32, #tpu.memory_space<vmem>>, vector<16xi32>,
    %get3A_135 = vector.shape_cast %get3A_134 : vector<16xi32> to vector<16xi32>
    %shift_right_logical3A_136 = arith.constant 1 : i32
    %shift_right_logical3A_137 = vector.broadcast %shift_right_logical3A_136 : i32 to vector<16xi32>
    %shift_right_logical3A_138 = arith.shrui %get3A_135, %shift_right_logical3A_137 : vector<16xi32>
    %swap3A_139 = arith.constant 64 : index
    %swap3A_140 = tpu.vector_load %arg8[%swap3A_139] {strides = array<i32>} : memref<128xi32, #tpu.memory_space<vmem>>, vector<16xi32>,
    %swap3A_141 = vector.shape_cast %swap3A_140 : vector<16xi32> to vector<16xi32>
    %swap3A_142 = vector.shape_cast %shift_right_logical3A_138 : vector<16xi32> to vector<16xi32>
    tpu.vector_store %arg8[%swap3A_139], %swap3A_142 {strides = array<i32>} : memref<128xi32, #tpu.memory_space<vmem>>, vector<16xi32>,
    %get3A_143 = arith.constant 80 : index
    %get3A_144 = tpu.vector_load %arg6[%get3A_143] {strides = array<i32>} : memref<128xi32, #tpu.memory_space<vmem>>, vector<16xi32>,
    %get3A_145 = vector.shape_cast %get3A_144 : vector<16xi32> to vector<16xi32>
    %shift_right_logical3A_146 = arith.constant 1 : i32
    %shift_right_logical3A_147 = vector.broadcast %shift_right_logical3A_146 : i32 to vector<16xi32>
    %shift_right_logical3A_148 = arith.shrui %get3A_145, %shift_right_logical3A_147 : vector<16xi32>
    %swap3A_149 = arith.constant 80 : index
    %swap3A_150 = tpu.vector_load %arg8[%swap3A_149] {strides = array<i32>} : memref<128xi32, #tpu.memory_space<vmem>>, vector<16xi32>,
    %swap3A_151 = vector.shape_cast %swap3A_150 : vector<16xi32> to vector<16xi32>
    %swap3A_152 = vector.shape_cast %shift_right_logical3A_148 : vector<16xi32> to vector<16xi32>
    tpu.vector_store %arg8[%swap3A_149], %swap3A_152 {strides = array<i32>} : memref<128xi32, #tpu.memory_space<vmem>>, vector<16xi32>,
    %get3A_153 = arith.constant 96 : index
    %get3A_154 = tpu.vector_load %arg6[%get3A_153] {strides = array<i32>} : memref<128xi32, #tpu.memory_space<vmem>>, vector<16xi32>,
    %get3A_155 = vector.shape_cast %get3A_154 : vector<16xi32> to vector<16xi32>
    %shift_right_logical3A_156 = arith.constant 1 : i32
    %shift_right_logical3A_157 = vector.broadcast %shift_right_logical3A_156 : i32 to vector<16xi32>
    %shift_right_logical3A_158 = arith.shrui %get3A_155, %shift_right_logical3A_157 : vector<16xi32>
    %swap3A_159 = arith.constant 96 : index
    %swap3A_160 = tpu.vector_load %arg8[%swap3A_159] {strides = array<i32>} : memref<128xi32, #tpu.memory_space<vmem>>, vector<16xi32>,
    %swap3A_161 = vector.shape_cast %swap3A_160 : vector<16xi32> to vector<16xi32>
    %swap3A_162 = vector.shape_cast %shift_right_logical3A_158 : vector<16xi32> to vector<16xi32>
    tpu.vector_store %arg8[%swap3A_159], %swap3A_162 {strides = array<i32>} : memref<128xi32, #tpu.memory_space<vmem>>, vector<16xi32>,
    %get3A_163 = arith.constant 112 : index
    %get3A_164 = tpu.vector_load %arg6[%get3A_163] {strides = array<i32>} : memref<128xi32, #tpu.memory_space<vmem>>, vector<16xi32>,
    %get3A_165 = vector.shape_cast %get3A_164 : vector<16xi32> to vector<16xi32>
    %shift_right_logical3A_166 = arith.constant 1 : i32
    %shift_right_logical3A_167 = vector.broadcast %shift_right_logical3A_166 : i32 to vector<16xi32>
    %shift_right_logical3A_168 = arith.shrui %get3A_165, %shift_right_logical3A_167 : vector<16xi32>
    %swap3A_169 = arith.constant 112 : index
    %swap3A_170 = tpu.vector_load %arg8[%swap3A_169] {strides = array<i32>} : memref<128xi32, #tpu.memory_space<vmem>>, vector<16xi32>,
    %swap3A_171 = vector.shape_cast %swap3A_170 : vector<16xi32> to vector<16xi32>
    %swap3A_172 = vector.shape_cast %shift_right_logical3A_168 : vector<16xi32> to vector<16xi32>
    tpu.vector_store %arg8[%swap3A_169], %swap3A_172 {strides = array<i32>} : memref<128xi32, #tpu.memory_space<vmem>>, vector<16xi32>,
    %dma_start3A_173 = arith.constant 1 : i32
    %dma_start3A_174 = arith.constant 0 : i32
    %dma_start3A_175 = arith.constant 0 : i32
    %dma_start3A_176 = tpu.memref_slice %arg9[%dma_start3A_173, %dma_start3A_174, %dma_start3A_175] : memref<2x128x128xf32, #tpu.memory_space<vmem>> -> memref<1x128x128xf32, #tpu.memory_space<vmem>>
    %dma_start3A_177 = tpu.memref_squeeze %dma_start3A_176 : memref<1x128x128xf32, #tpu.memory_space<vmem>> -> memref<128x128xf32, #tpu.memory_space<vmem>>
    %dma_start3A_178 = arith.constant 0 : i32
    %dma_start3A_179 = arith.constant 0 : i32
    %dma_start3A_180 = tpu.memref_slice %arg3[%dma_start3A_178, %dma_start3A_179] : memref<500000x128xf32, #tpu.memory_space<hbm>> -> memref<500000x128xf32, #tpu.memory_space<hbm>>
    tpu.enqueue_indirect_dma source(%dma_start3A_180 : memref<500000x128xf32, #tpu.memory_space<hbm>>) target(%dma_start3A_177 : memref<128x128xf32, #tpu.memory_space<vmem>>) offsets(%arg8 : memref<128xi32, #tpu.memory_space<vmem>>) semaphore(%arg12 : memref<!tpu.dma_semaphore, #tpu.memory_space<semaphore_mem>>)
    %scan3A = arith.constant 0 : i32
    %scan3A_181 = arith.constant 0 : i32
    %scan3A_182 = arith.constant 100 : i32
    %scan3A_183 = arith.addi %scan3A_181, %scan3A_182 : i32
    %scan3A_184 = arith.constant 1 : i32
    scf.for %scan3A_211 = %scan3A_181 to %scan3A_183 step %scan3A_184  : i32 {
      %mul3A_212 = arith.constant 2 : i32
      %mul3A_213 = arith.muli %mul3A_212, %scan3A_211 : i32
      %add3A_214 = arith.constant 0 : i32
      %add3A_215 = arith.addi %mul3A_213, %add3A_214 : i32
      %dma_wait3A_216 = arith.constant 0 : i32
      %dma_wait3A_217 = arith.constant 0 : i32
      %dma_wait3A_218 = arith.constant 0 : i32
      %dma_wait3A_219 = tpu.memref_slice %arg9[%dma_wait3A_216, %dma_wait3A_217, %dma_wait3A_218] : memref<2x128x128xf32, #tpu.memory_space<vmem>> -> memref<1x128x128xf32, #tpu.memory_space<vmem>>
      %dma_wait3A_220 = tpu.memref_squeeze %dma_wait3A_219 : memref<1x128x128xf32, #tpu.memory_space<vmem>> -> memref<128x128xf32, #tpu.memory_space<vmem>>
      %dma_wait3A_221 = arith.constant 0 : i32
      %dma_wait3A_222 = arith.constant 0 : i32
      %dma_wait3A_223 = tpu.memref_slice %arg3[%dma_wait3A_221, %dma_wait3A_222] : memref<500000x128xf32, #tpu.memory_space<hbm>> -> memref<500000x128xf32, #tpu.memory_space<hbm>>
      tpu.wait_indirect_dma semaphore(%arg11 : memref<!tpu.dma_semaphore, #tpu.memory_space<semaphore_mem>>) src(%dma_wait3A_223 : memref<500000x128xf32, #tpu.memory_space<hbm>>) dst(%dma_wait3A_220 : memref<128x128xf32, #tpu.memory_space<vmem>>)
      %ge3A = arith.constant 2 : i32
      %ge3A_224 = arith.cmpi sge, %add3A_215, %ge3A : i32
      %convert_element_type3A = arith.extui %ge3A_224 : i1 to i32
      %cond3A = arith.constant 0 : i32
      %cond3A_225 = arith.cmpi ne, %convert_element_type3A, %cond3A : i32
      scf.if %cond3A_225 {
        %dma_wait3A_300 = arith.constant 0 : i32
        %dma_wait3A_301 = arith.constant 0 : i32
        %dma_wait3A_302 = arith.constant 0 : i32
        %dma_wait3A_303 = tpu.memref_slice %arg10[%dma_wait3A_300, %dma_wait3A_301, %dma_wait3A_302] : memref<2x128x64xf32, #tpu.memory_space<vmem>> -> memref<1x128x64xf32, #tpu.memory_space<vmem>>
        %dma_wait3A_304 = tpu.memref_squeeze %dma_wait3A_303 : memref<1x128x64xf32, #tpu.memory_space<vmem>> -> memref<128x64xf32, #tpu.memory_space<vmem>>
        %dma_wait3A_305 = arith.constant 0 : i32
        %dma_wait3A_306 = tpu.memref_slice %arg4[%multiple_of3A, %dma_wait3A_305] : memref<819200x64xf32, #tpu.memory_space<hbm>> -> memref<128x64xf32, #tpu.memory_space<hbm>>
        %dma_wait3A_307 = arith.constant 0 : i32
        %dma_wait3A_308 = tpu.memref_slice %arg4[%multiple_of3A, %dma_wait3A_307] : memref<819200x64xf32, #tpu.memory_space<hbm>> -> memref<128x64xf32, #tpu.memory_space<hbm>>
        %dma_wait3A_309 = arith.constant 0 : i32
        %dma_wait3A_310 = arith.constant 0 : i32
        %dma_wait3A_311 = tpu.memref_slice %arg10[%dma_wait3A_300, %dma_wait3A_309, %dma_wait3A_310] : memref<2x128x64xf32, #tpu.memory_space<vmem>> -> memref<1x128x64xf32, #tpu.memory_space<vmem>>
        %dma_wait3A_312 = tpu.memref_squeeze %dma_wait3A_311 : memref<1x128x64xf32, #tpu.memory_space<vmem>> -> memref<128x64xf32, #tpu.memory_space<vmem>>
        tpu.wait_dma2 semaphore(%arg13 : memref<!tpu.dma_semaphore, #tpu.memory_space<semaphore_mem>>) src(%dma_wait3A_312 : memref<128x64xf32, #tpu.memory_space<vmem>>) dst(%dma_wait3A_308 : memref<128x64xf32, #tpu.memory_space<hbm>>)
      } else {
      }
      %scan3A_226 = arith.constant 0 : i32
      %scan3A_227 = arith.constant 8 : i32
      %scan3A_228 = arith.addi %scan3A_226, %scan3A_227 : i32
      %scan3A_229 = arith.constant 1 : i32
      scf.for %scan3A_300 = %scan3A_226 to %scan3A_228 step %scan3A_229  : i32 {
        %mul3A_301 = arith.constant 1 : i32
        %mul3A_302 = arith.muli %scan3A_300, %mul3A_301 : i32
        %add3A_303 = arith.constant 0 : i32
        %add3A_304 = arith.addi %add3A_303, %mul3A_302 : i32
        %mul3A_305 = arith.constant 16 : i32
        %mul3A_306 = arith.muli %add3A_304, %mul3A_305 : i32
        %get3A_307 = arith.index_cast %mul3A_306 : i32 to index
        %get3A_308 = tpu.vector_load %arg5[%get3A_307] {strides = array<i32>} : memref<128xi32, #tpu.memory_space<vmem>>, vector<16xi32>,
        %get3A_309 = vector.shape_cast %get3A_308 : vector<16xi32> to vector<16xi32>
        %and3A = arith.constant 1 : i32
        %and3A_310 = vector.broadcast %and3A : i32 to vector<16xi32>
        %and3A_311 = arith.andi %get3A_309, %and3A_310 : vector<16xi32>
        %mul3A_312 = arith.constant 64 : i32
        %mul3A_313 = vector.broadcast %mul3A_312 : i32 to vector<16xi32>
        %mul3A_314 = arith.muli %and3A_311, %mul3A_313 : vector<16xi32>
        %mul3A_315 = arith.constant 16 : i32
        %mul3A_316 = arith.muli %add3A_304, %mul3A_315 : i32
        %add3A_317 = arith.constant 0 : i32
        %add3A_318 = arith.addi %mul3A_316, %add3A_317 : i32
        %slice3A = vector.extract_strided_slice %mul3A_314 {offsets = [0], sizes = [1], strides = [1]} : vector<16xi32> to vector<1xi32>
        %squeeze3A = vector.extract %slice3A[0] : i32 from vector<1xi32>
        %add3A_319 = arith.constant 0 : i32
        %add3A_320 = arith.addi %squeeze3A, %add3A_319 : i32
        %get3A_321 = arith.constant 0 : i32
        %get3A_322 = arith.index_cast %get3A_321 : i32 to index
        %get3A_323 = arith.index_cast %add3A_318 : i32 to index
        %get3A_324 = arith.index_cast %add3A_320 : i32 to index
        %get3A_325 = tpu.vector_load %arg9[%get3A_322, %get3A_323, %get3A_324] {strides = array<i32>} : memref<2x128x128xf32, #tpu.memory_space<vmem>>, vector<1x1x16xf32>,
        %get3A_326 = vector.shape_cast %get3A_325 : vector<1x1x16xf32> to vector<16xf32>
        %swap3A_327 = arith.constant 0 : i32
        %swap3A_328 = arith.index_cast %swap3A_327 : i32 to index
        %swap3A_329 = arith.index_cast %add3A_318 : i32 to index
        %swap3A_330 = arith.constant 0 : index
        %swap3A_331 = tpu.vector_load %arg10[%swap3A_328, %swap3A_329, %swap3A_330] {strides = array<i32>} : memref<2x128x64xf32, #tpu.memory_space<vmem>>, vector<1x1x16xf32>,
        %swap3A_332 = vector.shape_cast %swap3A_331 : vector<1x1x16xf32> to vector<16xf32>
        %swap3A_333 = vector.shape_cast %get3A_326 : vector<16xf32> to vector<1x1x16xf32>
        tpu.vector_store %arg10[%swap3A_328, %swap3A_329, %swap3A_330], %swap3A_333 {strides = array<i32>} : memref<2x128x64xf32, #tpu.memory_space<vmem>>, vector<1x1x16xf32>,
        %add3A_334 = arith.constant 16 : i32
        %add3A_335 = arith.addi %squeeze3A, %add3A_334 : i32
        %get3A_336 = arith.constant 0 : i32
        %get3A_337 = arith.index_cast %get3A_336 : i32 to index
        %get3A_338 = arith.index_cast %add3A_318 : i32 to index
        %get3A_339 = arith.index_cast %add3A_335 : i32 to index
        %get3A_340 = tpu.vector_load %arg9[%get3A_337, %get3A_338, %get3A_339] {strides = array<i32>} : memref<2x128x128xf32, #tpu.memory_space<vmem>>, vector<1x1x16xf32>,
        %get3A_341 = vector.shape_cast %get3A_340 : vector<1x1x16xf32> to vector<16xf32>
        %swap3A_342 = arith.constant 0 : i32
        %swap3A_343 = arith.index_cast %swap3A_342 : i32 to index
        %swap3A_344 = arith.index_cast %add3A_318 : i32 to index
        %swap3A_345 = arith.constant 16 : index
        %swap3A_346 = tpu.vector_load %arg10[%swap3A_343, %swap3A_344, %swap3A_345] {strides = array<i32>} : memref<2x128x64xf32, #tpu.memory_space<vmem>>, vector<1x1x16xf32>,
        %swap3A_347 = vector.shape_cast %swap3A_346 : vector<1x1x16xf32> to vector<16xf32>
        %swap3A_348 = vector.shape_cast %get3A_341 : vector<16xf32> to vector<1x1x16xf32>
        tpu.vector_store %arg10[%swap3A_343, %swap3A_344, %swap3A_345], %swap3A_348 {strides = array<i32>} : memref<2x128x64xf32, #tpu.memory_space<vmem>>, vector<1x1x16xf32>,
        %add3A_349 = arith.constant 32 : i32
        %add3A_350 = arith.addi %squeeze3A, %add3A_349 : i32
        %get3A_351 = arith.constant 0 : i32
        %get3A_352 = arith.index_cast %get3A_351 : i32 to index
        %get3A_353 = arith.index_cast %add3A_318 : i32 to index
        %get3A_354 = arith.index_cast %add3A_350 : i32 to index
        %get3A_355 = tpu.vector_load %arg9[%get3A_352, %get3A_353, %get3A_354] {strides = array<i32>} : memref<2x128x128xf32, #tpu.memory_space<vmem>>, vector<1x1x16xf32>,
        %get3A_356 = vector.shape_cast %get3A_355 : vector<1x1x16xf32> to vector<16xf32>
        %swap3A_357 = arith.constant 0 : i32
        %swap3A_358 = arith.index_cast %swap3A_357 : i32 to index
        %swap3A_359 = arith.index_cast %add3A_318 : i32 to index
        %swap3A_360 = arith.constant 32 : index
        %swap3A_361 = tpu.vector_load %arg10[%swap3A_358, %swap3A_359, %swap3A_360] {strides = array<i32>} : memref<2x128x64xf32, #tpu.memory_space<vmem>>, vector<1x1x16xf32>,
        %swap3A_362 = vector.shape_cast %swap3A_361 : vector<1x1x16xf32> to vector<16xf32>
        %swap3A_363 = vector.shape_cast %get3A_356 : vector<16xf32> to vector<1x1x16xf32>
        tpu.vector_store %arg10[%swap3A_358, %swap3A_359, %swap3A_360], %swap3A_363 {strides = array<i32>} : memref<2x128x64xf32, #tpu.memory_space<vmem>>, vector<1x1x16xf32>,
        %add3A_364 = arith.constant 48 : i32
        %add3A_365 = arith.addi %squeeze3A, %add3A_364 : i32
        %get3A_366 = arith.constant 0 : i32
        %get3A_367 = arith.index_cast %get3A_366 : i32 to index
        %get3A_368 = arith.index_cast %add3A_318 : i32 to index
        %get3A_369 = arith.index_cast %add3A_365 : i32 to index
        %get3A_370 = tpu.vector_load %arg9[%get3A_367, %get3A_368, %get3A_369] {strides = array<i32>} : memref<2x128x128xf32, #tpu.memory_space<vmem>>, vector<1x1x16xf32>,
        %get3A_371 = vector.shape_cast %get3A_370 : vector<1x1x16xf32> to vector<16xf32>
        %swap3A_372 = arith.constant 0 : i32
        %swap3A_373 = arith.index_cast %swap3A_372 : i32 to index
        %swap3A_374 = arith.index_cast %add3A_318 : i32 to index
        %swap3A_375 = arith.constant 48 : index
        %swap3A_376 = tpu.vector_load %arg10[%swap3A_373, %swap3A_374, %swap3A_375] {strides = array<i32>} : memref<2x128x64xf32, #tpu.memory_space<vmem>>, vector<1x1x16xf32>,
        %swap3A_377 = vector.shape_cast %swap3A_376 : vector<1x1x16xf32> to vector<16xf32>
        %swap3A_378 = vector.shape_cast %get3A_371 : vector<16xf32> to vector<1x1x16xf32>
        tpu.vector_store %arg10[%swap3A_373, %swap3A_374, %swap3A_375], %swap3A_378 {strides = array<i32>} : memref<2x128x64xf32, #tpu.memory_space<vmem>>, vector<1x1x16xf32>,
        %mul3A_379 = arith.constant 16 : i32
        %mul3A_380 = arith.muli %add3A_304, %mul3A_379 : i32
        %add3A_381 = arith.constant 1 : i32
        %add3A_382 = arith.addi %mul3A_380, %add3A_381 : i32
        %slice3A_383 = vector.extract_strided_slice %mul3A_314 {offsets = [1], sizes = [1], strides = [1]} : vector<16xi32> to vector<1xi32>
        %squeeze3A_384 = vector.extract %slice3A_383[0] : i32 from vector<1xi32>
        %add3A_385 = arith.constant 0 : i32
        %add3A_386 = arith.addi %squeeze3A_384, %add3A_385 : i32
        %get3A_387 = arith.constant 0 : i32
        %get3A_388 = arith.index_cast %get3A_387 : i32 to index
        %get3A_389 = arith.index_cast %add3A_382 : i32 to index
        %get3A_390 = arith.index_cast %add3A_386 : i32 to index
        %get3A_391 = tpu.vector_load %arg9[%get3A_388, %get3A_389, %get3A_390] {strides = array<i32>} : memref<2x128x128xf32, #tpu.memory_space<vmem>>, vector<1x1x16xf32>,
        %get3A_392 = vector.shape_cast %get3A_391 : vector<1x1x16xf32> to vector<16xf32>
        %swap3A_393 = arith.constant 0 : i32
        %swap3A_394 = arith.index_cast %swap3A_393 : i32 to index
        %swap3A_395 = arith.index_cast %add3A_382 : i32 to index
        %swap3A_396 = arith.constant 0 : index
        %swap3A_397 = tpu.vector_load %arg10[%swap3A_394, %swap3A_395, %swap3A_396] {strides = array<i32>} : memref<2x128x64xf32, #tpu.memory_space<vmem>>, vector<1x1x16xf32>,
        %swap3A_398 = vector.shape_cast %swap3A_397 : vector<1x1x16xf32> to vector<16xf32>
        %swap3A_399 = vector.shape_cast %get3A_392 : vector<16xf32> to vector<1x1x16xf32>
        tpu.vector_store %arg10[%swap3A_394, %swap3A_395, %swap3A_396], %swap3A_399 {strides = array<i32>} : memref<2x128x64xf32, #tpu.memory_space<vmem>>, vector<1x1x16xf32>,
        %add3A_400 = arith.constant 16 : i32
        %add3A_401 = arith.addi %squeeze3A_384, %add3A_400 : i32
        %get3A_402 = arith.constant 0 : i32
        %get3A_403 = arith.index_cast %get3A_402 : i32 to index
        %get3A_404 = arith.index_cast %add3A_382 : i32 to index
        %get3A_405 = arith.index_cast %add3A_401 : i32 to index
        %get3A_406 = tpu.vector_load %arg9[%get3A_403, %get3A_404, %get3A_405] {strides = array<i32>} : memref<2x128x128xf32, #tpu.memory_space<vmem>>, vector<1x1x16xf32>,
        %get3A_407 = vector.shape_cast %get3A_406 : vector<1x1x16xf32> to vector<16xf32>
        %swap3A_408 = arith.constant 0 : i32
        %swap3A_409 = arith.index_cast %swap3A_408 : i32 to index
        %swap3A_410 = arith.index_cast %add3A_382 : i32 to index
        %swap3A_411 = arith.constant 16 : index
        %swap3A_412 = tpu.vector_load %arg10[%swap3A_409, %swap3A_410, %swap3A_411] {strides = array<i32>} : memref<2x128x64xf32, #tpu.memory_space<vmem>>, vector<1x1x16xf32>,
        %swap3A_413 = vector.shape_cast %swap3A_412 : vector<1x1x16xf32> to vector<16xf32>
        %swap3A_414 = vector.shape_cast %get3A_407 : vector<16xf32> to vector<1x1x16xf32>
        tpu.vector_store %arg10[%swap3A_409, %swap3A_410, %swap3A_411], %swap3A_414 {strides = array<i32>} : memref<2x128x64xf32, #tpu.memory_space<vmem>>, vector<1x1x16xf32>,
        %add3A_415 = arith.constant 32 : i32
        %add3A_416 = arith.addi %squeeze3A_384, %add3A_415 : i32
        %get3A_417 = arith.constant 0 : i32
        %get3A_418 = arith.index_cast %get3A_417 : i32 to index
        %get3A_419 = arith.index_cast %add3A_382 : i32 to index
        %get3A_420 = arith.index_cast %add3A_416 : i32 to index
        %get3A_421 = tpu.vector_load %arg9[%get3A_418, %get3A_419, %get3A_420] {strides = array<i32>} : memref<2x128x128xf32, #tpu.memory_space<vmem>>, vector<1x1x16xf32>,
        %get3A_422 = vector.shape_cast %get3A_421 : vector<1x1x16xf32> to vector<16xf32>
        %swap3A_423 = arith.constant 0 : i32
        %swap3A_424 = arith.index_cast %swap3A_423 : i32 to index
        %swap3A_425 = arith.index_cast %add3A_382 : i32 to index
        %swap3A_426 = arith.constant 32 : index
        %swap3A_427 = tpu.vector_load %arg10[%swap3A_424, %swap3A_425, %swap3A_426] {strides = array<i32>} : memref<2x128x64xf32, #tpu.memory_space<vmem>>, vector<1x1x16xf32>,
        %swap3A_428 = vector.shape_cast %swap3A_427 : vector<1x1x16xf32> to vector<16xf32>
        %swap3A_429 = vector.shape_cast %get3A_422 : vector<16xf32> to vector<1x1x16xf32>
        tpu.vector_store %arg10[%swap3A_424, %swap3A_425, %swap3A_426], %swap3A_429 {strides = array<i32>} : memref<2x128x64xf32, #tpu.memory_space<vmem>>, vector<1x1x16xf32>,
        %add3A_430 = arith.constant 48 : i32
        %add3A_431 = arith.addi %squeeze3A_384, %add3A_430 : i32
        %get3A_432 = arith.constant 0 : i32
        %get3A_433 = arith.index_cast %get3A_432 : i32 to index
        %get3A_434 = arith.index_cast %add3A_382 : i32 to index
        %get3A_435 = arith.index_cast %add3A_431 : i32 to index
        %get3A_436 = tpu.vector_load %arg9[%get3A_433, %get3A_434, %get3A_435] {strides = array<i32>} : memref<2x128x128xf32, #tpu.memory_space<vmem>>, vector<1x1x16xf32>,
        %get3A_437 = vector.shape_cast %get3A_436 : vector<1x1x16xf32> to vector<16xf32>
        %swap3A_438 = arith.constant 0 : i32
        %swap3A_439 = arith.index_cast %swap3A_438 : i32 to index
        %swap3A_440 = arith.index_cast %add3A_382 : i32 to index
        %swap3A_441 = arith.constant 48 : index
        %swap3A_442 = tpu.vector_load %arg10[%swap3A_439, %swap3A_440, %swap3A_441] {strides = array<i32>} : memref<2x128x64xf32, #tpu.memory_space<vmem>>, vector<1x1x16xf32>,
        %swap3A_443 = vector.shape_cast %swap3A_442 : vector<1x1x16xf32> to vector<16xf32>
        %swap3A_444 = vector.shape_cast %get3A_437 : vector<16xf32> to vector<1x1x16xf32>
        tpu.vector_store %arg10[%swap3A_439, %swap3A_440, %swap3A_441], %swap3A_444 {strides = array<i32>} : memref<2x128x64xf32, #tpu.memory_space<vmem>>, vector<1x1x16xf32>,
        %mul3A_445 = arith.constant 16 : i32
        %mul3A_446 = arith.muli %add3A_304, %mul3A_445 : i32
        %add3A_447 = arith.constant 2 : i32
        %add3A_448 = arith.addi %mul3A_446, %add3A_447 : i32
        %slice3A_449 = vector.extract_strided_slice %mul3A_314 {offsets = [2], sizes = [1], strides = [1]} : vector<16xi32> to vector<1xi32>
        %squeeze3A_450 = vector.extract %slice3A_449[0] : i32 from vector<1xi32>
        %add3A_451 = arith.constant 0 : i32
        %add3A_452 = arith.addi %squeeze3A_450, %add3A_451 : i32
        %get3A_453 = arith.constant 0 : i32
        %get3A_454 = arith.index_cast %get3A_453 : i32 to index
        %get3A_455 = arith.index_cast %add3A_448 : i32 to index
        %get3A_456 = arith.index_cast %add3A_452 : i32 to index
        %get3A_457 = tpu.vector_load %arg9[%get3A_454, %get3A_455, %get3A_456] {strides = array<i32>} : memref<2x128x128xf32, #tpu.memory_space<vmem>>, vector<1x1x16xf32>,
        %get3A_458 = vector.shape_cast %get3A_457 : vector<1x1x16xf32> to vector<16xf32>
        %swap3A_459 = arith.constant 0 : i32
        %swap3A_460 = arith.index_cast %swap3A_459 : i32 to index
        %swap3A_461 = arith.index_cast %add3A_448 : i32 to index
        %swap3A_462 = arith.constant 0 : index
        %swap3A_463 = tpu.vector_load %arg10[%swap3A_460, %swap3A_461, %swap3A_462] {strides = array<i32>} : memref<2x128x64xf32, #tpu.memory_space<vmem>>, vector<1x1x16xf32>,
        %swap3A_464 = vector.shape_cast %swap3A_463 : vector<1x1x16xf32> to vector<16xf32>
        %swap3A_465 = vector.shape_cast %get3A_458 : vector<16xf32> to vector<1x1x16xf32>
        tpu.vector_store %arg10[%swap3A_460, %swap3A_461, %swap3A_462], %swap3A_465 {strides = array<i32>} : memref<2x128x64xf32, #tpu.memory_space<vmem>>, vector<1x1x16xf32>,
        %add3A_466 = arith.constant 16 : i32
        %add3A_467 = arith.addi %squeeze3A_450, %add3A_466 : i32
        %get3A_468 = arith.constant 0 : i32
        %get3A_469 = arith.index_cast %get3A_468 : i32 to index
        %get3A_470 = arith.index_cast %add3A_448 : i32 to index
        %get3A_471 = arith.index_cast %add3A_467 : i32 to index
        %get3A_472 = tpu.vector_load %arg9[%get3A_469, %get3A_470, %get3A_471] {strides = array<i32>} : memref<2x128x128xf32, #tpu.memory_space<vmem>>, vector<1x1x16xf32>,
        %get3A_473 = vector.shape_cast %get3A_472 : vector<1x1x16xf32> to vector<16xf32>
        %swap3A_474 = arith.constant 0 : i32
        %swap3A_475 = arith.index_cast %swap3A_474 : i32 to index
        %swap3A_476 = arith.index_cast %add3A_448 : i32 to index
        %swap3A_477 = arith.constant 16 : index
        %swap3A_478 = tpu.vector_load %arg10[%swap3A_475, %swap3A_476, %swap3A_477] {strides = array<i32>} : memref<2x128x64xf32, #tpu.memory_space<vmem>>, vector<1x1x16xf32>,
        %swap3A_479 = vector.shape_cast %swap3A_478 : vector<1x1x16xf32> to vector<16xf32>
        %swap3A_480 = vector.shape_cast %get3A_473 : vector<16xf32> to vector<1x1x16xf32>
        tpu.vector_store %arg10[%swap3A_475, %swap3A_476, %swap3A_477], %swap3A_480 {strides = array<i32>} : memref<2x128x64xf32, #tpu.memory_space<vmem>>, vector<1x1x16xf32>,
        %add3A_481 = arith.constant 32 : i32
        %add3A_482 = arith.addi %squeeze3A_450, %add3A_481 : i32
        %get3A_483 = arith.constant 0 : i32
        %get3A_484 = arith.index_cast %get3A_483 : i32 to index
        %get3A_485 = arith.index_cast %add3A_448 : i32 to index
        %get3A_486 = arith.index_cast %add3A_482 : i32 to index
        %get3A_487 = tpu.vector_load %arg9[%get3A_484, %get3A_485, %get3A_486] {strides = array<i32>} : memref<2x128x128xf32, #tpu.memory_space<vmem>>, vector<1x1x16xf32>,
        %get3A_488 = vector.shape_cast %get3A_487 : vector<1x1x16xf32> to vector<16xf32>
        %swap3A_489 = arith.constant 0 : i32
        %swap3A_490 = arith.index_cast %swap3A_489 : i32 to index
        %swap3A_491 = arith.index_cast %add3A_448 : i32 to index
        %swap3A_492 = arith.constant 32 : index
        %swap3A_493 = tpu.vector_load %arg10[%swap3A_490, %swap3A_491, %swap3A_492] {strides = array<i32>} : memref<2x128x64xf32, #tpu.memory_space<vmem>>, vector<1x1x16xf32>,
        %swap3A_494 = vector.shape_cast %swap3A_493 : vector<1x1x16xf32> to vector<16xf32>
        %swap3A_495 = vector.shape_cast %get3A_488 : vector<16xf32> to vector<1x1x16xf32>
        tpu.vector_store %arg10[%swap3A_490, %swap3A_491, %swap3A_492], %swap3A_495 {strides = array<i32>} : memref<2x128x64xf32, #tpu.memory_space<vmem>>, vector<1x1x16xf32>,
        %add3A_496 = arith.constant 48 : i32
        %add3A_497 = arith.addi %squeeze3A_450, %add3A_496 : i32
        %get3A_498 = arith.constant 0 : i32
        %get3A_499 = arith.index_cast %get3A_498 : i32 to index
        %get3A_500 = arith.index_cast %add3A_448 : i32 to index
        %get3A_501 = arith.index_cast %add3A_497 : i32 to index
        %get3A_502 = tpu.vector_load %arg9[%get3A_499, %get3A_500, %get3A_501] {strides = array<i32>} : memref<2x128x128xf32, #tpu.memory_space<vmem>>, vector<1x1x16xf32>,
        %get3A_503 = vector.shape_cast %get3A_502 : vector<1x1x16xf32> to vector<16xf32>
        %swap3A_504 = arith.constant 0 : i32
        %swap3A_505 = arith.index_cast %swap3A_504 : i32 to index
        %swap3A_506 = arith.index_cast %add3A_448 : i32 to index
        %swap3A_507 = arith.constant 48 : index
        %swap3A_508 = tpu.vector_load %arg10[%swap3A_505, %swap3A_506, %swap3A_507] {strides = array<i32>} : memref<2x128x64xf32, #tpu.memory_space<vmem>>, vector<1x1x16xf32>,
        %swap3A_509 = vector.shape_cast %swap3A_508 : vector<1x1x16xf32> to vector<16xf32>
        %swap3A_510 = vector.shape_cast %get3A_503 : vector<16xf32> to vector<1x1x16xf32>
        tpu.vector_store %arg10[%swap3A_505, %swap3A_506, %swap3A_507], %swap3A_510 {strides = array<i32>} : memref<2x128x64xf32, #tpu.memory_space<vmem>>, vector<1x1x16xf32>,
        %mul3A_511 = arith.constant 16 : i32
        %mul3A_512 = arith.muli %add3A_304, %mul3A_511 : i32
        %add3A_513 = arith.constant 3 : i32
        %add3A_514 = arith.addi %mul3A_512, %add3A_513 : i32
        %slice3A_515 = vector.extract_strided_slice %mul3A_314 {offsets = [3], sizes = [1], strides = [1]} : vector<16xi32> to vector<1xi32>
        %squeeze3A_516 = vector.extract %slice3A_515[0] : i32 from vector<1xi32>
        %add3A_517 = arith.constant 0 : i32
        %add3A_518 = arith.addi %squeeze3A_516, %add3A_517 : i32
        %get3A_519 = arith.constant 0 : i32
        %get3A_520 = arith.index_cast %get3A_519 : i32 to index
        %get3A_521 = arith.index_cast %add3A_514 : i32 to index
        %get3A_522 = arith.index_cast %add3A_518 : i32 to index
        %get3A_523 = tpu.vector_load %arg9[%get3A_520, %get3A_521, %get3A_522] {strides = array<i32>} : memref<2x128x128xf32, #tpu.memory_space<vmem>>, vector<1x1x16xf32>,
        %get3A_524 = vector.shape_cast %get3A_523 : vector<1x1x16xf32> to vector<16xf32>
        %swap3A_525 = arith.constant 0 : i32
        %swap3A_526 = arith.index_cast %swap3A_525 : i32 to index
        %swap3A_527 = arith.index_cast %add3A_514 : i32 to index
        %swap3A_528 = arith.constant 0 : index
        %swap3A_529 = tpu.vector_load %arg10[%swap3A_526, %swap3A_527, %swap3A_528] {strides = array<i32>} : memref<2x128x64xf32, #tpu.memory_space<vmem>>, vector<1x1x16xf32>,
        %swap3A_530 = vector.shape_cast %swap3A_529 : vector<1x1x16xf32> to vector<16xf32>
        %swap3A_531 = vector.shape_cast %get3A_524 : vector<16xf32> to vector<1x1x16xf32>
        tpu.vector_store %arg10[%swap3A_526, %swap3A_527, %swap3A_528], %swap3A_531 {strides = array<i32>} : memref<2x128x64xf32, #tpu.memory_space<vmem>>, vector<1x1x16xf32>,
        %add3A_532 = arith.constant 16 : i32
        %add3A_533 = arith.addi %squeeze3A_516, %add3A_532 : i32
        %get3A_534 = arith.constant 0 : i32
        %get3A_535 = arith.index_cast %get3A_534 : i32 to index
        %get3A_536 = arith.index_cast %add3A_514 : i32 to index
        %get3A_537 = arith.index_cast %add3A_533 : i32 to index
        %get3A_538 = tpu.vector_load %arg9[%get3A_535, %get3A_536, %get3A_537] {strides = array<i32>} : memref<2x128x128xf32, #tpu.memory_space<vmem>>, vector<1x1x16xf32>,
        %get3A_539 = vector.shape_cast %get3A_538 : vector<1x1x16xf32> to vector<16xf32>
        %swap3A_540 = arith.constant 0 : i32
        %swap3A_541 = arith.index_cast %swap3A_540 : i32 to index
        %swap3A_542 = arith.index_cast %add3A_514 : i32 to index
        %swap3A_543 = arith.constant 16 : index
        %swap3A_544 = tpu.vector_load %arg10[%swap3A_541, %swap3A_542, %swap3A_543] {strides = array<i32>} : memref<2x128x64xf32, #tpu.memory_space<vmem>>, vector<1x1x16xf32>,
        %swap3A_545 = vector.shape_cast %swap3A_544 : vector<1x1x16xf32> to vector<16xf32>
        %swap3A_546 = vector.shape_cast %get3A_539 : vector<16xf32> to vector<1x1x16xf32>
        tpu.vector_store %arg10[%swap3A_541, %swap3A_542, %swap3A_543], %swap3A_546 {strides = array<i32>} : memref<2x128x64xf32, #tpu.memory_space<vmem>>, vector<1x1x16xf32>,
        %add3A_547 = arith.constant 32 : i32
        %add3A_548 = arith.addi %squeeze3A_516, %add3A_547 : i32
        %get3A_549 = arith.constant 0 : i32
        %get3A_550 = arith.index_cast %get3A_549 : i32 to index
        %get3A_551 = arith.index_cast %add3A_514 : i32 to index
        %get3A_552 = arith.index_cast %add3A_548 : i32 to index
        %get3A_553 = tpu.vector_load %arg9[%get3A_550, %get3A_551, %get3A_552] {strides = array<i32>} : memref<2x128x128xf32, #tpu.memory_space<vmem>>, vector<1x1x16xf32>,
        %get3A_554 = vector.shape_cast %get3A_553 : vector<1x1x16xf32> to vector<16xf32>
        %swap3A_555 = arith.constant 0 : i32
        %swap3A_556 = arith.index_cast %swap3A_555 : i32 to index
        %swap3A_557 = arith.index_cast %add3A_514 : i32 to index
        %swap3A_558 = arith.constant 32 : index
        %swap3A_559 = tpu.vector_load %arg10[%swap3A_556, %swap3A_557, %swap3A_558] {strides = array<i32>} : memref<2x128x64xf32, #tpu.memory_space<vmem>>, vector<1x1x16xf32>,
        %swap3A_560 = vector.shape_cast %swap3A_559 : vector<1x1x16xf32> to vector<16xf32>
        %swap3A_561 = vector.shape_cast %get3A_554 : vector<16xf32> to vector<1x1x16xf32>
        tpu.vector_store %arg10[%swap3A_556, %swap3A_557, %swap3A_558], %swap3A_561 {strides = array<i32>} : memref<2x128x64xf32, #tpu.memory_space<vmem>>, vector<1x1x16xf32>,
        %add3A_562 = arith.constant 48 : i32
        %add3A_563 = arith.addi %squeeze3A_516, %add3A_562 : i32
        %get3A_564 = arith.constant 0 : i32
        %get3A_565 = arith.index_cast %get3A_564 : i32 to index
        %get3A_566 = arith.index_cast %add3A_514 : i32 to index
        %get3A_567 = arith.index_cast %add3A_563 : i32 to index
        %get3A_568 = tpu.vector_load %arg9[%get3A_565, %get3A_566, %get3A_567] {strides = array<i32>} : memref<2x128x128xf32, #tpu.memory_space<vmem>>, vector<1x1x16xf32>,
        %get3A_569 = vector.shape_cast %get3A_568 : vector<1x1x16xf32> to vector<16xf32>
        %swap3A_570 = arith.constant 0 : i32
        %swap3A_571 = arith.index_cast %swap3A_570 : i32 to index
        %swap3A_572 = arith.index_cast %add3A_514 : i32 to index
        %swap3A_573 = arith.constant 48 : index
        %swap3A_574 = tpu.vector_load %arg10[%swap3A_571, %swap3A_572, %swap3A_573] {strides = array<i32>} : memref<2x128x64xf32, #tpu.memory_space<vmem>>, vector<1x1x16xf32>,
        %swap3A_575 = vector.shape_cast %swap3A_574 : vector<1x1x16xf32> to vector<16xf32>
        %swap3A_576 = vector.shape_cast %get3A_569 : vector<16xf32> to vector<1x1x16xf32>
        tpu.vector_store %arg10[%swap3A_571, %swap3A_572, %swap3A_573], %swap3A_576 {strides = array<i32>} : memref<2x128x64xf32, #tpu.memory_space<vmem>>, vector<1x1x16xf32>,
        %mul3A_577 = arith.constant 16 : i32
        %mul3A_578 = arith.muli %add3A_304, %mul3A_577 : i32
        %add3A_579 = arith.constant 4 : i32
        %add3A_580 = arith.addi %mul3A_578, %add3A_579 : i32
        %slice3A_581 = vector.extract_strided_slice %mul3A_314 {offsets = [4], sizes = [1], strides = [1]} : vector<16xi32> to vector<1xi32>
        %squeeze3A_582 = vector.extract %slice3A_581[0] : i32 from vector<1xi32>
        %add3A_583 = arith.constant 0 : i32
        %add3A_584 = arith.addi %squeeze3A_582, %add3A_583 : i32
        %get3A_585 = arith.constant 0 : i32
        %get3A_586 = arith.index_cast %get3A_585 : i32 to index
        %get3A_587 = arith.index_cast %add3A_580 : i32 to index
        %get3A_588 = arith.index_cast %add3A_584 : i32 to index
        %get3A_589 = tpu.vector_load %arg9[%get3A_586, %get3A_587, %get3A_588] {strides = array<i32>} : memref<2x128x128xf32, #tpu.memory_space<vmem>>, vector<1x1x16xf32>,
        %get3A_590 = vector.shape_cast %get3A_589 : vector<1x1x16xf32> to vector<16xf32>
        %swap3A_591 = arith.constant 0 : i32
        %swap3A_592 = arith.index_cast %swap3A_591 : i32 to index
        %swap3A_593 = arith.index_cast %add3A_580 : i32 to index
        %swap3A_594 = arith.constant 0 : index
        %swap3A_595 = tpu.vector_load %arg10[%swap3A_592, %swap3A_593, %swap3A_594] {strides = array<i32>} : memref<2x128x64xf32, #tpu.memory_space<vmem>>, vector<1x1x16xf32>,
        %swap3A_596 = vector.shape_cast %swap3A_595 : vector<1x1x16xf32> to vector<16xf32>
        %swap3A_597 = vector.shape_cast %get3A_590 : vector<16xf32> to vector<1x1x16xf32>
        tpu.vector_store %arg10[%swap3A_592, %swap3A_593, %swap3A_594], %swap3A_597 {strides = array<i32>} : memref<2x128x64xf32, #tpu.memory_space<vmem>>, vector<1x1x16xf32>,
        %add3A_598 = arith.constant 16 : i32
        %add3A_599 = arith.addi %squeeze3A_582, %add3A_598 : i32
        %get3A_600 = arith.constant 0 : i32
        %get3A_601 = arith.index_cast %get3A_600 : i32 to index
        %get3A_602 = arith.index_cast %add3A_580 : i32 to index
        %get3A_603 = arith.index_cast %add3A_599 : i32 to index
        %get3A_604 = tpu.vector_load %arg9[%get3A_601, %get3A_602, %get3A_603] {strides = array<i32>} : memref<2x128x128xf32, #tpu.memory_space<vmem>>, vector<1x1x16xf32>,
        %get3A_605 = vector.shape_cast %get3A_604 : vector<1x1x16xf32> to vector<16xf32>
        %swap3A_606 = arith.constant 0 : i32
        %swap3A_607 = arith.index_cast %swap3A_606 : i32 to index
        %swap3A_608 = arith.index_cast %add3A_580 : i32 to index
        %swap3A_609 = arith.constant 16 : index
        %swap3A_610 = tpu.vector_load %arg10[%swap3A_607, %swap3A_608, %swap3A_609] {strides = array<i32>} : memref<2x128x64xf32, #tpu.memory_space<vmem>>, vector<1x1x16xf32>,
        %swap3A_611 = vector.shape_cast %swap3A_610 : vector<1x1x16xf32> to vector<16xf32>
        %swap3A_612 = vector.shape_cast %get3A_605 : vector<16xf32> to vector<1x1x16xf32>
        tpu.vector_store %arg10[%swap3A_607, %swap3A_608, %swap3A_609], %swap3A_612 {strides = array<i32>} : memref<2x128x64xf32, #tpu.memory_space<vmem>>, vector<1x1x16xf32>,
        %add3A_613 = arith.constant 32 : i32
        %add3A_614 = arith.addi %squeeze3A_582, %add3A_613 : i32
        %get3A_615 = arith.constant 0 : i32
        %get3A_616 = arith.index_cast %get3A_615 : i32 to index
        %get3A_617 = arith.index_cast %add3A_580 : i32 to index
        %get3A_618 = arith.index_cast %add3A_614 : i32 to index
        %get3A_619 = tpu.vector_load %arg9[%get3A_616, %get3A_617, %get3A_618] {strides = array<i32>} : memref<2x128x128xf32, #tpu.memory_space<vmem>>, vector<1x1x16xf32>,
        %get3A_620 = vector.shape_cast %get3A_619 : vector<1x1x16xf32> to vector<16xf32>
        %swap3A_621 = arith.constant 0 : i32
        %swap3A_622 = arith.index_cast %swap3A_621 : i32 to index
        %swap3A_623 = arith.index_cast %add3A_580 : i32 to index
        %swap3A_624 = arith.constant 32 : index
        %swap3A_625 = tpu.vector_load %arg10[%swap3A_622, %swap3A_623, %swap3A_624] {strides = array<i32>} : memref<2x128x64xf32, #tpu.memory_space<vmem>>, vector<1x1x16xf32>,
        %swap3A_626 = vector.shape_cast %swap3A_625 : vector<1x1x16xf32> to vector<16xf32>
        %swap3A_627 = vector.shape_cast %get3A_620 : vector<16xf32> to vector<1x1x16xf32>
        tpu.vector_store %arg10[%swap3A_622, %swap3A_623, %swap3A_624], %swap3A_627 {strides = array<i32>} : memref<2x128x64xf32, #tpu.memory_space<vmem>>, vector<1x1x16xf32>,
        %add3A_628 = arith.constant 48 : i32
        %add3A_629 = arith.addi %squeeze3A_582, %add3A_628 : i32
        %get3A_630 = arith.constant 0 : i32
        %get3A_631 = arith.index_cast %get3A_630 : i32 to index
        %get3A_632 = arith.index_cast %add3A_580 : i32 to index
        %get3A_633 = arith.index_cast %add3A_629 : i32 to index
        %get3A_634 = tpu.vector_load %arg9[%get3A_631, %get3A_632, %get3A_633] {strides = array<i32>} : memref<2x128x128xf32, #tpu.memory_space<vmem>>, vector<1x1x16xf32>,
        %get3A_635 = vector.shape_cast %get3A_634 : vector<1x1x16xf32> to vector<16xf32>
        %swap3A_636 = arith.constant 0 : i32
        %swap3A_637 = arith.index_cast %swap3A_636 : i32 to index
        %swap3A_638 = arith.index_cast %add3A_580 : i32 to index
        %swap3A_639 = arith.constant 48 : index
        %swap3A_640 = tpu.vector_load %arg10[%swap3A_637, %swap3A_638, %swap3A_639] {strides = array<i32>} : memref<2x128x64xf32, #tpu.memory_space<vmem>>, vector<1x1x16xf32>,
        %swap3A_641 = vector.shape_cast %swap3A_640 : vector<1x1x16xf32> to vector<16xf32>
        %swap3A_642 = vector.shape_cast %get3A_635 : vector<16xf32> to vector<1x1x16xf32>
        tpu.vector_store %arg10[%swap3A_637, %swap3A_638, %swap3A_639], %swap3A_642 {strides = array<i32>} : memref<2x128x64xf32, #tpu.memory_space<vmem>>, vector<1x1x16xf32>,
        %mul3A_643 = arith.constant 16 : i32
        %mul3A_644 = arith.muli %add3A_304, %mul3A_643 : i32
        %add3A_645 = arith.constant 5 : i32
        %add3A_646 = arith.addi %mul3A_644, %add3A_645 : i32
        %slice3A_647 = vector.extract_strided_slice %mul3A_314 {offsets = [5], sizes = [1], strides = [1]} : vector<16xi32> to vector<1xi32>
        %squeeze3A_648 = vector.extract %slice3A_647[0] : i32 from vector<1xi32>
        %add3A_649 = arith.constant 0 : i32
        %add3A_650 = arith.addi %squeeze3A_648, %add3A_649 : i32
        %get3A_651 = arith.constant 0 : i32
        %get3A_652 = arith.index_cast %get3A_651 : i32 to index
        %get3A_653 = arith.index_cast %add3A_646 : i32 to index
        %get3A_654 = arith.index_cast %add3A_650 : i32 to index
        %get3A_655 = tpu.vector_load %arg9[%get3A_652, %get3A_653, %get3A_654] {strides = array<i32>} : memref<2x128x128xf32, #tpu.memory_space<vmem>>, vector<1x1x16xf32>,
        %get3A_656 = vector.shape_cast %get3A_655 : vector<1x1x16xf32> to vector<16xf32>
        %swap3A_657 = arith.constant 0 : i32
        %swap3A_658 = arith.index_cast %swap3A_657 : i32 to index
        %swap3A_659 = arith.index_cast %add3A_646 : i32 to index
        %swap3A_660 = arith.constant 0 : index
        %swap3A_661 = tpu.vector_load %arg10[%swap3A_658, %swap3A_659, %swap3A_660] {strides = array<i32>} : memref<2x128x64xf32, #tpu.memory_space<vmem>>, vector<1x1x16xf32>,
        %swap3A_662 = vector.shape_cast %swap3A_661 : vector<1x1x16xf32> to vector<16xf32>
        %swap3A_663 = vector.shape_cast %get3A_656 : vector<16xf32> to vector<1x1x16xf32>
        tpu.vector_store %arg10[%swap3A_658, %swap3A_659, %swap3A_660], %swap3A_663 {strides = array<i32>} : memref<2x128x64xf32, #tpu.memory_space<vmem>>, vector<1x1x16xf32>,
        %add3A_664 = arith.constant 16 : i32
        %add3A_665 = arith.addi %squeeze3A_648, %add3A_664 : i32
        %get3A_666 = arith.constant 0 : i32
        %get3A_667 = arith.index_cast %get3A_666 : i32 to index
        %get3A_668 = arith.index_cast %add3A_646 : i32 to index
        %get3A_669 = arith.index_cast %add3A_665 : i32 to index
        %get3A_670 = tpu.vector_load %arg9[%get3A_667, %get3A_668, %get3A_669] {strides = array<i32>} : memref<2x128x128xf32, #tpu.memory_space<vmem>>, vector<1x1x16xf32>,
        %get3A_671 = vector.shape_cast %get3A_670 : vector<1x1x16xf32> to vector<16xf32>
        %swap3A_672 = arith.constant 0 : i32
        %swap3A_673 = arith.index_cast %swap3A_672 : i32 to index
        %swap3A_674 = arith.index_cast %add3A_646 : i32 to index
        %swap3A_675 = arith.constant 16 : index
        %swap3A_676 = tpu.vector_load %arg10[%swap3A_673, %swap3A_674, %swap3A_675] {strides = array<i32>} : memref<2x128x64xf32, #tpu.memory_space<vmem>>, vector<1x1x16xf32>,
        %swap3A_677 = vector.shape_cast %swap3A_676 : vector<1x1x16xf32> to vector<16xf32>
        %swap3A_678 = vector.shape_cast %get3A_671 : vector<16xf32> to vector<1x1x16xf32>
        tpu.vector_store %arg10[%swap3A_673, %swap3A_674, %swap3A_675], %swap3A_678 {strides = array<i32>} : memref<2x128x64xf32, #tpu.memory_space<vmem>>, vector<1x1x16xf32>,
        %add3A_679 = arith.constant 32 : i32
        %add3A_680 = arith.addi %squeeze3A_648, %add3A_679 : i32
        %get3A_681 = arith.constant 0 : i32
        %get3A_682 = arith.index_cast %get3A_681 : i32 to index
        %get3A_683 = arith.index_cast %add3A_646 : i32 to index
        %get3A_684 = arith.index_cast %add3A_680 : i32 to index
        %get3A_685 = tpu.vector_load %arg9[%get3A_682, %get3A_683, %get3A_684] {strides = array<i32>} : memref<2x128x128xf32, #tpu.memory_space<vmem>>, vector<1x1x16xf32>,
        %get3A_686 = vector.shape_cast %get3A_685 : vector<1x1x16xf32> to vector<16xf32>
        %swap3A_687 = arith.constant 0 : i32
        %swap3A_688 = arith.index_cast %swap3A_687 : i32 to index
        %swap3A_689 = arith.index_cast %add3A_646 : i32 to index
        %swap3A_690 = arith.constant 32 : index
        %swap3A_691 = tpu.vector_load %arg10[%swap3A_688, %swap3A_689, %swap3A_690] {strides = array<i32>} : memref<2x128x64xf32, #tpu.memory_space<vmem>>, vector<1x1x16xf32>,
        %swap3A_692 = vector.shape_cast %swap3A_691 : vector<1x1x16xf32> to vector<16xf32>
        %swap3A_693 = vector.shape_cast %get3A_686 : vector<16xf32> to vector<1x1x16xf32>
        tpu.vector_store %arg10[%swap3A_688, %swap3A_689, %swap3A_690], %swap3A_693 {strides = array<i32>} : memref<2x128x64xf32, #tpu.memory_space<vmem>>, vector<1x1x16xf32>,
        %add3A_694 = arith.constant 48 : i32
        %add3A_695 = arith.addi %squeeze3A_648, %add3A_694 : i32
        %get3A_696 = arith.constant 0 : i32
        %get3A_697 = arith.index_cast %get3A_696 : i32 to index
        %get3A_698 = arith.index_cast %add3A_646 : i32 to index
        %get3A_699 = arith.index_cast %add3A_695 : i32 to index
        %get3A_700 = tpu.vector_load %arg9[%get3A_697, %get3A_698, %get3A_699] {strides = array<i32>} : memref<2x128x128xf32, #tpu.memory_space<vmem>>, vector<1x1x16xf32>,
        %get3A_701 = vector.shape_cast %get3A_700 : vector<1x1x16xf32> to vector<16xf32>
        %swap3A_702 = arith.constant 0 : i32
        %swap3A_703 = arith.index_cast %swap3A_702 : i32 to index
        %swap3A_704 = arith.index_cast %add3A_646 : i32 to index
        %swap3A_705 = arith.constant 48 : index
        %swap3A_706 = tpu.vector_load %arg10[%swap3A_703, %swap3A_704, %swap3A_705] {strides = array<i32>} : memref<2x128x64xf32, #tpu.memory_space<vmem>>, vector<1x1x16xf32>,
        %swap3A_707 = vector.shape_cast %swap3A_706 : vector<1x1x16xf32> to vector<16xf32>
        %swap3A_708 = vector.shape_cast %get3A_701 : vector<16xf32> to vector<1x1x16xf32>
        tpu.vector_store %arg10[%swap3A_703, %swap3A_704, %swap3A_705], %swap3A_708 {strides = array<i32>} : memref<2x128x64xf32, #tpu.memory_space<vmem>>, vector<1x1x16xf32>,
        %mul3A_709 = arith.constant 16 : i32
        %mul3A_710 = arith.muli %add3A_304, %mul3A_709 : i32
        %add3A_711 = arith.constant 6 : i32
        %add3A_712 = arith.addi %mul3A_710, %add3A_711 : i32
        %slice3A_713 = vector.extract_strided_slice %mul3A_314 {offsets = [6], sizes = [1], strides = [1]} : vector<16xi32> to vector<1xi32>
        %squeeze3A_714 = vector.extract %slice3A_713[0] : i32 from vector<1xi32>
        %add3A_715 = arith.constant 0 : i32
        %add3A_716 = arith.addi %squeeze3A_714, %add3A_715 : i32
        %get3A_717 = arith.constant 0 : i32
        %get3A_718 = arith.index_cast %get3A_717 : i32 to index
        %get3A_719 = arith.index_cast %add3A_712 : i32 to index
        %get3A_720 = arith.index_cast %add3A_716 : i32 to index
        %get3A_721 = tpu.vector_load %arg9[%get3A_718, %get3A_719, %get3A_720] {strides = array<i32>} : memref<2x128x128xf32, #tpu.memory_space<vmem>>, vector<1x1x16xf32>,
        %get3A_722 = vector.shape_cast %get3A_721 : vector<1x1x16xf32> to vector<16xf32>
        %swap3A_723 = arith.constant 0 : i32
        %swap3A_724 = arith.index_cast %swap3A_723 : i32 to index
        %swap3A_725 = arith.index_cast %add3A_712 : i32 to index
        %swap3A_726 = arith.constant 0 : index
        %swap3A_727 = tpu.vector_load %arg10[%swap3A_724, %swap3A_725, %swap3A_726] {strides = array<i32>} : memref<2x128x64xf32, #tpu.memory_space<vmem>>, vector<1x1x16xf32>,
        %swap3A_728 = vector.shape_cast %swap3A_727 : vector<1x1x16xf32> to vector<16xf32>
        %swap3A_729 = vector.shape_cast %get3A_722 : vector<16xf32> to vector<1x1x16xf32>
        tpu.vector_store %arg10[%swap3A_724, %swap3A_725, %swap3A_726], %swap3A_729 {strides = array<i32>} : memref<2x128x64xf32, #tpu.memory_space<vmem>>, vector<1x1x16xf32>,
        %add3A_730 = arith.constant 16 : i32
        %add3A_731 = arith.addi %squeeze3A_714, %add3A_730 : i32
        %get3A_732 = arith.constant 0 : i32
        %get3A_733 = arith.index_cast %get3A_732 : i32 to index
        %get3A_734 = arith.index_cast %add3A_712 : i32 to index
        %get3A_735 = arith.index_cast %add3A_731 : i32 to index
        %get3A_736 = tpu.vector_load %arg9[%get3A_733, %get3A_734, %get3A_735] {strides = array<i32>} : memref<2x128x128xf32, #tpu.memory_space<vmem>>, vector<1x1x16xf32>,
        %get3A_737 = vector.shape_cast %get3A_736 : vector<1x1x16xf32> to vector<16xf32>
        %swap3A_738 = arith.constant 0 : i32
        %swap3A_739 = arith.index_cast %swap3A_738 : i32 to index
        %swap3A_740 = arith.index_cast %add3A_712 : i32 to index
        %swap3A_741 = arith.constant 16 : index
        %swap3A_742 = tpu.vector_load %arg10[%swap3A_739, %swap3A_740, %swap3A_741] {strides = array<i32>} : memref<2x128x64xf32, #tpu.memory_space<vmem>>, vector<1x1x16xf32>,
        %swap3A_743 = vector.shape_cast %swap3A_742 : vector<1x1x16xf32> to vector<16xf32>
        %swap3A_744 = vector.shape_cast %get3A_737 : vector<16xf32> to vector<1x1x16xf32>
        tpu.vector_store %arg10[%swap3A_739, %swap3A_740, %swap3A_741], %swap3A_744 {strides = array<i32>} : memref<2x128x64xf32, #tpu.memory_space<vmem>>, vector<1x1x16xf32>,
        %add3A_745 = arith.constant 32 : i32
        %add3A_746 = arith.addi %squeeze3A_714, %add3A_745 : i32
        %get3A_747 = arith.constant 0 : i32
        %get3A_748 = arith.index_cast %get3A_747 : i32 to index
        %get3A_749 = arith.index_cast %add3A_712 : i32 to index
        %get3A_750 = arith.index_cast %add3A_746 : i32 to index
        %get3A_751 = tpu.vector_load %arg9[%get3A_748, %get3A_749, %get3A_750] {strides = array<i32>} : memref<2x128x128xf32, #tpu.memory_space<vmem>>, vector<1x1x16xf32>,
        %get3A_752 = vector.shape_cast %get3A_751 : vector<1x1x16xf32> to vector<16xf32>
        %swap3A_753 = arith.constant 0 : i32
        %swap3A_754 = arith.index_cast %swap3A_753 : i32 to index
        %swap3A_755 = arith.index_cast %add3A_712 : i32 to index
        %swap3A_756 = arith.constant 32 : index
        %swap3A_757 = tpu.vector_load %arg10[%swap3A_754, %swap3A_755, %swap3A_756] {strides = array<i32>} : memref<2x128x64xf32, #tpu.memory_space<vmem>>, vector<1x1x16xf32>,
        %swap3A_758 = vector.shape_cast %swap3A_757 : vector<1x1x16xf32> to vector<16xf32>
        %swap3A_759 = vector.shape_cast %get3A_752 : vector<16xf32> to vector<1x1x16xf32>
        tpu.vector_store %arg10[%swap3A_754, %swap3A_755, %swap3A_756], %swap3A_759 {strides = array<i32>} : memref<2x128x64xf32, #tpu.memory_space<vmem>>, vector<1x1x16xf32>,
        %add3A_760 = arith.constant 48 : i32
        %add3A_761 = arith.addi %squeeze3A_714, %add3A_760 : i32
        %get3A_762 = arith.constant 0 : i32
        %get3A_763 = arith.index_cast %get3A_762 : i32 to index
        %get3A_764 = arith.index_cast %add3A_712 : i32 to index
        %get3A_765 = arith.index_cast %add3A_761 : i32 to index
        %get3A_766 = tpu.vector_load %arg9[%get3A_763, %get3A_764, %get3A_765] {strides = array<i32>} : memref<2x128x128xf32, #tpu.memory_space<vmem>>, vector<1x1x16xf32>,
        %get3A_767 = vector.shape_cast %get3A_766 : vector<1x1x16xf32> to vector<16xf32>
        %swap3A_768 = arith.constant 0 : i32
        %swap3A_769 = arith.index_cast %swap3A_768 : i32 to index
        %swap3A_770 = arith.index_cast %add3A_712 : i32 to index
        %swap3A_771 = arith.constant 48 : index
        %swap3A_772 = tpu.vector_load %arg10[%swap3A_769, %swap3A_770, %swap3A_771] {strides = array<i32>} : memref<2x128x64xf32, #tpu.memory_space<vmem>>, vector<1x1x16xf32>,
        %swap3A_773 = vector.shape_cast %swap3A_772 : vector<1x1x16xf32> to vector<16xf32>
        %swap3A_774 = vector.shape_cast %get3A_767 : vector<16xf32> to vector<1x1x16xf32>
        tpu.vector_store %arg10[%swap3A_769, %swap3A_770, %swap3A_771], %swap3A_774 {strides = array<i32>} : memref<2x128x64xf32, #tpu.memory_space<vmem>>, vector<1x1x16xf32>,
        %mul3A_775 = arith.constant 16 : i32
        %mul3A_776 = arith.muli %add3A_304, %mul3A_775 : i32
        %add3A_777 = arith.constant 7 : i32
        %add3A_778 = arith.addi %mul3A_776, %add3A_777 : i32
        %slice3A_779 = vector.extract_strided_slice %mul3A_314 {offsets = [7], sizes = [1], strides = [1]} : vector<16xi32> to vector<1xi32>
        %squeeze3A_780 = vector.extract %slice3A_779[0] : i32 from vector<1xi32>
        %add3A_781 = arith.constant 0 : i32
        %add3A_782 = arith.addi %squeeze3A_780, %add3A_781 : i32
        %get3A_783 = arith.constant 0 : i32
        %get3A_784 = arith.index_cast %get3A_783 : i32 to index
        %get3A_785 = arith.index_cast %add3A_778 : i32 to index
        %get3A_786 = arith.index_cast %add3A_782 : i32 to index
        %get3A_787 = tpu.vector_load %arg9[%get3A_784, %get3A_785, %get3A_786] {strides = array<i32>} : memref<2x128x128xf32, #tpu.memory_space<vmem>>, vector<1x1x16xf32>,
        %get3A_788 = vector.shape_cast %get3A_787 : vector<1x1x16xf32> to vector<16xf32>
        %swap3A_789 = arith.constant 0 : i32
        %swap3A_790 = arith.index_cast %swap3A_789 : i32 to index
        %swap3A_791 = arith.index_cast %add3A_778 : i32 to index
        %swap3A_792 = arith.constant 0 : index
        %swap3A_793 = tpu.vector_load %arg10[%swap3A_790, %swap3A_791, %swap3A_792] {strides = array<i32>} : memref<2x128x64xf32, #tpu.memory_space<vmem>>, vector<1x1x16xf32>,
        %swap3A_794 = vector.shape_cast %swap3A_793 : vector<1x1x16xf32> to vector<16xf32>
        %swap3A_795 = vector.shape_cast %get3A_788 : vector<16xf32> to vector<1x1x16xf32>
        tpu.vector_store %arg10[%swap3A_790, %swap3A_791, %swap3A_792], %swap3A_795 {strides = array<i32>} : memref<2x128x64xf32, #tpu.memory_space<vmem>>, vector<1x1x16xf32>,
        %add3A_796 = arith.constant 16 : i32
        %add3A_797 = arith.addi %squeeze3A_780, %add3A_796 : i32
        %get3A_798 = arith.constant 0 : i32
        %get3A_799 = arith.index_cast %get3A_798 : i32 to index
        %get3A_800 = arith.index_cast %add3A_778 : i32 to index
        %get3A_801 = arith.index_cast %add3A_797 : i32 to index
        %get3A_802 = tpu.vector_load %arg9[%get3A_799, %get3A_800, %get3A_801] {strides = array<i32>} : memref<2x128x128xf32, #tpu.memory_space<vmem>>, vector<1x1x16xf32>,
        %get3A_803 = vector.shape_cast %get3A_802 : vector<1x1x16xf32> to vector<16xf32>
        %swap3A_804 = arith.constant 0 : i32
        %swap3A_805 = arith.index_cast %swap3A_804 : i32 to index
        %swap3A_806 = arith.index_cast %add3A_778 : i32 to index
        %swap3A_807 = arith.constant 16 : index
        %swap3A_808 = tpu.vector_load %arg10[%swap3A_805, %swap3A_806, %swap3A_807] {strides = array<i32>} : memref<2x128x64xf32, #tpu.memory_space<vmem>>, vector<1x1x16xf32>,
        %swap3A_809 = vector.shape_cast %swap3A_808 : vector<1x1x16xf32> to vector<16xf32>
        %swap3A_810 = vector.shape_cast %get3A_803 : vector<16xf32> to vector<1x1x16xf32>
        tpu.vector_store %arg10[%swap3A_805, %swap3A_806, %swap3A_807], %swap3A_810 {strides = array<i32>} : memref<2x128x64xf32, #tpu.memory_space<vmem>>, vector<1x1x16xf32>,
        %add3A_811 = arith.constant 32 : i32
        %add3A_812 = arith.addi %squeeze3A_780, %add3A_811 : i32
        %get3A_813 = arith.constant 0 : i32
        %get3A_814 = arith.index_cast %get3A_813 : i32 to index
        %get3A_815 = arith.index_cast %add3A_778 : i32 to index
        %get3A_816 = arith.index_cast %add3A_812 : i32 to index
        %get3A_817 = tpu.vector_load %arg9[%get3A_814, %get3A_815, %get3A_816] {strides = array<i32>} : memref<2x128x128xf32, #tpu.memory_space<vmem>>, vector<1x1x16xf32>,
        %get3A_818 = vector.shape_cast %get3A_817 : vector<1x1x16xf32> to vector<16xf32>
        %swap3A_819 = arith.constant 0 : i32
        %swap3A_820 = arith.index_cast %swap3A_819 : i32 to index
        %swap3A_821 = arith.index_cast %add3A_778 : i32 to index
        %swap3A_822 = arith.constant 32 : index
        %swap3A_823 = tpu.vector_load %arg10[%swap3A_820, %swap3A_821, %swap3A_822] {strides = array<i32>} : memref<2x128x64xf32, #tpu.memory_space<vmem>>, vector<1x1x16xf32>,
        %swap3A_824 = vector.shape_cast %swap3A_823 : vector<1x1x16xf32> to vector<16xf32>
        %swap3A_825 = vector.shape_cast %get3A_818 : vector<16xf32> to vector<1x1x16xf32>
        tpu.vector_store %arg10[%swap3A_820, %swap3A_821, %swap3A_822], %swap3A_825 {strides = array<i32>} : memref<2x128x64xf32, #tpu.memory_space<vmem>>, vector<1x1x16xf32>,
        %add3A_826 = arith.constant 48 : i32
        %add3A_827 = arith.addi %squeeze3A_780, %add3A_826 : i32
        %get3A_828 = arith.constant 0 : i32
        %get3A_829 = arith.index_cast %get3A_828 : i32 to index
        %get3A_830 = arith.index_cast %add3A_778 : i32 to index
        %get3A_831 = arith.index_cast %add3A_827 : i32 to index
        %get3A_832 = tpu.vector_load %arg9[%get3A_829, %get3A_830, %get3A_831] {strides = array<i32>} : memref<2x128x128xf32, #tpu.memory_space<vmem>>, vector<1x1x16xf32>,
        %get3A_833 = vector.shape_cast %get3A_832 : vector<1x1x16xf32> to vector<16xf32>
        %swap3A_834 = arith.constant 0 : i32
        %swap3A_835 = arith.index_cast %swap3A_834 : i32 to index
        %swap3A_836 = arith.index_cast %add3A_778 : i32 to index
        %swap3A_837 = arith.constant 48 : index
        %swap3A_838 = tpu.vector_load %arg10[%swap3A_835, %swap3A_836, %swap3A_837] {strides = array<i32>} : memref<2x128x64xf32, #tpu.memory_space<vmem>>, vector<1x1x16xf32>,
        %swap3A_839 = vector.shape_cast %swap3A_838 : vector<1x1x16xf32> to vector<16xf32>
        %swap3A_840 = vector.shape_cast %get3A_833 : vector<16xf32> to vector<1x1x16xf32>
        tpu.vector_store %arg10[%swap3A_835, %swap3A_836, %swap3A_837], %swap3A_840 {strides = array<i32>} : memref<2x128x64xf32, #tpu.memory_space<vmem>>, vector<1x1x16xf32>,
        %mul3A_841 = arith.constant 16 : i32
        %mul3A_842 = arith.muli %add3A_304, %mul3A_841 : i32
        %add3A_843 = arith.constant 8 : i32
        %add3A_844 = arith.addi %mul3A_842, %add3A_843 : i32
        %slice3A_845 = vector.extract_strided_slice %mul3A_314 {offsets = [8], sizes = [1], strides = [1]} : vector<16xi32> to vector<1xi32>
        %squeeze3A_846 = vector.extract %slice3A_845[0] : i32 from vector<1xi32>
        %add3A_847 = arith.constant 0 : i32
        %add3A_848 = arith.addi %squeeze3A_846, %add3A_847 : i32
        %get3A_849 = arith.constant 0 : i32
        %get3A_850 = arith.index_cast %get3A_849 : i32 to index
        %get3A_851 = arith.index_cast %add3A_844 : i32 to index
        %get3A_852 = arith.index_cast %add3A_848 : i32 to index
        %get3A_853 = tpu.vector_load %arg9[%get3A_850, %get3A_851, %get3A_852] {strides = array<i32>} : memref<2x128x128xf32, #tpu.memory_space<vmem>>, vector<1x1x16xf32>,
        %get3A_854 = vector.shape_cast %get3A_853 : vector<1x1x16xf32> to vector<16xf32>
        %swap3A_855 = arith.constant 0 : i32
        %swap3A_856 = arith.index_cast %swap3A_855 : i32 to index
        %swap3A_857 = arith.index_cast %add3A_844 : i32 to index
        %swap3A_858 = arith.constant 0 : index
        %swap3A_859 = tpu.vector_load %arg10[%swap3A_856, %swap3A_857, %swap3A_858] {strides = array<i32>} : memref<2x128x64xf32, #tpu.memory_space<vmem>>, vector<1x1x16xf32>,
        %swap3A_860 = vector.shape_cast %swap3A_859 : vector<1x1x16xf32> to vector<16xf32>
        %swap3A_861 = vector.shape_cast %get3A_854 : vector<16xf32> to vector<1x1x16xf32>
        tpu.vector_store %arg10[%swap3A_856, %swap3A_857, %swap3A_858], %swap3A_861 {strides = array<i32>} : memref<2x128x64xf32, #tpu.memory_space<vmem>>, vector<1x1x16xf32>,
        %add3A_862 = arith.constant 16 : i32
        %add3A_863 = arith.addi %squeeze3A_846, %add3A_862 : i32
        %get3A_864 = arith.constant 0 : i32
        %get3A_865 = arith.index_cast %get3A_864 : i32 to index
        %get3A_866 = arith.index_cast %add3A_844 : i32 to index
        %get3A_867 = arith.index_cast %add3A_863 : i32 to index
        %get3A_868 = tpu.vector_load %arg9[%get3A_865, %get3A_866, %get3A_867] {strides = array<i32>} : memref<2x128x128xf32, #tpu.memory_space<vmem>>, vector<1x1x16xf32>,
        %get3A_869 = vector.shape_cast %get3A_868 : vector<1x1x16xf32> to vector<16xf32>
        %swap3A_870 = arith.constant 0 : i32
        %swap3A_871 = arith.index_cast %swap3A_870 : i32 to index
        %swap3A_872 = arith.index_cast %add3A_844 : i32 to index
        %swap3A_873 = arith.constant 16 : index
        %swap3A_874 = tpu.vector_load %arg10[%swap3A_871, %swap3A_872, %swap3A_873] {strides = array<i32>} : memref<2x128x64xf32, #tpu.memory_space<vmem>>, vector<1x1x16xf32>,
        %swap3A_875 = vector.shape_cast %swap3A_874 : vector<1x1x16xf32> to vector<16xf32>
        %swap3A_876 = vector.shape_cast %get3A_869 : vector<16xf32> to vector<1x1x16xf32>
        tpu.vector_store %arg10[%swap3A_871, %swap3A_872, %swap3A_873], %swap3A_876 {strides = array<i32>} : memref<2x128x64xf32, #tpu.memory_space<vmem>>, vector<1x1x16xf32>,
        %add3A_877 = arith.constant 32 : i32
        %add3A_878 = arith.addi %squeeze3A_846, %add3A_877 : i32
        %get3A_879 = arith.constant 0 : i32
        %get3A_880 = arith.index_cast %get3A_879 : i32 to index
        %get3A_881 = arith.index_cast %add3A_844 : i32 to index
        %get3A_882 = arith.index_cast %add3A_878 : i32 to index
        %get3A_883 = tpu.vector_load %arg9[%get3A_880, %get3A_881, %get3A_882] {strides = array<i32>} : memref<2x128x128xf32, #tpu.memory_space<vmem>>, vector<1x1x16xf32>,
        %get3A_884 = vector.shape_cast %get3A_883 : vector<1x1x16xf32> to vector<16xf32>
        %swap3A_885 = arith.constant 0 : i32
        %swap3A_886 = arith.index_cast %swap3A_885 : i32 to index
        %swap3A_887 = arith.index_cast %add3A_844 : i32 to index
        %swap3A_888 = arith.constant 32 : index
        %swap3A_889 = tpu.vector_load %arg10[%swap3A_886, %swap3A_887, %swap3A_888] {strides = array<i32>} : memref<2x128x64xf32, #tpu.memory_space<vmem>>, vector<1x1x16xf32>,
        %swap3A_890 = vector.shape_cast %swap3A_889 : vector<1x1x16xf32> to vector<16xf32>
        %swap3A_891 = vector.shape_cast %get3A_884 : vector<16xf32> to vector<1x1x16xf32>
        tpu.vector_store %arg10[%swap3A_886, %swap3A_887, %swap3A_888], %swap3A_891 {strides = array<i32>} : memref<2x128x64xf32, #tpu.memory_space<vmem>>, vector<1x1x16xf32>,
        %add3A_892 = arith.constant 48 : i32
        %add3A_893 = arith.addi %squeeze3A_846, %add3A_892 : i32
        %get3A_894 = arith.constant 0 : i32
        %get3A_895 = arith.index_cast %get3A_894 : i32 to index
        %get3A_896 = arith.index_cast %add3A_844 : i32 to index
        %get3A_897 = arith.index_cast %add3A_893 : i32 to index
        %get3A_898 = tpu.vector_load %arg9[%get3A_895, %get3A_896, %get3A_897] {strides = array<i32>} : memref<2x128x128xf32, #tpu.memory_space<vmem>>, vector<1x1x16xf32>,
        %get3A_899 = vector.shape_cast %get3A_898 : vector<1x1x16xf32> to vector<16xf32>
        %swap3A_900 = arith.constant 0 : i32
        %swap3A_901 = arith.index_cast %swap3A_900 : i32 to index
        %swap3A_902 = arith.index_cast %add3A_844 : i32 to index
        %swap3A_903 = arith.constant 48 : index
        %swap3A_904 = tpu.vector_load %arg10[%swap3A_901, %swap3A_902, %swap3A_903] {strides = array<i32>} : memref<2x128x64xf32, #tpu.memory_space<vmem>>, vector<1x1x16xf32>,
        %swap3A_905 = vector.shape_cast %swap3A_904 : vector<1x1x16xf32> to vector<16xf32>
        %swap3A_906 = vector.shape_cast %get3A_899 : vector<16xf32> to vector<1x1x16xf32>
        tpu.vector_store %arg10[%swap3A_901, %swap3A_902, %swap3A_903], %swap3A_906 {strides = array<i32>} : memref<2x128x64xf32, #tpu.memory_space<vmem>>, vector<1x1x16xf32>,
        %mul3A_907 = arith.constant 16 : i32
        %mul3A_908 = arith.muli %add3A_304, %mul3A_907 : i32
        %add3A_909 = arith.constant 9 : i32
        %add3A_910 = arith.addi %mul3A_908, %add3A_909 : i32
        %slice3A_911 = vector.extract_strided_slice %mul3A_314 {offsets = [9], sizes = [1], strides = [1]} : vector<16xi32> to vector<1xi32>
        %squeeze3A_912 = vector.extract %slice3A_911[0] : i32 from vector<1xi32>
        %add3A_913 = arith.constant 0 : i32
        %add3A_914 = arith.addi %squeeze3A_912, %add3A_913 : i32
        %get3A_915 = arith.constant 0 : i32
        %get3A_916 = arith.index_cast %get3A_915 : i32 to index
        %get3A_917 = arith.index_cast %add3A_910 : i32 to index
        %get3A_918 = arith.index_cast %add3A_914 : i32 to index
        %get3A_919 = tpu.vector_load %arg9[%get3A_916, %get3A_917, %get3A_918] {strides = array<i32>} : memref<2x128x128xf32, #tpu.memory_space<vmem>>, vector<1x1x16xf32>,
        %get3A_920 = vector.shape_cast %get3A_919 : vector<1x1x16xf32> to vector<16xf32>
        %swap3A_921 = arith.constant 0 : i32
        %swap3A_922 = arith.index_cast %swap3A_921 : i32 to index
        %swap3A_923 = arith.index_cast %add3A_910 : i32 to index
        %swap3A_924 = arith.constant 0 : index
        %swap3A_925 = tpu.vector_load %arg10[%swap3A_922, %swap3A_923, %swap3A_924] {strides = array<i32>} : memref<2x128x64xf32, #tpu.memory_space<vmem>>, vector<1x1x16xf32>,
        %swap3A_926 = vector.shape_cast %swap3A_925 : vector<1x1x16xf32> to vector<16xf32>
        %swap3A_927 = vector.shape_cast %get3A_920 : vector<16xf32> to vector<1x1x16xf32>
        tpu.vector_store %arg10[%swap3A_922, %swap3A_923, %swap3A_924], %swap3A_927 {strides = array<i32>} : memref<2x128x64xf32, #tpu.memory_space<vmem>>, vector<1x1x16xf32>,
        %add3A_928 = arith.constant 16 : i32
        %add3A_929 = arith.addi %squeeze3A_912, %add3A_928 : i32
        %get3A_930 = arith.constant 0 : i32
        %get3A_931 = arith.index_cast %get3A_930 : i32 to index
        %get3A_932 = arith.index_cast %add3A_910 : i32 to index
        %get3A_933 = arith.index_cast %add3A_929 : i32 to index
        %get3A_934 = tpu.vector_load %arg9[%get3A_931, %get3A_932, %get3A_933] {strides = array<i32>} : memref<2x128x128xf32, #tpu.memory_space<vmem>>, vector<1x1x16xf32>,
        %get3A_935 = vector.shape_cast %get3A_934 : vector<1x1x16xf32> to vector<16xf32>
        %swap3A_936 = arith.constant 0 : i32
        %swap3A_937 = arith.index_cast %swap3A_936 : i32 to index
        %swap3A_938 = arith.index_cast %add3A_910 : i32 to index
        %swap3A_939 = arith.constant 16 : index
        %swap3A_940 = tpu.vector_load %arg10[%swap3A_937, %swap3A_938, %swap3A_939] {strides = array<i32>} : memref<2x128x64xf32, #tpu.memory_space<vmem>>, vector<1x1x16xf32>,
        %swap3A_941 = vector.shape_cast %swap3A_940 : vector<1x1x16xf32> to vector<16xf32>
        %swap3A_942 = vector.shape_cast %get3A_935 : vector<16xf32> to vector<1x1x16xf32>
        tpu.vector_store %arg10[%swap3A_937, %swap3A_938, %swap3A_939], %swap3A_942 {strides = array<i32>} : memref<2x128x64xf32, #tpu.memory_space<vmem>>, vector<1x1x16xf32>,
        %add3A_943 = arith.constant 32 : i32
        %add3A_944 = arith.addi %squeeze3A_912, %add3A_943 : i32
        %get3A_945 = arith.constant 0 : i32
        %get3A_946 = arith.index_cast %get3A_945 : i32 to index
        %get3A_947 = arith.index_cast %add3A_910 : i32 to index
        %get3A_948 = arith.index_cast %add3A_944 : i32 to index
        %get3A_949 = tpu.vector_load %arg9[%get3A_946, %get3A_947, %get3A_948] {strides = array<i32>} : memref<2x128x128xf32, #tpu.memory_space<vmem>>, vector<1x1x16xf32>,
        %get3A_950 = vector.shape_cast %get3A_949 : vector<1x1x16xf32> to vector<16xf32>
        %swap3A_951 = arith.constant 0 : i32
        %swap3A_952 = arith.index_cast %swap3A_951 : i32 to index
        %swap3A_953 = arith.index_cast %add3A_910 : i32 to index
        %swap3A_954 = arith.constant 32 : index
        %swap3A_955 = tpu.vector_load %arg10[%swap3A_952, %swap3A_953, %swap3A_954] {strides = array<i32>} : memref<2x128x64xf32, #tpu.memory_space<vmem>>, vector<1x1x16xf32>,
        %swap3A_956 = vector.shape_cast %swap3A_955 : vector<1x1x16xf32> to vector<16xf32>
        %swap3A_957 = vector.shape_cast %get3A_950 : vector<16xf32> to vector<1x1x16xf32>
        tpu.vector_store %arg10[%swap3A_952, %swap3A_953, %swap3A_954], %swap3A_957 {strides = array<i32>} : memref<2x128x64xf32, #tpu.memory_space<vmem>>, vector<1x1x16xf32>,
        %add3A_958 = arith.constant 48 : i32
        %add3A_959 = arith.addi %squeeze3A_912, %add3A_958 : i32
        %get3A_960 = arith.constant 0 : i32
        %get3A_961 = arith.index_cast %get3A_960 : i32 to index
        %get3A_962 = arith.index_cast %add3A_910 : i32 to index
        %get3A_963 = arith.index_cast %add3A_959 : i32 to index
        %get3A_964 = tpu.vector_load %arg9[%get3A_961, %get3A_962, %get3A_963] {strides = array<i32>} : memref<2x128x128xf32, #tpu.memory_space<vmem>>, vector<1x1x16xf32>,
        %get3A_965 = vector.shape_cast %get3A_964 : vector<1x1x16xf32> to vector<16xf32>
        %swap3A_966 = arith.constant 0 : i32
        %swap3A_967 = arith.index_cast %swap3A_966 : i32 to index
        %swap3A_968 = arith.index_cast %add3A_910 : i32 to index
        %swap3A_969 = arith.constant 48 : index
        %swap3A_970 = tpu.vector_load %arg10[%swap3A_967, %swap3A_968, %swap3A_969] {strides = array<i32>} : memref<2x128x64xf32, #tpu.memory_space<vmem>>, vector<1x1x16xf32>,
        %swap3A_971 = vector.shape_cast %swap3A_970 : vector<1x1x16xf32> to vector<16xf32>
        %swap3A_972 = vector.shape_cast %get3A_965 : vector<16xf32> to vector<1x1x16xf32>
        tpu.vector_store %arg10[%swap3A_967, %swap3A_968, %swap3A_969], %swap3A_972 {strides = array<i32>} : memref<2x128x64xf32, #tpu.memory_space<vmem>>, vector<1x1x16xf32>,
        %mul3A_973 = arith.constant 16 : i32
        %mul3A_974 = arith.muli %add3A_304, %mul3A_973 : i32
        %add3A_975 = arith.constant 10 : i32
        %add3A_976 = arith.addi %mul3A_974, %add3A_975 : i32
        %slice3A_977 = vector.extract_strided_slice %mul3A_314 {offsets = [10], sizes = [1], strides = [1]} : vector<16xi32> to vector<1xi32>
        %squeeze3A_978 = vector.extract %slice3A_977[0] : i32 from vector<1xi32>
        %add3A_979 = arith.constant 0 : i32
        %add3A_980 = arith.addi %squeeze3A_978, %add3A_979 : i32
        %get3A_981 = arith.constant 0 : i32
        %get3A_982 = arith.index_cast %get3A_981 : i32 to index
        %get3A_983 = arith.index_cast %add3A_976 : i32 to index
        %get3A_984 = arith.index_cast %add3A_980 : i32 to index
        %get3A_985 = tpu.vector_load %arg9[%get3A_982, %get3A_983, %get3A_984] {strides = array<i32>} : memref<2x128x128xf32, #tpu.memory_space<vmem>>, vector<1x1x16xf32>,
        %get3A_986 = vector.shape_cast %get3A_985 : vector<1x1x16xf32> to vector<16xf32>
        %swap3A_987 = arith.constant 0 : i32
        %swap3A_988 = arith.index_cast %swap3A_987 : i32 to index
        %swap3A_989 = arith.index_cast %add3A_976 : i32 to index
        %swap3A_990 = arith.constant 0 : index
        %swap3A_991 = tpu.vector_load %arg10[%swap3A_988, %swap3A_989, %swap3A_990] {strides = array<i32>} : memref<2x128x64xf32, #tpu.memory_space<vmem>>, vector<1x1x16xf32>,
        %swap3A_992 = vector.shape_cast %swap3A_991 : vector<1x1x16xf32> to vector<16xf32>
        %swap3A_993 = vector.shape_cast %get3A_986 : vector<16xf32> to vector<1x1x16xf32>
        tpu.vector_store %arg10[%swap3A_988, %swap3A_989, %swap3A_990], %swap3A_993 {strides = array<i32>} : memref<2x128x64xf32, #tpu.memory_space<vmem>>, vector<1x1x16xf32>,
        %add3A_994 = arith.constant 16 : i32
        %add3A_995 = arith.addi %squeeze3A_978, %add3A_994 : i32
        %get3A_996 = arith.constant 0 : i32
        %get3A_997 = arith.index_cast %get3A_996 : i32 to index
        %get3A_998 = arith.index_cast %add3A_976 : i32 to index
        %get3A_999 = arith.index_cast %add3A_995 : i32 to index
        %get3A_1000 = tpu.vector_load %arg9[%get3A_997, %get3A_998, %get3A_999] {strides = array<i32>} : memref<2x128x128xf32, #tpu.memory_space<vmem>>, vector<1x1x16xf32>,
        %get3A_1001 = vector.shape_cast %get3A_1000 : vector<1x1x16xf32> to vector<16xf32>
        %swap3A_1002 = arith.constant 0 : i32
        %swap3A_1003 = arith.index_cast %swap3A_1002 : i32 to index
        %swap3A_1004 = arith.index_cast %add3A_976 : i32 to index
        %swap3A_1005 = arith.constant 16 : index
        %swap3A_1006 = tpu.vector_load %arg10[%swap3A_1003, %swap3A_1004, %swap3A_1005] {strides = array<i32>} : memref<2x128x64xf32, #tpu.memory_space<vmem>>, vector<1x1x16xf32>,
        %swap3A_1007 = vector.shape_cast %swap3A_1006 : vector<1x1x16xf32> to vector<16xf32>
        %swap3A_1008 = vector.shape_cast %get3A_1001 : vector<16xf32> to vector<1x1x16xf32>
        tpu.vector_store %arg10[%swap3A_1003, %swap3A_1004, %swap3A_1005], %swap3A_1008 {strides = array<i32>} : memref<2x128x64xf32, #tpu.memory_space<vmem>>, vector<1x1x16xf32>,
        %add3A_1009 = arith.constant 32 : i32
        %add3A_1010 = arith.addi %squeeze3A_978, %add3A_1009 : i32
        %get3A_1011 = arith.constant 0 : i32
        %get3A_1012 = arith.index_cast %get3A_1011 : i32 to index
        %get3A_1013 = arith.index_cast %add3A_976 : i32 to index
        %get3A_1014 = arith.index_cast %add3A_1010 : i32 to index
        %get3A_1015 = tpu.vector_load %arg9[%get3A_1012, %get3A_1013, %get3A_1014] {strides = array<i32>} : memref<2x128x128xf32, #tpu.memory_space<vmem>>, vector<1x1x16xf32>,
        %get3A_1016 = vector.shape_cast %get3A_1015 : vector<1x1x16xf32> to vector<16xf32>
        %swap3A_1017 = arith.constant 0 : i32
        %swap3A_1018 = arith.index_cast %swap3A_1017 : i32 to index
        %swap3A_1019 = arith.index_cast %add3A_976 : i32 to index
        %swap3A_1020 = arith.constant 32 : index
        %swap3A_1021 = tpu.vector_load %arg10[%swap3A_1018, %swap3A_1019, %swap3A_1020] {strides = array<i32>} : memref<2x128x64xf32, #tpu.memory_space<vmem>>, vector<1x1x16xf32>,
        %swap3A_1022 = vector.shape_cast %swap3A_1021 : vector<1x1x16xf32> to vector<16xf32>
        %swap3A_1023 = vector.shape_cast %get3A_1016 : vector<16xf32> to vector<1x1x16xf32>
        tpu.vector_store %arg10[%swap3A_1018, %swap3A_1019, %swap3A_1020], %swap3A_1023 {strides = array<i32>} : memref<2x128x64xf32, #tpu.memory_space<vmem>>, vector<1x1x16xf32>,
        %add3A_1024 = arith.constant 48 : i32
        %add3A_1025 = arith.addi %squeeze3A_978, %add3A_1024 : i32
        %get3A_1026 = arith.constant 0 : i32
        %get3A_1027 = arith.index_cast %get3A_1026 : i32 to index
        %get3A_1028 = arith.index_cast %add3A_976 : i32 to index
        %get3A_1029 = arith.index_cast %add3A_1025 : i32 to index
        %get3A_1030 = tpu.vector_load %arg9[%get3A_1027, %get3A_1028, %get3A_1029] {strides = array<i32>} : memref<2x128x128xf32, #tpu.memory_space<vmem>>, vector<1x1x16xf32>,
        %get3A_1031 = vector.shape_cast %get3A_1030 : vector<1x1x16xf32> to vector<16xf32>
        %swap3A_1032 = arith.constant 0 : i32
        %swap3A_1033 = arith.index_cast %swap3A_1032 : i32 to index
        %swap3A_1034 = arith.index_cast %add3A_976 : i32 to index
        %swap3A_1035 = arith.constant 48 : index
        %swap3A_1036 = tpu.vector_load %arg10[%swap3A_1033, %swap3A_1034, %swap3A_1035] {strides = array<i32>} : memref<2x128x64xf32, #tpu.memory_space<vmem>>, vector<1x1x16xf32>,
        %swap3A_1037 = vector.shape_cast %swap3A_1036 : vector<1x1x16xf32> to vector<16xf32>
        %swap3A_1038 = vector.shape_cast %get3A_1031 : vector<16xf32> to vector<1x1x16xf32>
        tpu.vector_store %arg10[%swap3A_1033, %swap3A_1034, %swap3A_1035], %swap3A_1038 {strides = array<i32>} : memref<2x128x64xf32, #tpu.memory_space<vmem>>, vector<1x1x16xf32>,
        %mul3A_1039 = arith.constant 16 : i32
        %mul3A_1040 = arith.muli %add3A_304, %mul3A_1039 : i32
        %add3A_1041 = arith.constant 11 : i32
        %add3A_1042 = arith.addi %mul3A_1040, %add3A_1041 : i32
        %slice3A_1043 = vector.extract_strided_slice %mul3A_314 {offsets = [11], sizes = [1], strides = [1]} : vector<16xi32> to vector<1xi32>
        %squeeze3A_1044 = vector.extract %slice3A_1043[0] : i32 from vector<1xi32>
        %add3A_1045 = arith.constant 0 : i32
        %add3A_1046 = arith.addi %squeeze3A_1044, %add3A_1045 : i32
        %get3A_1047 = arith.constant 0 : i32
        %get3A_1048 = arith.index_cast %get3A_1047 : i32 to index
        %get3A_1049 = arith.index_cast %add3A_1042 : i32 to index
        %get3A_1050 = arith.index_cast %add3A_1046 : i32 to index
        %get3A_1051 = tpu.vector_load %arg9[%get3A_1048, %get3A_1049, %get3A_1050] {strides = array<i32>} : memref<2x128x128xf32, #tpu.memory_space<vmem>>, vector<1x1x16xf32>,
        %get3A_1052 = vector.shape_cast %get3A_1051 : vector<1x1x16xf32> to vector<16xf32>
        %swap3A_1053 = arith.constant 0 : i32
        %swap3A_1054 = arith.index_cast %swap3A_1053 : i32 to index
        %swap3A_1055 = arith.index_cast %add3A_1042 : i32 to index
        %swap3A_1056 = arith.constant 0 : index
        %swap3A_1057 = tpu.vector_load %arg10[%swap3A_1054, %swap3A_1055, %swap3A_1056] {strides = array<i32>} : memref<2x128x64xf32, #tpu.memory_space<vmem>>, vector<1x1x16xf32>,
        %swap3A_1058 = vector.shape_cast %swap3A_1057 : vector<1x1x16xf32> to vector<16xf32>
        %swap3A_1059 = vector.shape_cast %get3A_1052 : vector<16xf32> to vector<1x1x16xf32>
        tpu.vector_store %arg10[%swap3A_1054, %swap3A_1055, %swap3A_1056], %swap3A_1059 {strides = array<i32>} : memref<2x128x64xf32, #tpu.memory_space<vmem>>, vector<1x1x16xf32>,
        %add3A_1060 = arith.constant 16 : i32
        %add3A_1061 = arith.addi %squeeze3A_1044, %add3A_1060 : i32
        %get3A_1062 = arith.constant 0 : i32
        %get3A_1063 = arith.index_cast %get3A_1062 : i32 to index
        %get3A_1064 = arith.index_cast %add3A_1042 : i32 to index
        %get3A_1065 = arith.index_cast %add3A_1061 : i32 to index
        %get3A_1066 = tpu.vector_load %arg9[%get3A_1063, %get3A_1064, %get3A_1065] {strides = array<i32>} : memref<2x128x128xf32, #tpu.memory_space<vmem>>, vector<1x1x16xf32>,
        %get3A_1067 = vector.shape_cast %get3A_1066 : vector<1x1x16xf32> to vector<16xf32>
        %swap3A_1068 = arith.constant 0 : i32
        %swap3A_1069 = arith.index_cast %swap3A_1068 : i32 to index
        %swap3A_1070 = arith.index_cast %add3A_1042 : i32 to index
        %swap3A_1071 = arith.constant 16 : index
        %swap3A_1072 = tpu.vector_load %arg10[%swap3A_1069, %swap3A_1070, %swap3A_1071] {strides = array<i32>} : memref<2x128x64xf32, #tpu.memory_space<vmem>>, vector<1x1x16xf32>,
        %swap3A_1073 = vector.shape_cast %swap3A_1072 : vector<1x1x16xf32> to vector<16xf32>
        %swap3A_1074 = vector.shape_cast %get3A_1067 : vector<16xf32> to vector<1x1x16xf32>
        tpu.vector_store %arg10[%swap3A_1069, %swap3A_1070, %swap3A_1071], %swap3A_1074 {strides = array<i32>} : memref<2x128x64xf32, #tpu.memory_space<vmem>>, vector<1x1x16xf32>,
        %add3A_1075 = arith.constant 32 : i32
        %add3A_1076 = arith.addi %squeeze3A_1044, %add3A_1075 : i32
        %get3A_1077 = arith.constant 0 : i32
        %get3A_1078 = arith.index_cast %get3A_1077 : i32 to index
        %get3A_1079 = arith.index_cast %add3A_1042 : i32 to index
        %get3A_1080 = arith.index_cast %add3A_1076 : i32 to index
        %get3A_1081 = tpu.vector_load %arg9[%get3A_1078, %get3A_1079, %get3A_1080] {strides = array<i32>} : memref<2x128x128xf32, #tpu.memory_space<vmem>>, vector<1x1x16xf32>,
        %get3A_1082 = vector.shape_cast %get3A_1081 : vector<1x1x16xf32> to vector<16xf32>
        %swap3A_1083 = arith.constant 0 : i32
        %swap3A_1084 = arith.index_cast %swap3A_1083 : i32 to index
        %swap3A_1085 = arith.index_cast %add3A_1042 : i32 to index
        %swap3A_1086 = arith.constant 32 : index
        %swap3A_1087 = tpu.vector_load %arg10[%swap3A_1084, %swap3A_1085, %swap3A_1086] {strides = array<i32>} : memref<2x128x64xf32, #tpu.memory_space<vmem>>, vector<1x1x16xf32>,
        %swap3A_1088 = vector.shape_cast %swap3A_1087 : vector<1x1x16xf32> to vector<16xf32>
        %swap3A_1089 = vector.shape_cast %get3A_1082 : vector<16xf32> to vector<1x1x16xf32>
        tpu.vector_store %arg10[%swap3A_1084, %swap3A_1085, %swap3A_1086], %swap3A_1089 {strides = array<i32>} : memref<2x128x64xf32, #tpu.memory_space<vmem>>, vector<1x1x16xf32>,
        %add3A_1090 = arith.constant 48 : i32
        %add3A_1091 = arith.addi %squeeze3A_1044, %add3A_1090 : i32
        %get3A_1092 = arith.constant 0 : i32
        %get3A_1093 = arith.index_cast %get3A_1092 : i32 to index
        %get3A_1094 = arith.index_cast %add3A_1042 : i32 to index
        %get3A_1095 = arith.index_cast %add3A_1091 : i32 to index
        %get3A_1096 = tpu.vector_load %arg9[%get3A_1093, %get3A_1094, %get3A_1095] {strides = array<i32>} : memref<2x128x128xf32, #tpu.memory_space<vmem>>, vector<1x1x16xf32>,
        %get3A_1097 = vector.shape_cast %get3A_1096 : vector<1x1x16xf32> to vector<16xf32>
        %swap3A_1098 = arith.constant 0 : i32
        %swap3A_1099 = arith.index_cast %swap3A_1098 : i32 to index
        %swap3A_1100 = arith.index_cast %add3A_1042 : i32 to index
        %swap3A_1101 = arith.constant 48 : index
        %swap3A_1102 = tpu.vector_load %arg10[%swap3A_1099, %swap3A_1100, %swap3A_1101] {strides = array<i32>} : memref<2x128x64xf32, #tpu.memory_space<vmem>>, vector<1x1x16xf32>,
        %swap3A_1103 = vector.shape_cast %swap3A_1102 : vector<1x1x16xf32> to vector<16xf32>
        %swap3A_1104 = vector.shape_cast %get3A_1097 : vector<16xf32> to vector<1x1x16xf32>
        tpu.vector_store %arg10[%swap3A_1099, %swap3A_1100, %swap3A_1101], %swap3A_1104 {strides = array<i32>} : memref<2x128x64xf32, #tpu.memory_space<vmem>>, vector<1x1x16xf32>,
        %mul3A_1105 = arith.constant 16 : i32
        %mul3A_1106 = arith.muli %add3A_304, %mul3A_1105 : i32
        %add3A_1107 = arith.constant 12 : i32
        %add3A_1108 = arith.addi %mul3A_1106, %add3A_1107 : i32
        %slice3A_1109 = vector.extract_strided_slice %mul3A_314 {offsets = [12], sizes = [1], strides = [1]} : vector<16xi32> to vector<1xi32>
        %squeeze3A_1110 = vector.extract %slice3A_1109[0] : i32 from vector<1xi32>
        %add3A_1111 = arith.constant 0 : i32
        %add3A_1112 = arith.addi %squeeze3A_1110, %add3A_1111 : i32
        %get3A_1113 = arith.constant 0 : i32
        %get3A_1114 = arith.index_cast %get3A_1113 : i32 to index
        %get3A_1115 = arith.index_cast %add3A_1108 : i32 to index
        %get3A_1116 = arith.index_cast %add3A_1112 : i32 to index
        %get3A_1117 = tpu.vector_load %arg9[%get3A_1114, %get3A_1115, %get3A_1116] {strides = array<i32>} : memref<2x128x128xf32, #tpu.memory_space<vmem>>, vector<1x1x16xf32>,
        %get3A_1118 = vector.shape_cast %get3A_1117 : vector<1x1x16xf32> to vector<16xf32>
        %swap3A_1119 = arith.constant 0 : i32
        %swap3A_1120 = arith.index_cast %swap3A_1119 : i32 to index
        %swap3A_1121 = arith.index_cast %add3A_1108 : i32 to index
        %swap3A_1122 = arith.constant 0 : index
        %swap3A_1123 = tpu.vector_load %arg10[%swap3A_1120, %swap3A_1121, %swap3A_1122] {strides = array<i32>} : memref<2x128x64xf32, #tpu.memory_space<vmem>>, vector<1x1x16xf32>,
        %swap3A_1124 = vector.shape_cast %swap3A_1123 : vector<1x1x16xf32> to vector<16xf32>
        %swap3A_1125 = vector.shape_cast %get3A_1118 : vector<16xf32> to vector<1x1x16xf32>
        tpu.vector_store %arg10[%swap3A_1120, %swap3A_1121, %swap3A_1122], %swap3A_1125 {strides = array<i32>} : memref<2x128x64xf32, #tpu.memory_space<vmem>>, vector<1x1x16xf32>,
        %add3A_1126 = arith.constant 16 : i32
        %add3A_1127 = arith.addi %squeeze3A_1110, %add3A_1126 : i32
        %get3A_1128 = arith.constant 0 : i32
        %get3A_1129 = arith.index_cast %get3A_1128 : i32 to index
        %get3A_1130 = arith.index_cast %add3A_1108 : i32 to index
        %get3A_1131 = arith.index_cast %add3A_1127 : i32 to index
        %get3A_1132 = tpu.vector_load %arg9[%get3A_1129, %get3A_1130, %get3A_1131] {strides = array<i32>} : memref<2x128x128xf32, #tpu.memory_space<vmem>>, vector<1x1x16xf32>,
        %get3A_1133 = vector.shape_cast %get3A_1132 : vector<1x1x16xf32> to vector<16xf32>
        %swap3A_1134 = arith.constant 0 : i32
        %swap3A_1135 = arith.index_cast %swap3A_1134 : i32 to index
        %swap3A_1136 = arith.index_cast %add3A_1108 : i32 to index
        %swap3A_1137 = arith.constant 16 : index
        %swap3A_1138 = tpu.vector_load %arg10[%swap3A_1135, %swap3A_1136, %swap3A_1137] {strides = array<i32>} : memref<2x128x64xf32, #tpu.memory_space<vmem>>, vector<1x1x16xf32>,
        %swap3A_1139 = vector.shape_cast %swap3A_1138 : vector<1x1x16xf32> to vector<16xf32>
        %swap3A_1140 = vector.shape_cast %get3A_1133 : vector<16xf32> to vector<1x1x16xf32>
        tpu.vector_store %arg10[%swap3A_1135, %swap3A_1136, %swap3A_1137], %swap3A_1140 {strides = array<i32>} : memref<2x128x64xf32, #tpu.memory_space<vmem>>, vector<1x1x16xf32>,
        %add3A_1141 = arith.constant 32 : i32
        %add3A_1142 = arith.addi %squeeze3A_1110, %add3A_1141 : i32
        %get3A_1143 = arith.constant 0 : i32
        %get3A_1144 = arith.index_cast %get3A_1143 : i32 to index
        %get3A_1145 = arith.index_cast %add3A_1108 : i32 to index
        %get3A_1146 = arith.index_cast %add3A_1142 : i32 to index
        %get3A_1147 = tpu.vector_load %arg9[%get3A_1144, %get3A_1145, %get3A_1146] {strides = array<i32>} : memref<2x128x128xf32, #tpu.memory_space<vmem>>, vector<1x1x16xf32>,
        %get3A_1148 = vector.shape_cast %get3A_1147 : vector<1x1x16xf32> to vector<16xf32>
        %swap3A_1149 = arith.constant 0 : i32
        %swap3A_1150 = arith.index_cast %swap3A_1149 : i32 to index
        %swap3A_1151 = arith.index_cast %add3A_1108 : i32 to index
        %swap3A_1152 = arith.constant 32 : index
        %swap3A_1153 = tpu.vector_load %arg10[%swap3A_1150, %swap3A_1151, %swap3A_1152] {strides = array<i32>} : memref<2x128x64xf32, #tpu.memory_space<vmem>>, vector<1x1x16xf32>,
        %swap3A_1154 = vector.shape_cast %swap3A_1153 : vector<1x1x16xf32> to vector<16xf32>
        %swap3A_1155 = vector.shape_cast %get3A_1148 : vector<16xf32> to vector<1x1x16xf32>
        tpu.vector_store %arg10[%swap3A_1150, %swap3A_1151, %swap3A_1152], %swap3A_1155 {strides = array<i32>} : memref<2x128x64xf32, #tpu.memory_space<vmem>>, vector<1x1x16xf32>,
        %add3A_1156 = arith.constant 48 : i32
        %add3A_1157 = arith.addi %squeeze3A_1110, %add3A_1156 : i32
        %get3A_1158 = arith.constant 0 : i32
        %get3A_1159 = arith.index_cast %get3A_1158 : i32 to index
        %get3A_1160 = arith.index_cast %add3A_1108 : i32 to index
        %get3A_1161 = arith.index_cast %add3A_1157 : i32 to index
        %get3A_1162 = tpu.vector_load %arg9[%get3A_1159, %get3A_1160, %get3A_1161] {strides = array<i32>} : memref<2x128x128xf32, #tpu.memory_space<vmem>>, vector<1x1x16xf32>,
        %get3A_1163 = vector.shape_cast %get3A_1162 : vector<1x1x16xf32> to vector<16xf32>
        %swap3A_1164 = arith.constant 0 : i32
        %swap3A_1165 = arith.index_cast %swap3A_1164 : i32 to index
        %swap3A_1166 = arith.index_cast %add3A_1108 : i32 to index
        %swap3A_1167 = arith.constant 48 : index
        %swap3A_1168 = tpu.vector_load %arg10[%swap3A_1165, %swap3A_1166, %swap3A_1167] {strides = array<i32>} : memref<2x128x64xf32, #tpu.memory_space<vmem>>, vector<1x1x16xf32>,
        %swap3A_1169 = vector.shape_cast %swap3A_1168 : vector<1x1x16xf32> to vector<16xf32>
        %swap3A_1170 = vector.shape_cast %get3A_1163 : vector<16xf32> to vector<1x1x16xf32>
        tpu.vector_store %arg10[%swap3A_1165, %swap3A_1166, %swap3A_1167], %swap3A_1170 {strides = array<i32>} : memref<2x128x64xf32, #tpu.memory_space<vmem>>, vector<1x1x16xf32>,
        %mul3A_1171 = arith.constant 16 : i32
        %mul3A_1172 = arith.muli %add3A_304, %mul3A_1171 : i32
        %add3A_1173 = arith.constant 13 : i32
        %add3A_1174 = arith.addi %mul3A_1172, %add3A_1173 : i32
        %slice3A_1175 = vector.extract_strided_slice %mul3A_314 {offsets = [13], sizes = [1], strides = [1]} : vector<16xi32> to vector<1xi32>
        %squeeze3A_1176 = vector.extract %slice3A_1175[0] : i32 from vector<1xi32>
        %add3A_1177 = arith.constant 0 : i32
        %add3A_1178 = arith.addi %squeeze3A_1176, %add3A_1177 : i32
        %get3A_1179 = arith.constant 0 : i32
        %get3A_1180 = arith.index_cast %get3A_1179 : i32 to index
        %get3A_1181 = arith.index_cast %add3A_1174 : i32 to index
        %get3A_1182 = arith.index_cast %add3A_1178 : i32 to index
        %get3A_1183 = tpu.vector_load %arg9[%get3A_1180, %get3A_1181, %get3A_1182] {strides = array<i32>} : memref<2x128x128xf32, #tpu.memory_space<vmem>>, vector<1x1x16xf32>,
        %get3A_1184 = vector.shape_cast %get3A_1183 : vector<1x1x16xf32> to vector<16xf32>
        %swap3A_1185 = arith.constant 0 : i32
        %swap3A_1186 = arith.index_cast %swap3A_1185 : i32 to index
        %swap3A_1187 = arith.index_cast %add3A_1174 : i32 to index
        %swap3A_1188 = arith.constant 0 : index
        %swap3A_1189 = tpu.vector_load %arg10[%swap3A_1186, %swap3A_1187, %swap3A_1188] {strides = array<i32>} : memref<2x128x64xf32, #tpu.memory_space<vmem>>, vector<1x1x16xf32>,
        %swap3A_1190 = vector.shape_cast %swap3A_1189 : vector<1x1x16xf32> to vector<16xf32>
        %swap3A_1191 = vector.shape_cast %get3A_1184 : vector<16xf32> to vector<1x1x16xf32>
        tpu.vector_store %arg10[%swap3A_1186, %swap3A_1187, %swap3A_1188], %swap3A_1191 {strides = array<i32>} : memref<2x128x64xf32, #tpu.memory_space<vmem>>, vector<1x1x16xf32>,
        %add3A_1192 = arith.constant 16 : i32
        %add3A_1193 = arith.addi %squeeze3A_1176, %add3A_1192 : i32
        %get3A_1194 = arith.constant 0 : i32
        %get3A_1195 = arith.index_cast %get3A_1194 : i32 to index
        %get3A_1196 = arith.index_cast %add3A_1174 : i32 to index
        %get3A_1197 = arith.index_cast %add3A_1193 : i32 to index
        %get3A_1198 = tpu.vector_load %arg9[%get3A_1195, %get3A_1196, %get3A_1197] {strides = array<i32>} : memref<2x128x128xf32, #tpu.memory_space<vmem>>, vector<1x1x16xf32>,
        %get3A_1199 = vector.shape_cast %get3A_1198 : vector<1x1x16xf32> to vector<16xf32>
        %swap3A_1200 = arith.constant 0 : i32
        %swap3A_1201 = arith.index_cast %swap3A_1200 : i32 to index
        %swap3A_1202 = arith.index_cast %add3A_1174 : i32 to index
        %swap3A_1203 = arith.constant 16 : index
        %swap3A_1204 = tpu.vector_load %arg10[%swap3A_1201, %swap3A_1202, %swap3A_1203] {strides = array<i32>} : memref<2x128x64xf32, #tpu.memory_space<vmem>>, vector<1x1x16xf32>,
        %swap3A_1205 = vector.shape_cast %swap3A_1204 : vector<1x1x16xf32> to vector<16xf32>
        %swap3A_1206 = vector.shape_cast %get3A_1199 : vector<16xf32> to vector<1x1x16xf32>
        tpu.vector_store %arg10[%swap3A_1201, %swap3A_1202, %swap3A_1203], %swap3A_1206 {strides = array<i32>} : memref<2x128x64xf32, #tpu.memory_space<vmem>>, vector<1x1x16xf32>,
        %add3A_1207 = arith.constant 32 : i32
        %add3A_1208 = arith.addi %squeeze3A_1176, %add3A_1207 : i32
        %get3A_1209 = arith.constant 0 : i32
        %get3A_1210 = arith.index_cast %get3A_1209 : i32 to index
        %get3A_1211 = arith.index_cast %add3A_1174 : i32 to index
        %get3A_1212 = arith.index_cast %add3A_1208 : i32 to index
        %get3A_1213 = tpu.vector_load %arg9[%get3A_1210, %get3A_1211, %get3A_1212] {strides = array<i32>} : memref<2x128x128xf32, #tpu.memory_space<vmem>>, vector<1x1x16xf32>,
        %get3A_1214 = vector.shape_cast %get3A_1213 : vector<1x1x16xf32> to vector<16xf32>
        %swap3A_1215 = arith.constant 0 : i32
        %swap3A_1216 = arith.index_cast %swap3A_1215 : i32 to index
        %swap3A_1217 = arith.index_cast %add3A_1174 : i32 to index
        %swap3A_1218 = arith.constant 32 : index
        %swap3A_1219 = tpu.vector_load %arg10[%swap3A_1216, %swap3A_1217, %swap3A_1218] {strides = array<i32>} : memref<2x128x64xf32, #tpu.memory_space<vmem>>, vector<1x1x16xf32>,
        %swap3A_1220 = vector.shape_cast %swap3A_1219 : vector<1x1x16xf32> to vector<16xf32>
        %swap3A_1221 = vector.shape_cast %get3A_1214 : vector<16xf32> to vector<1x1x16xf32>
        tpu.vector_store %arg10[%swap3A_1216, %swap3A_1217, %swap3A_1218], %swap3A_1221 {strides = array<i32>} : memref<2x128x64xf32, #tpu.memory_space<vmem>>, vector<1x1x16xf32>,
        %add3A_1222 = arith.constant 48 : i32
        %add3A_1223 = arith.addi %squeeze3A_1176, %add3A_1222 : i32
        %get3A_1224 = arith.constant 0 : i32
        %get3A_1225 = arith.index_cast %get3A_1224 : i32 to index
        %get3A_1226 = arith.index_cast %add3A_1174 : i32 to index
        %get3A_1227 = arith.index_cast %add3A_1223 : i32 to index
        %get3A_1228 = tpu.vector_load %arg9[%get3A_1225, %get3A_1226, %get3A_1227] {strides = array<i32>} : memref<2x128x128xf32, #tpu.memory_space<vmem>>, vector<1x1x16xf32>,
        %get3A_1229 = vector.shape_cast %get3A_1228 : vector<1x1x16xf32> to vector<16xf32>
        %swap3A_1230 = arith.constant 0 : i32
        %swap3A_1231 = arith.index_cast %swap3A_1230 : i32 to index
        %swap3A_1232 = arith.index_cast %add3A_1174 : i32 to index
        %swap3A_1233 = arith.constant 48 : index
        %swap3A_1234 = tpu.vector_load %arg10[%swap3A_1231, %swap3A_1232, %swap3A_1233] {strides = array<i32>} : memref<2x128x64xf32, #tpu.memory_space<vmem>>, vector<1x1x16xf32>,
        %swap3A_1235 = vector.shape_cast %swap3A_1234 : vector<1x1x16xf32> to vector<16xf32>
        %swap3A_1236 = vector.shape_cast %get3A_1229 : vector<16xf32> to vector<1x1x16xf32>
        tpu.vector_store %arg10[%swap3A_1231, %swap3A_1232, %swap3A_1233], %swap3A_1236 {strides = array<i32>} : memref<2x128x64xf32, #tpu.memory_space<vmem>>, vector<1x1x16xf32>,
        %mul3A_1237 = arith.constant 16 : i32
        %mul3A_1238 = arith.muli %add3A_304, %mul3A_1237 : i32
        %add3A_1239 = arith.constant 14 : i32
        %add3A_1240 = arith.addi %mul3A_1238, %add3A_1239 : i32
        %slice3A_1241 = vector.extract_strided_slice %mul3A_314 {offsets = [14], sizes = [1], strides = [1]} : vector<16xi32> to vector<1xi32>
        %squeeze3A_1242 = vector.extract %slice3A_1241[0] : i32 from vector<1xi32>
        %add3A_1243 = arith.constant 0 : i32
        %add3A_1244 = arith.addi %squeeze3A_1242, %add3A_1243 : i32
        %get3A_1245 = arith.constant 0 : i32
        %get3A_1246 = arith.index_cast %get3A_1245 : i32 to index
        %get3A_1247 = arith.index_cast %add3A_1240 : i32 to index
        %get3A_1248 = arith.index_cast %add3A_1244 : i32 to index
        %get3A_1249 = tpu.vector_load %arg9[%get3A_1246, %get3A_1247, %get3A_1248] {strides = array<i32>} : memref<2x128x128xf32, #tpu.memory_space<vmem>>, vector<1x1x16xf32>,
        %get3A_1250 = vector.shape_cast %get3A_1249 : vector<1x1x16xf32> to vector<16xf32>
        %swap3A_1251 = arith.constant 0 : i32
        %swap3A_1252 = arith.index_cast %swap3A_1251 : i32 to index
        %swap3A_1253 = arith.index_cast %add3A_1240 : i32 to index
        %swap3A_1254 = arith.constant 0 : index
        %swap3A_1255 = tpu.vector_load %arg10[%swap3A_1252, %swap3A_1253, %swap3A_1254] {strides = array<i32>} : memref<2x128x64xf32, #tpu.memory_space<vmem>>, vector<1x1x16xf32>,
        %swap3A_1256 = vector.shape_cast %swap3A_1255 : vector<1x1x16xf32> to vector<16xf32>
        %swap3A_1257 = vector.shape_cast %get3A_1250 : vector<16xf32> to vector<1x1x16xf32>
        tpu.vector_store %arg10[%swap3A_1252, %swap3A_1253, %swap3A_1254], %swap3A_1257 {strides = array<i32>} : memref<2x128x64xf32, #tpu.memory_space<vmem>>, vector<1x1x16xf32>,
        %add3A_1258 = arith.constant 16 : i32
        %add3A_1259 = arith.addi %squeeze3A_1242, %add3A_1258 : i32
        %get3A_1260 = arith.constant 0 : i32
        %get3A_1261 = arith.index_cast %get3A_1260 : i32 to index
        %get3A_1262 = arith.index_cast %add3A_1240 : i32 to index
        %get3A_1263 = arith.index_cast %add3A_1259 : i32 to index
        %get3A_1264 = tpu.vector_load %arg9[%get3A_1261, %get3A_1262, %get3A_1263] {strides = array<i32>} : memref<2x128x128xf32, #tpu.memory_space<vmem>>, vector<1x1x16xf32>,
        %get3A_1265 = vector.shape_cast %get3A_1264 : vector<1x1x16xf32> to vector<16xf32>
        %swap3A_1266 = arith.constant 0 : i32
        %swap3A_1267 = arith.index_cast %swap3A_1266 : i32 to index
        %swap3A_1268 = arith.index_cast %add3A_1240 : i32 to index
        %swap3A_1269 = arith.constant 16 : index
        %swap3A_1270 = tpu.vector_load %arg10[%swap3A_1267, %swap3A_1268, %swap3A_1269] {strides = array<i32>} : memref<2x128x64xf32, #tpu.memory_space<vmem>>, vector<1x1x16xf32>,
        %swap3A_1271 = vector.shape_cast %swap3A_1270 : vector<1x1x16xf32> to vector<16xf32>
        %swap3A_1272 = vector.shape_cast %get3A_1265 : vector<16xf32> to vector<1x1x16xf32>
        tpu.vector_store %arg10[%swap3A_1267, %swap3A_1268, %swap3A_1269], %swap3A_1272 {strides = array<i32>} : memref<2x128x64xf32, #tpu.memory_space<vmem>>, vector<1x1x16xf32>,
        %add3A_1273 = arith.constant 32 : i32
        %add3A_1274 = arith.addi %squeeze3A_1242, %add3A_1273 : i32
        %get3A_1275 = arith.constant 0 : i32
        %get3A_1276 = arith.index_cast %get3A_1275 : i32 to index
        %get3A_1277 = arith.index_cast %add3A_1240 : i32 to index
        %get3A_1278 = arith.index_cast %add3A_1274 : i32 to index
        %get3A_1279 = tpu.vector_load %arg9[%get3A_1276, %get3A_1277, %get3A_1278] {strides = array<i32>} : memref<2x128x128xf32, #tpu.memory_space<vmem>>, vector<1x1x16xf32>,
        %get3A_1280 = vector.shape_cast %get3A_1279 : vector<1x1x16xf32> to vector<16xf32>
        %swap3A_1281 = arith.constant 0 : i32
        %swap3A_1282 = arith.index_cast %swap3A_1281 : i32 to index
        %swap3A_1283 = arith.index_cast %add3A_1240 : i32 to index
        %swap3A_1284 = arith.constant 32 : index
        %swap3A_1285 = tpu.vector_load %arg10[%swap3A_1282, %swap3A_1283, %swap3A_1284] {strides = array<i32>} : memref<2x128x64xf32, #tpu.memory_space<vmem>>, vector<1x1x16xf32>,
        %swap3A_1286 = vector.shape_cast %swap3A_1285 : vector<1x1x16xf32> to vector<16xf32>
        %swap3A_1287 = vector.shape_cast %get3A_1280 : vector<16xf32> to vector<1x1x16xf32>
        tpu.vector_store %arg10[%swap3A_1282, %swap3A_1283, %swap3A_1284], %swap3A_1287 {strides = array<i32>} : memref<2x128x64xf32, #tpu.memory_space<vmem>>, vector<1x1x16xf32>,
        %add3A_1288 = arith.constant 48 : i32
        %add3A_1289 = arith.addi %squeeze3A_1242, %add3A_1288 : i32
        %get3A_1290 = arith.constant 0 : i32
        %get3A_1291 = arith.index_cast %get3A_1290 : i32 to index
        %get3A_1292 = arith.index_cast %add3A_1240 : i32 to index
        %get3A_1293 = arith.index_cast %add3A_1289 : i32 to index
        %get3A_1294 = tpu.vector_load %arg9[%get3A_1291, %get3A_1292, %get3A_1293] {strides = array<i32>} : memref<2x128x128xf32, #tpu.memory_space<vmem>>, vector<1x1x16xf32>,
        %get3A_1295 = vector.shape_cast %get3A_1294 : vector<1x1x16xf32> to vector<16xf32>
        %swap3A_1296 = arith.constant 0 : i32
        %swap3A_1297 = arith.index_cast %swap3A_1296 : i32 to index
        %swap3A_1298 = arith.index_cast %add3A_1240 : i32 to index
        %swap3A_1299 = arith.constant 48 : index
        %swap3A_1300 = tpu.vector_load %arg10[%swap3A_1297, %swap3A_1298, %swap3A_1299] {strides = array<i32>} : memref<2x128x64xf32, #tpu.memory_space<vmem>>, vector<1x1x16xf32>,
        %swap3A_1301 = vector.shape_cast %swap3A_1300 : vector<1x1x16xf32> to vector<16xf32>
        %swap3A_1302 = vector.shape_cast %get3A_1295 : vector<16xf32> to vector<1x1x16xf32>
        tpu.vector_store %arg10[%swap3A_1297, %swap3A_1298, %swap3A_1299], %swap3A_1302 {strides = array<i32>} : memref<2x128x64xf32, #tpu.memory_space<vmem>>, vector<1x1x16xf32>,
        %mul3A_1303 = arith.constant 16 : i32
        %mul3A_1304 = arith.muli %add3A_304, %mul3A_1303 : i32
        %add3A_1305 = arith.constant 15 : i32
        %add3A_1306 = arith.addi %mul3A_1304, %add3A_1305 : i32
        %slice3A_1307 = vector.extract_strided_slice %mul3A_314 {offsets = [15], sizes = [1], strides = [1]} : vector<16xi32> to vector<1xi32>
        %squeeze3A_1308 = vector.extract %slice3A_1307[0] : i32 from vector<1xi32>
        %add3A_1309 = arith.constant 0 : i32
        %add3A_1310 = arith.addi %squeeze3A_1308, %add3A_1309 : i32
        %get3A_1311 = arith.constant 0 : i32
        %get3A_1312 = arith.index_cast %get3A_1311 : i32 to index
        %get3A_1313 = arith.index_cast %add3A_1306 : i32 to index
        %get3A_1314 = arith.index_cast %add3A_1310 : i32 to index
        %get3A_1315 = tpu.vector_load %arg9[%get3A_1312, %get3A_1313, %get3A_1314] {strides = array<i32>} : memref<2x128x128xf32, #tpu.memory_space<vmem>>, vector<1x1x16xf32>,
        %get3A_1316 = vector.shape_cast %get3A_1315 : vector<1x1x16xf32> to vector<16xf32>
        %swap3A_1317 = arith.constant 0 : i32
        %swap3A_1318 = arith.index_cast %swap3A_1317 : i32 to index
        %swap3A_1319 = arith.index_cast %add3A_1306 : i32 to index
        %swap3A_1320 = arith.constant 0 : index
        %swap3A_1321 = tpu.vector_load %arg10[%swap3A_1318, %swap3A_1319, %swap3A_1320] {strides = array<i32>} : memref<2x128x64xf32, #tpu.memory_space<vmem>>, vector<1x1x16xf32>,
        %swap3A_1322 = vector.shape_cast %swap3A_1321 : vector<1x1x16xf32> to vector<16xf32>
        %swap3A_1323 = vector.shape_cast %get3A_1316 : vector<16xf32> to vector<1x1x16xf32>
        tpu.vector_store %arg10[%swap3A_1318, %swap3A_1319, %swap3A_1320], %swap3A_1323 {strides = array<i32>} : memref<2x128x64xf32, #tpu.memory_space<vmem>>, vector<1x1x16xf32>,
        %add3A_1324 = arith.constant 16 : i32
        %add3A_1325 = arith.addi %squeeze3A_1308, %add3A_1324 : i32
        %get3A_1326 = arith.constant 0 : i32
        %get3A_1327 = arith.index_cast %get3A_1326 : i32 to index
        %get3A_1328 = arith.index_cast %add3A_1306 : i32 to index
        %get3A_1329 = arith.index_cast %add3A_1325 : i32 to index
        %get3A_1330 = tpu.vector_load %arg9[%get3A_1327, %get3A_1328, %get3A_1329] {strides = array<i32>} : memref<2x128x128xf32, #tpu.memory_space<vmem>>, vector<1x1x16xf32>,
        %get3A_1331 = vector.shape_cast %get3A_1330 : vector<1x1x16xf32> to vector<16xf32>
        %swap3A_1332 = arith.constant 0 : i32
        %swap3A_1333 = arith.index_cast %swap3A_1332 : i32 to index
        %swap3A_1334 = arith.index_cast %add3A_1306 : i32 to index
        %swap3A_1335 = arith.constant 16 : index
        %swap3A_1336 = tpu.vector_load %arg10[%swap3A_1333, %swap3A_1334, %swap3A_1335] {strides = array<i32>} : memref<2x128x64xf32, #tpu.memory_space<vmem>>, vector<1x1x16xf32>,
        %swap3A_1337 = vector.shape_cast %swap3A_1336 : vector<1x1x16xf32> to vector<16xf32>
        %swap3A_1338 = vector.shape_cast %get3A_1331 : vector<16xf32> to vector<1x1x16xf32>
        tpu.vector_store %arg10[%swap3A_1333, %swap3A_1334, %swap3A_1335], %swap3A_1338 {strides = array<i32>} : memref<2x128x64xf32, #tpu.memory_space<vmem>>, vector<1x1x16xf32>,
        %add3A_1339 = arith.constant 32 : i32
        %add3A_1340 = arith.addi %squeeze3A_1308, %add3A_1339 : i32
        %get3A_1341 = arith.constant 0 : i32
        %get3A_1342 = arith.index_cast %get3A_1341 : i32 to index
        %get3A_1343 = arith.index_cast %add3A_1306 : i32 to index
        %get3A_1344 = arith.index_cast %add3A_1340 : i32 to index
        %get3A_1345 = tpu.vector_load %arg9[%get3A_1342, %get3A_1343, %get3A_1344] {strides = array<i32>} : memref<2x128x128xf32, #tpu.memory_space<vmem>>, vector<1x1x16xf32>,
        %get3A_1346 = vector.shape_cast %get3A_1345 : vector<1x1x16xf32> to vector<16xf32>
        %swap3A_1347 = arith.constant 0 : i32
        %swap3A_1348 = arith.index_cast %swap3A_1347 : i32 to index
        %swap3A_1349 = arith.index_cast %add3A_1306 : i32 to index
        %swap3A_1350 = arith.constant 32 : index
        %swap3A_1351 = tpu.vector_load %arg10[%swap3A_1348, %swap3A_1349, %swap3A_1350] {strides = array<i32>} : memref<2x128x64xf32, #tpu.memory_space<vmem>>, vector<1x1x16xf32>,
        %swap3A_1352 = vector.shape_cast %swap3A_1351 : vector<1x1x16xf32> to vector<16xf32>
        %swap3A_1353 = vector.shape_cast %get3A_1346 : vector<16xf32> to vector<1x1x16xf32>
        tpu.vector_store %arg10[%swap3A_1348, %swap3A_1349, %swap3A_1350], %swap3A_1353 {strides = array<i32>} : memref<2x128x64xf32, #tpu.memory_space<vmem>>, vector<1x1x16xf32>,
        %add3A_1354 = arith.constant 48 : i32
        %add3A_1355 = arith.addi %squeeze3A_1308, %add3A_1354 : i32
        %get3A_1356 = arith.constant 0 : i32
        %get3A_1357 = arith.index_cast %get3A_1356 : i32 to index
        %get3A_1358 = arith.index_cast %add3A_1306 : i32 to index
        %get3A_1359 = arith.index_cast %add3A_1355 : i32 to index
        %get3A_1360 = tpu.vector_load %arg9[%get3A_1357, %get3A_1358, %get3A_1359] {strides = array<i32>} : memref<2x128x128xf32, #tpu.memory_space<vmem>>, vector<1x1x16xf32>,
        %get3A_1361 = vector.shape_cast %get3A_1360 : vector<1x1x16xf32> to vector<16xf32>
        %swap3A_1362 = arith.constant 0 : i32
        %swap3A_1363 = arith.index_cast %swap3A_1362 : i32 to index
        %swap3A_1364 = arith.index_cast %add3A_1306 : i32 to index
        %swap3A_1365 = arith.constant 48 : index
        %swap3A_1366 = tpu.vector_load %arg10[%swap3A_1363, %swap3A_1364, %swap3A_1365] {strides = array<i32>} : memref<2x128x64xf32, #tpu.memory_space<vmem>>, vector<1x1x16xf32>,
        %swap3A_1367 = vector.shape_cast %swap3A_1366 : vector<1x1x16xf32> to vector<16xf32>
        %swap3A_1368 = vector.shape_cast %get3A_1361 : vector<16xf32> to vector<1x1x16xf32>
        tpu.vector_store %arg10[%swap3A_1363, %swap3A_1364, %swap3A_1365], %swap3A_1368 {strides = array<i32>} : memref<2x128x64xf32, #tpu.memory_space<vmem>>, vector<1x1x16xf32>,
      }
      %scan3A_230 = arith.constant 8 : i32
      %mul3A_231 = arith.constant 128 : i32
      %mul3A_232 = arith.muli %add3A_215, %mul3A_231 : i32
      %add3A_233 = arith.addi %multiple_of3A, %mul3A_232 : i32
      %multiple_of3A_234 = tpu.assume_multiple %add3A_233, 8 : i32
      %dma_start3A_235 = arith.constant 0 : i32
      %dma_start3A_236 = arith.constant 0 : i32
      %dma_start3A_237 = arith.constant 0 : i32
      %dma_start3A_238 = tpu.memref_slice %arg10[%dma_start3A_235, %dma_start3A_236, %dma_start3A_237] : memref<2x128x64xf32, #tpu.memory_space<vmem>> -> memref<1x128x64xf32, #tpu.memory_space<vmem>>
      %dma_start3A_239 = tpu.memref_squeeze %dma_start3A_238 : memref<1x128x64xf32, #tpu.memory_space<vmem>> -> memref<128x64xf32, #tpu.memory_space<vmem>>
      %dma_start3A_240 = arith.constant 0 : i32
      %dma_start3A_241 = tpu.memref_slice %arg4[%multiple_of3A_234, %dma_start3A_240] : memref<819200x64xf32, #tpu.memory_space<hbm>> -> memref<128x64xf32, #tpu.memory_space<hbm>>
      %dma_start3A_242 = arith.constant 0 : i32
      %dma_start3A_243 = tpu.memref_slice %arg4[%multiple_of3A_234, %dma_start3A_242] : memref<819200x64xf32, #tpu.memory_space<hbm>> -> memref<128x64xf32, #tpu.memory_space<hbm>>
      %dma_start3A_244 = arith.constant 0 : i32
      %dma_start3A_245 = arith.constant 0 : i32
      %dma_start3A_246 = tpu.memref_slice %arg10[%dma_start3A_235, %dma_start3A_244, %dma_start3A_245] : memref<2x128x64xf32, #tpu.memory_space<vmem>> -> memref<1x128x64xf32, #tpu.memory_space<vmem>>
      %dma_start3A_247 = tpu.memref_squeeze %dma_start3A_246 : memref<1x128x64xf32, #tpu.memory_space<vmem>> -> memref<128x64xf32, #tpu.memory_space<vmem>>
      tpu.enqueue_dma source(%dma_start3A_247 : memref<128x64xf32, #tpu.memory_space<vmem>>) target(%dma_start3A_243 : memref<128x64xf32, #tpu.memory_space<hbm>>) target_semaphore(%arg13 : memref<!tpu.dma_semaphore, #tpu.memory_space<semaphore_mem>>)
      %add3A_248 = arith.constant 2 : i32
      %add3A_249 = arith.addi %add3A_215, %add3A_248 : i32
      %lt3A = arith.constant 200 : i32
      %lt3A_250 = arith.cmpi slt, %add3A_249, %lt3A : i32
      %convert_element_type3A_251 = arith.extui %lt3A_250 : i1 to i32
      %cond3A_252 = arith.constant 0 : i32
      %cond3A_253 = arith.cmpi ne, %convert_element_type3A_251, %cond3A_252 : i32
      scf.if %cond3A_253 {
        %add3A_300 = arith.constant 2 : i32
        %add3A_301 = arith.addi %add3A_215, %add3A_300 : i32
        %mul3A_302 = arith.constant 128 : i32
        %mul3A_303 = arith.muli %add3A_301, %mul3A_302 : i32
        %add3A_304 = arith.addi %multiple_of3A, %mul3A_303 : i32
        %multiple_of3A_305 = tpu.assume_multiple %add3A_304, 8 : i32
        "tpu.region"() ({
          %run_scoped3A = tpu.sem_alloc : memref<!tpu.dma_semaphore, #tpu.memory_space<semaphore_mem>>
          %dma_start3A_394 = tpu.memref_slice %arg2[%multiple_of3A_305] : memref<819200xi32, #tpu.memory_space<hbm>> -> memref<128xi32, #tpu.memory_space<hbm>>
          %dma_start3A_395 = tpu.memref_slice %arg2[%multiple_of3A_305] : memref<819200xi32, #tpu.memory_space<hbm>> -> memref<128xi32, #tpu.memory_space<hbm>>
          tpu.enqueue_dma source(%dma_start3A_395 : memref<128xi32, #tpu.memory_space<hbm>>) target(%arg5 : memref<128xi32, #tpu.memory_space<vmem>>) target_semaphore(%run_scoped3A : memref<!tpu.dma_semaphore, #tpu.memory_space<semaphore_mem>>)
          %dma_wait3A_396 = tpu.memref_slice %arg2[%multiple_of3A_305] : memref<819200xi32, #tpu.memory_space<hbm>> -> memref<128xi32, #tpu.memory_space<hbm>>
          %dma_wait3A_397 = tpu.memref_slice %arg2[%multiple_of3A_305] : memref<819200xi32, #tpu.memory_space<hbm>> -> memref<128xi32, #tpu.memory_space<hbm>>
          tpu.wait_dma2 semaphore(%run_scoped3A : memref<!tpu.dma_semaphore, #tpu.memory_space<semaphore_mem>>) src(%dma_wait3A_397 : memref<128xi32, #tpu.memory_space<hbm>>) dst(%arg5 : memref<128xi32, #tpu.memory_space<vmem>>)
          tpu.yield
        }) : () -> ()
        %get3A_306 = arith.constant 0 : index
        %get3A_307 = tpu.vector_load %arg5[%get3A_306] {strides = array<i32>} : memref<128xi32, #tpu.memory_space<vmem>>, vector<16xi32>,
        %get3A_308 = vector.shape_cast %get3A_307 : vector<16xi32> to vector<16xi32>
        %shift_right_logical3A_309 = arith.constant 1 : i32
        %shift_right_logical3A_310 = vector.broadcast %shift_right_logical3A_309 : i32 to vector<16xi32>
        %shift_right_logical3A_311 = arith.shrui %get3A_308, %shift_right_logical3A_310 : vector<16xi32>
        %swap3A_312 = arith.constant 0 : index
        %swap3A_313 = tpu.vector_load %arg7[%swap3A_312] {strides = array<i32>} : memref<128xi32, #tpu.memory_space<vmem>>, vector<16xi32>,
        %swap3A_314 = vector.shape_cast %swap3A_313 : vector<16xi32> to vector<16xi32>
        %swap3A_315 = vector.shape_cast %shift_right_logical3A_311 : vector<16xi32> to vector<16xi32>
        tpu.vector_store %arg7[%swap3A_312], %swap3A_315 {strides = array<i32>} : memref<128xi32, #tpu.memory_space<vmem>>, vector<16xi32>,
        %get3A_316 = arith.constant 16 : index
        %get3A_317 = tpu.vector_load %arg5[%get3A_316] {strides = array<i32>} : memref<128xi32, #tpu.memory_space<vmem>>, vector<16xi32>,
        %get3A_318 = vector.shape_cast %get3A_317 : vector<16xi32> to vector<16xi32>
        %shift_right_logical3A_319 = arith.constant 1 : i32
        %shift_right_logical3A_320 = vector.broadcast %shift_right_logical3A_319 : i32 to vector<16xi32>
        %shift_right_logical3A_321 = arith.shrui %get3A_318, %shift_right_logical3A_320 : vector<16xi32>
        %swap3A_322 = arith.constant 16 : index
        %swap3A_323 = tpu.vector_load %arg7[%swap3A_322] {strides = array<i32>} : memref<128xi32, #tpu.memory_space<vmem>>, vector<16xi32>,
        %swap3A_324 = vector.shape_cast %swap3A_323 : vector<16xi32> to vector<16xi32>
        %swap3A_325 = vector.shape_cast %shift_right_logical3A_321 : vector<16xi32> to vector<16xi32>
        tpu.vector_store %arg7[%swap3A_322], %swap3A_325 {strides = array<i32>} : memref<128xi32, #tpu.memory_space<vmem>>, vector<16xi32>,
        %get3A_326 = arith.constant 32 : index
        %get3A_327 = tpu.vector_load %arg5[%get3A_326] {strides = array<i32>} : memref<128xi32, #tpu.memory_space<vmem>>, vector<16xi32>,
        %get3A_328 = vector.shape_cast %get3A_327 : vector<16xi32> to vector<16xi32>
        %shift_right_logical3A_329 = arith.constant 1 : i32
        %shift_right_logical3A_330 = vector.broadcast %shift_right_logical3A_329 : i32 to vector<16xi32>
        %shift_right_logical3A_331 = arith.shrui %get3A_328, %shift_right_logical3A_330 : vector<16xi32>
        %swap3A_332 = arith.constant 32 : index
        %swap3A_333 = tpu.vector_load %arg7[%swap3A_332] {strides = array<i32>} : memref<128xi32, #tpu.memory_space<vmem>>, vector<16xi32>,
        %swap3A_334 = vector.shape_cast %swap3A_333 : vector<16xi32> to vector<16xi32>
        %swap3A_335 = vector.shape_cast %shift_right_logical3A_331 : vector<16xi32> to vector<16xi32>
        tpu.vector_store %arg7[%swap3A_332], %swap3A_335 {strides = array<i32>} : memref<128xi32, #tpu.memory_space<vmem>>, vector<16xi32>,
        %get3A_336 = arith.constant 48 : index
        %get3A_337 = tpu.vector_load %arg5[%get3A_336] {strides = array<i32>} : memref<128xi32, #tpu.memory_space<vmem>>, vector<16xi32>,
        %get3A_338 = vector.shape_cast %get3A_337 : vector<16xi32> to vector<16xi32>
        %shift_right_logical3A_339 = arith.constant 1 : i32
        %shift_right_logical3A_340 = vector.broadcast %shift_right_logical3A_339 : i32 to vector<16xi32>
        %shift_right_logical3A_341 = arith.shrui %get3A_338, %shift_right_logical3A_340 : vector<16xi32>
        %swap3A_342 = arith.constant 48 : index
        %swap3A_343 = tpu.vector_load %arg7[%swap3A_342] {strides = array<i32>} : memref<128xi32, #tpu.memory_space<vmem>>, vector<16xi32>,
        %swap3A_344 = vector.shape_cast %swap3A_343 : vector<16xi32> to vector<16xi32>
        %swap3A_345 = vector.shape_cast %shift_right_logical3A_341 : vector<16xi32> to vector<16xi32>
        tpu.vector_store %arg7[%swap3A_342], %swap3A_345 {strides = array<i32>} : memref<128xi32, #tpu.memory_space<vmem>>, vector<16xi32>,
        %get3A_346 = arith.constant 64 : index
        %get3A_347 = tpu.vector_load %arg5[%get3A_346] {strides = array<i32>} : memref<128xi32, #tpu.memory_space<vmem>>, vector<16xi32>,
        %get3A_348 = vector.shape_cast %get3A_347 : vector<16xi32> to vector<16xi32>
        %shift_right_logical3A_349 = arith.constant 1 : i32
        %shift_right_logical3A_350 = vector.broadcast %shift_right_logical3A_349 : i32 to vector<16xi32>
        %shift_right_logical3A_351 = arith.shrui %get3A_348, %shift_right_logical3A_350 : vector<16xi32>
        %swap3A_352 = arith.constant 64 : index
        %swap3A_353 = tpu.vector_load %arg7[%swap3A_352] {strides = array<i32>} : memref<128xi32, #tpu.memory_space<vmem>>, vector<16xi32>,
        %swap3A_354 = vector.shape_cast %swap3A_353 : vector<16xi32> to vector<16xi32>
        %swap3A_355 = vector.shape_cast %shift_right_logical3A_351 : vector<16xi32> to vector<16xi32>
        tpu.vector_store %arg7[%swap3A_352], %swap3A_355 {strides = array<i32>} : memref<128xi32, #tpu.memory_space<vmem>>, vector<16xi32>,
        %get3A_356 = arith.constant 80 : index
        %get3A_357 = tpu.vector_load %arg5[%get3A_356] {strides = array<i32>} : memref<128xi32, #tpu.memory_space<vmem>>, vector<16xi32>,
        %get3A_358 = vector.shape_cast %get3A_357 : vector<16xi32> to vector<16xi32>
        %shift_right_logical3A_359 = arith.constant 1 : i32
        %shift_right_logical3A_360 = vector.broadcast %shift_right_logical3A_359 : i32 to vector<16xi32>
        %shift_right_logical3A_361 = arith.shrui %get3A_358, %shift_right_logical3A_360 : vector<16xi32>
        %swap3A_362 = arith.constant 80 : index
        %swap3A_363 = tpu.vector_load %arg7[%swap3A_362] {strides = array<i32>} : memref<128xi32, #tpu.memory_space<vmem>>, vector<16xi32>,
        %swap3A_364 = vector.shape_cast %swap3A_363 : vector<16xi32> to vector<16xi32>
        %swap3A_365 = vector.shape_cast %shift_right_logical3A_361 : vector<16xi32> to vector<16xi32>
        tpu.vector_store %arg7[%swap3A_362], %swap3A_365 {strides = array<i32>} : memref<128xi32, #tpu.memory_space<vmem>>, vector<16xi32>,
        %get3A_366 = arith.constant 96 : index
        %get3A_367 = tpu.vector_load %arg5[%get3A_366] {strides = array<i32>} : memref<128xi32, #tpu.memory_space<vmem>>, vector<16xi32>,
        %get3A_368 = vector.shape_cast %get3A_367 : vector<16xi32> to vector<16xi32>
        %shift_right_logical3A_369 = arith.constant 1 : i32
        %shift_right_logical3A_370 = vector.broadcast %shift_right_logical3A_369 : i32 to vector<16xi32>
        %shift_right_logical3A_371 = arith.shrui %get3A_368, %shift_right_logical3A_370 : vector<16xi32>
        %swap3A_372 = arith.constant 96 : index
        %swap3A_373 = tpu.vector_load %arg7[%swap3A_372] {strides = array<i32>} : memref<128xi32, #tpu.memory_space<vmem>>, vector<16xi32>,
        %swap3A_374 = vector.shape_cast %swap3A_373 : vector<16xi32> to vector<16xi32>
        %swap3A_375 = vector.shape_cast %shift_right_logical3A_371 : vector<16xi32> to vector<16xi32>
        tpu.vector_store %arg7[%swap3A_372], %swap3A_375 {strides = array<i32>} : memref<128xi32, #tpu.memory_space<vmem>>, vector<16xi32>,
        %get3A_376 = arith.constant 112 : index
        %get3A_377 = tpu.vector_load %arg5[%get3A_376] {strides = array<i32>} : memref<128xi32, #tpu.memory_space<vmem>>, vector<16xi32>,
        %get3A_378 = vector.shape_cast %get3A_377 : vector<16xi32> to vector<16xi32>
        %shift_right_logical3A_379 = arith.constant 1 : i32
        %shift_right_logical3A_380 = vector.broadcast %shift_right_logical3A_379 : i32 to vector<16xi32>
        %shift_right_logical3A_381 = arith.shrui %get3A_378, %shift_right_logical3A_380 : vector<16xi32>
        %swap3A_382 = arith.constant 112 : index
        %swap3A_383 = tpu.vector_load %arg7[%swap3A_382] {strides = array<i32>} : memref<128xi32, #tpu.memory_space<vmem>>, vector<16xi32>,
        %swap3A_384 = vector.shape_cast %swap3A_383 : vector<16xi32> to vector<16xi32>
        %swap3A_385 = vector.shape_cast %shift_right_logical3A_381 : vector<16xi32> to vector<16xi32>
        tpu.vector_store %arg7[%swap3A_382], %swap3A_385 {strides = array<i32>} : memref<128xi32, #tpu.memory_space<vmem>>, vector<16xi32>,
        %dma_start3A_386 = arith.constant 0 : i32
        %dma_start3A_387 = arith.constant 0 : i32
        %dma_start3A_388 = arith.constant 0 : i32
        %dma_start3A_389 = tpu.memref_slice %arg9[%dma_start3A_386, %dma_start3A_387, %dma_start3A_388] : memref<2x128x128xf32, #tpu.memory_space<vmem>> -> memref<1x128x128xf32, #tpu.memory_space<vmem>>
        %dma_start3A_390 = tpu.memref_squeeze %dma_start3A_389 : memref<1x128x128xf32, #tpu.memory_space<vmem>> -> memref<128x128xf32, #tpu.memory_space<vmem>>
        %dma_start3A_391 = arith.constant 0 : i32
        %dma_start3A_392 = arith.constant 0 : i32
        %dma_start3A_393 = tpu.memref_slice %arg3[%dma_start3A_391, %dma_start3A_392] : memref<500000x128xf32, #tpu.memory_space<hbm>> -> memref<500000x128xf32, #tpu.memory_space<hbm>>
        tpu.enqueue_indirect_dma source(%dma_start3A_393 : memref<500000x128xf32, #tpu.memory_space<hbm>>) target(%dma_start3A_390 : memref<128x128xf32, #tpu.memory_space<vmem>>) offsets(%arg7 : memref<128xi32, #tpu.memory_space<vmem>>) semaphore(%arg11 : memref<!tpu.dma_semaphore, #tpu.memory_space<semaphore_mem>>)
      } else {
      }
      %mul3A_254 = arith.constant 2 : i32
      %mul3A_255 = arith.muli %mul3A_254, %scan3A_211 : i32
      %add3A_256 = arith.constant 1 : i32
      %add3A_257 = arith.addi %mul3A_255, %add3A_256 : i32
      %dma_wait3A_258 = arith.constant 1 : i32
      %dma_wait3A_259 = arith.constant 0 : i32
      %dma_wait3A_260 = arith.constant 0 : i32
      %dma_wait3A_261 = tpu.memref_slice %arg9[%dma_wait3A_258, %dma_wait3A_259, %dma_wait3A_260] : memref<2x128x128xf32, #tpu.memory_space<vmem>> -> memref<1x128x128xf32, #tpu.memory_space<vmem>>
      %dma_wait3A_262 = tpu.memref_squeeze %dma_wait3A_261 : memref<1x128x128xf32, #tpu.memory_space<vmem>> -> memref<128x128xf32, #tpu.memory_space<vmem>>
      %dma_wait3A_263 = arith.constant 0 : i32
      %dma_wait3A_264 = arith.constant 0 : i32
      %dma_wait3A_265 = tpu.memref_slice %arg3[%dma_wait3A_263, %dma_wait3A_264] : memref<500000x128xf32, #tpu.memory_space<hbm>> -> memref<500000x128xf32, #tpu.memory_space<hbm>>
      tpu.wait_indirect_dma semaphore(%arg12 : memref<!tpu.dma_semaphore, #tpu.memory_space<semaphore_mem>>) src(%dma_wait3A_265 : memref<500000x128xf32, #tpu.memory_space<hbm>>) dst(%dma_wait3A_262 : memref<128x128xf32, #tpu.memory_space<vmem>>)
      %ge3A_266 = arith.constant 2 : i32
      %ge3A_267 = arith.cmpi sge, %add3A_257, %ge3A_266 : i32
      %convert_element_type3A_268 = arith.extui %ge3A_267 : i1 to i32
      %cond3A_269 = arith.constant 0 : i32
      %cond3A_270 = arith.cmpi ne, %convert_element_type3A_268, %cond3A_269 : i32
      scf.if %cond3A_270 {
        %dma_wait3A_300 = arith.constant 1 : i32
        %dma_wait3A_301 = arith.constant 0 : i32
        %dma_wait3A_302 = arith.constant 0 : i32
        %dma_wait3A_303 = tpu.memref_slice %arg10[%dma_wait3A_300, %dma_wait3A_301, %dma_wait3A_302] : memref<2x128x64xf32, #tpu.memory_space<vmem>> -> memref<1x128x64xf32, #tpu.memory_space<vmem>>
        %dma_wait3A_304 = tpu.memref_squeeze %dma_wait3A_303 : memref<1x128x64xf32, #tpu.memory_space<vmem>> -> memref<128x64xf32, #tpu.memory_space<vmem>>
        %dma_wait3A_305 = arith.constant 0 : i32
        %dma_wait3A_306 = tpu.memref_slice %arg4[%multiple_of3A, %dma_wait3A_305] : memref<819200x64xf32, #tpu.memory_space<hbm>> -> memref<128x64xf32, #tpu.memory_space<hbm>>
        %dma_wait3A_307 = arith.constant 0 : i32
        %dma_wait3A_308 = tpu.memref_slice %arg4[%multiple_of3A, %dma_wait3A_307] : memref<819200x64xf32, #tpu.memory_space<hbm>> -> memref<128x64xf32, #tpu.memory_space<hbm>>
        %dma_wait3A_309 = arith.constant 0 : i32
        %dma_wait3A_310 = arith.constant 0 : i32
        %dma_wait3A_311 = tpu.memref_slice %arg10[%dma_wait3A_300, %dma_wait3A_309, %dma_wait3A_310] : memref<2x128x64xf32, #tpu.memory_space<vmem>> -> memref<1x128x64xf32, #tpu.memory_space<vmem>>
        %dma_wait3A_312 = tpu.memref_squeeze %dma_wait3A_311 : memref<1x128x64xf32, #tpu.memory_space<vmem>> -> memref<128x64xf32, #tpu.memory_space<vmem>>
        tpu.wait_dma2 semaphore(%arg14 : memref<!tpu.dma_semaphore, #tpu.memory_space<semaphore_mem>>) src(%dma_wait3A_312 : memref<128x64xf32, #tpu.memory_space<vmem>>) dst(%dma_wait3A_308 : memref<128x64xf32, #tpu.memory_space<hbm>>)
      } else {
      }
      %scan3A_271 = arith.constant 0 : i32
      %scan3A_272 = arith.constant 8 : i32
      %scan3A_273 = arith.addi %scan3A_271, %scan3A_272 : i32
      %scan3A_274 = arith.constant 1 : i32
      scf.for %scan3A_300 = %scan3A_271 to %scan3A_273 step %scan3A_274  : i32 {
        %mul3A_301 = arith.constant 1 : i32
        %mul3A_302 = arith.muli %scan3A_300, %mul3A_301 : i32
        %add3A_303 = arith.constant 0 : i32
        %add3A_304 = arith.addi %add3A_303, %mul3A_302 : i32
        %mul3A_305 = arith.constant 16 : i32
        %mul3A_306 = arith.muli %add3A_304, %mul3A_305 : i32
        %get3A_307 = arith.index_cast %mul3A_306 : i32 to index
        %get3A_308 = tpu.vector_load %arg6[%get3A_307] {strides = array<i32>} : memref<128xi32, #tpu.memory_space<vmem>>, vector<16xi32>,
        %get3A_309 = vector.shape_cast %get3A_308 : vector<16xi32> to vector<16xi32>
        %and3A = arith.constant 1 : i32
        %and3A_310 = vector.broadcast %and3A : i32 to vector<16xi32>
        %and3A_311 = arith.andi %get3A_309, %and3A_310 : vector<16xi32>
        %mul3A_312 = arith.constant 64 : i32
        %mul3A_313 = vector.broadcast %mul3A_312 : i32 to vector<16xi32>
        %mul3A_314 = arith.muli %and3A_311, %mul3A_313 : vector<16xi32>
        %mul3A_315 = arith.constant 16 : i32
        %mul3A_316 = arith.muli %add3A_304, %mul3A_315 : i32
        %add3A_317 = arith.constant 0 : i32
        %add3A_318 = arith.addi %mul3A_316, %add3A_317 : i32
        %slice3A = vector.extract_strided_slice %mul3A_314 {offsets = [0], sizes = [1], strides = [1]} : vector<16xi32> to vector<1xi32>
        %squeeze3A = vector.extract %slice3A[0] : i32 from vector<1xi32>
        %add3A_319 = arith.constant 0 : i32
        %add3A_320 = arith.addi %squeeze3A, %add3A_319 : i32
        %get3A_321 = arith.constant 1 : i32
        %get3A_322 = arith.index_cast %get3A_321 : i32 to index
        %get3A_323 = arith.index_cast %add3A_318 : i32 to index
        %get3A_324 = arith.index_cast %add3A_320 : i32 to index
        %get3A_325 = tpu.vector_load %arg9[%get3A_322, %get3A_323, %get3A_324] {strides = array<i32>} : memref<2x128x128xf32, #tpu.memory_space<vmem>>, vector<1x1x16xf32>,
        %get3A_326 = vector.shape_cast %get3A_325 : vector<1x1x16xf32> to vector<16xf32>
        %swap3A_327 = arith.constant 1 : i32
        %swap3A_328 = arith.index_cast %swap3A_327 : i32 to index
        %swap3A_329 = arith.index_cast %add3A_318 : i32 to index
        %swap3A_330 = arith.constant 0 : index
        %swap3A_331 = tpu.vector_load %arg10[%swap3A_328, %swap3A_329, %swap3A_330] {strides = array<i32>} : memref<2x128x64xf32, #tpu.memory_space<vmem>>, vector<1x1x16xf32>,
        %swap3A_332 = vector.shape_cast %swap3A_331 : vector<1x1x16xf32> to vector<16xf32>
        %swap3A_333 = vector.shape_cast %get3A_326 : vector<16xf32> to vector<1x1x16xf32>
        tpu.vector_store %arg10[%swap3A_328, %swap3A_329, %swap3A_330], %swap3A_333 {strides = array<i32>} : memref<2x128x64xf32, #tpu.memory_space<vmem>>, vector<1x1x16xf32>,
        %add3A_334 = arith.constant 16 : i32
        %add3A_335 = arith.addi %squeeze3A, %add3A_334 : i32
        %get3A_336 = arith.constant 1 : i32
        %get3A_337 = arith.index_cast %get3A_336 : i32 to index
        %get3A_338 = arith.index_cast %add3A_318 : i32 to index
        %get3A_339 = arith.index_cast %add3A_335 : i32 to index
        %get3A_340 = tpu.vector_load %arg9[%get3A_337, %get3A_338, %get3A_339] {strides = array<i32>} : memref<2x128x128xf32, #tpu.memory_space<vmem>>, vector<1x1x16xf32>,
        %get3A_341 = vector.shape_cast %get3A_340 : vector<1x1x16xf32> to vector<16xf32>
        %swap3A_342 = arith.constant 1 : i32
        %swap3A_343 = arith.index_cast %swap3A_342 : i32 to index
        %swap3A_344 = arith.index_cast %add3A_318 : i32 to index
        %swap3A_345 = arith.constant 16 : index
        %swap3A_346 = tpu.vector_load %arg10[%swap3A_343, %swap3A_344, %swap3A_345] {strides = array<i32>} : memref<2x128x64xf32, #tpu.memory_space<vmem>>, vector<1x1x16xf32>,
        %swap3A_347 = vector.shape_cast %swap3A_346 : vector<1x1x16xf32> to vector<16xf32>
        %swap3A_348 = vector.shape_cast %get3A_341 : vector<16xf32> to vector<1x1x16xf32>
        tpu.vector_store %arg10[%swap3A_343, %swap3A_344, %swap3A_345], %swap3A_348 {strides = array<i32>} : memref<2x128x64xf32, #tpu.memory_space<vmem>>, vector<1x1x16xf32>,
        %add3A_349 = arith.constant 32 : i32
        %add3A_350 = arith.addi %squeeze3A, %add3A_349 : i32
        %get3A_351 = arith.constant 1 : i32
        %get3A_352 = arith.index_cast %get3A_351 : i32 to index
        %get3A_353 = arith.index_cast %add3A_318 : i32 to index
        %get3A_354 = arith.index_cast %add3A_350 : i32 to index
        %get3A_355 = tpu.vector_load %arg9[%get3A_352, %get3A_353, %get3A_354] {strides = array<i32>} : memref<2x128x128xf32, #tpu.memory_space<vmem>>, vector<1x1x16xf32>,
        %get3A_356 = vector.shape_cast %get3A_355 : vector<1x1x16xf32> to vector<16xf32>
        %swap3A_357 = arith.constant 1 : i32
        %swap3A_358 = arith.index_cast %swap3A_357 : i32 to index
        %swap3A_359 = arith.index_cast %add3A_318 : i32 to index
        %swap3A_360 = arith.constant 32 : index
        %swap3A_361 = tpu.vector_load %arg10[%swap3A_358, %swap3A_359, %swap3A_360] {strides = array<i32>} : memref<2x128x64xf32, #tpu.memory_space<vmem>>, vector<1x1x16xf32>,
        %swap3A_362 = vector.shape_cast %swap3A_361 : vector<1x1x16xf32> to vector<16xf32>
        %swap3A_363 = vector.shape_cast %get3A_356 : vector<16xf32> to vector<1x1x16xf32>
        tpu.vector_store %arg10[%swap3A_358, %swap3A_359, %swap3A_360], %swap3A_363 {strides = array<i32>} : memref<2x128x64xf32, #tpu.memory_space<vmem>>, vector<1x1x16xf32>,
        %add3A_364 = arith.constant 48 : i32
        %add3A_365 = arith.addi %squeeze3A, %add3A_364 : i32
        %get3A_366 = arith.constant 1 : i32
        %get3A_367 = arith.index_cast %get3A_366 : i32 to index
        %get3A_368 = arith.index_cast %add3A_318 : i32 to index
        %get3A_369 = arith.index_cast %add3A_365 : i32 to index
        %get3A_370 = tpu.vector_load %arg9[%get3A_367, %get3A_368, %get3A_369] {strides = array<i32>} : memref<2x128x128xf32, #tpu.memory_space<vmem>>, vector<1x1x16xf32>,
        %get3A_371 = vector.shape_cast %get3A_370 : vector<1x1x16xf32> to vector<16xf32>
        %swap3A_372 = arith.constant 1 : i32
        %swap3A_373 = arith.index_cast %swap3A_372 : i32 to index
        %swap3A_374 = arith.index_cast %add3A_318 : i32 to index
        %swap3A_375 = arith.constant 48 : index
        %swap3A_376 = tpu.vector_load %arg10[%swap3A_373, %swap3A_374, %swap3A_375] {strides = array<i32>} : memref<2x128x64xf32, #tpu.memory_space<vmem>>, vector<1x1x16xf32>,
        %swap3A_377 = vector.shape_cast %swap3A_376 : vector<1x1x16xf32> to vector<16xf32>
        %swap3A_378 = vector.shape_cast %get3A_371 : vector<16xf32> to vector<1x1x16xf32>
        tpu.vector_store %arg10[%swap3A_373, %swap3A_374, %swap3A_375], %swap3A_378 {strides = array<i32>} : memref<2x128x64xf32, #tpu.memory_space<vmem>>, vector<1x1x16xf32>,
        %mul3A_379 = arith.constant 16 : i32
        %mul3A_380 = arith.muli %add3A_304, %mul3A_379 : i32
        %add3A_381 = arith.constant 1 : i32
        %add3A_382 = arith.addi %mul3A_380, %add3A_381 : i32
        %slice3A_383 = vector.extract_strided_slice %mul3A_314 {offsets = [1], sizes = [1], strides = [1]} : vector<16xi32> to vector<1xi32>
        %squeeze3A_384 = vector.extract %slice3A_383[0] : i32 from vector<1xi32>
        %add3A_385 = arith.constant 0 : i32
        %add3A_386 = arith.addi %squeeze3A_384, %add3A_385 : i32
        %get3A_387 = arith.constant 1 : i32
        %get3A_388 = arith.index_cast %get3A_387 : i32 to index
        %get3A_389 = arith.index_cast %add3A_382 : i32 to index
        %get3A_390 = arith.index_cast %add3A_386 : i32 to index
        %get3A_391 = tpu.vector_load %arg9[%get3A_388, %get3A_389, %get3A_390] {strides = array<i32>} : memref<2x128x128xf32, #tpu.memory_space<vmem>>, vector<1x1x16xf32>,
        %get3A_392 = vector.shape_cast %get3A_391 : vector<1x1x16xf32> to vector<16xf32>
        %swap3A_393 = arith.constant 1 : i32
        %swap3A_394 = arith.index_cast %swap3A_393 : i32 to index
        %swap3A_395 = arith.index_cast %add3A_382 : i32 to index
        %swap3A_396 = arith.constant 0 : index
        %swap3A_397 = tpu.vector_load %arg10[%swap3A_394, %swap3A_395, %swap3A_396] {strides = array<i32>} : memref<2x128x64xf32, #tpu.memory_space<vmem>>, vector<1x1x16xf32>,
        %swap3A_398 = vector.shape_cast %swap3A_397 : vector<1x1x16xf32> to vector<16xf32>
        %swap3A_399 = vector.shape_cast %get3A_392 : vector<16xf32> to vector<1x1x16xf32>
        tpu.vector_store %arg10[%swap3A_394, %swap3A_395, %swap3A_396], %swap3A_399 {strides = array<i32>} : memref<2x128x64xf32, #tpu.memory_space<vmem>>, vector<1x1x16xf32>,
        %add3A_400 = arith.constant 16 : i32
        %add3A_401 = arith.addi %squeeze3A_384, %add3A_400 : i32
        %get3A_402 = arith.constant 1 : i32
        %get3A_403 = arith.index_cast %get3A_402 : i32 to index
        %get3A_404 = arith.index_cast %add3A_382 : i32 to index
        %get3A_405 = arith.index_cast %add3A_401 : i32 to index
        %get3A_406 = tpu.vector_load %arg9[%get3A_403, %get3A_404, %get3A_405] {strides = array<i32>} : memref<2x128x128xf32, #tpu.memory_space<vmem>>, vector<1x1x16xf32>,
        %get3A_407 = vector.shape_cast %get3A_406 : vector<1x1x16xf32> to vector<16xf32>
        %swap3A_408 = arith.constant 1 : i32
        %swap3A_409 = arith.index_cast %swap3A_408 : i32 to index
        %swap3A_410 = arith.index_cast %add3A_382 : i32 to index
        %swap3A_411 = arith.constant 16 : index
        %swap3A_412 = tpu.vector_load %arg10[%swap3A_409, %swap3A_410, %swap3A_411] {strides = array<i32>} : memref<2x128x64xf32, #tpu.memory_space<vmem>>, vector<1x1x16xf32>,
        %swap3A_413 = vector.shape_cast %swap3A_412 : vector<1x1x16xf32> to vector<16xf32>
        %swap3A_414 = vector.shape_cast %get3A_407 : vector<16xf32> to vector<1x1x16xf32>
        tpu.vector_store %arg10[%swap3A_409, %swap3A_410, %swap3A_411], %swap3A_414 {strides = array<i32>} : memref<2x128x64xf32, #tpu.memory_space<vmem>>, vector<1x1x16xf32>,
        %add3A_415 = arith.constant 32 : i32
        %add3A_416 = arith.addi %squeeze3A_384, %add3A_415 : i32
        %get3A_417 = arith.constant 1 : i32
        %get3A_418 = arith.index_cast %get3A_417 : i32 to index
        %get3A_419 = arith.index_cast %add3A_382 : i32 to index
        %get3A_420 = arith.index_cast %add3A_416 : i32 to index
        %get3A_421 = tpu.vector_load %arg9[%get3A_418, %get3A_419, %get3A_420] {strides = array<i32>} : memref<2x128x128xf32, #tpu.memory_space<vmem>>, vector<1x1x16xf32>,
        %get3A_422 = vector.shape_cast %get3A_421 : vector<1x1x16xf32> to vector<16xf32>
        %swap3A_423 = arith.constant 1 : i32
        %swap3A_424 = arith.index_cast %swap3A_423 : i32 to index
        %swap3A_425 = arith.index_cast %add3A_382 : i32 to index
        %swap3A_426 = arith.constant 32 : index
        %swap3A_427 = tpu.vector_load %arg10[%swap3A_424, %swap3A_425, %swap3A_426] {strides = array<i32>} : memref<2x128x64xf32, #tpu.memory_space<vmem>>, vector<1x1x16xf32>,
        %swap3A_428 = vector.shape_cast %swap3A_427 : vector<1x1x16xf32> to vector<16xf32>
        %swap3A_429 = vector.shape_cast %get3A_422 : vector<16xf32> to vector<1x1x16xf32>
        tpu.vector_store %arg10[%swap3A_424, %swap3A_425, %swap3A_426], %swap3A_429 {strides = array<i32>} : memref<2x128x64xf32, #tpu.memory_space<vmem>>, vector<1x1x16xf32>,
        %add3A_430 = arith.constant 48 : i32
        %add3A_431 = arith.addi %squeeze3A_384, %add3A_430 : i32
        %get3A_432 = arith.constant 1 : i32
        %get3A_433 = arith.index_cast %get3A_432 : i32 to index
        %get3A_434 = arith.index_cast %add3A_382 : i32 to index
        %get3A_435 = arith.index_cast %add3A_431 : i32 to index
        %get3A_436 = tpu.vector_load %arg9[%get3A_433, %get3A_434, %get3A_435] {strides = array<i32>} : memref<2x128x128xf32, #tpu.memory_space<vmem>>, vector<1x1x16xf32>,
        %get3A_437 = vector.shape_cast %get3A_436 : vector<1x1x16xf32> to vector<16xf32>
        %swap3A_438 = arith.constant 1 : i32
        %swap3A_439 = arith.index_cast %swap3A_438 : i32 to index
        %swap3A_440 = arith.index_cast %add3A_382 : i32 to index
        %swap3A_441 = arith.constant 48 : index
        %swap3A_442 = tpu.vector_load %arg10[%swap3A_439, %swap3A_440, %swap3A_441] {strides = array<i32>} : memref<2x128x64xf32, #tpu.memory_space<vmem>>, vector<1x1x16xf32>,
        %swap3A_443 = vector.shape_cast %swap3A_442 : vector<1x1x16xf32> to vector<16xf32>
        %swap3A_444 = vector.shape_cast %get3A_437 : vector<16xf32> to vector<1x1x16xf32>
        tpu.vector_store %arg10[%swap3A_439, %swap3A_440, %swap3A_441], %swap3A_444 {strides = array<i32>} : memref<2x128x64xf32, #tpu.memory_space<vmem>>, vector<1x1x16xf32>,
        %mul3A_445 = arith.constant 16 : i32
        %mul3A_446 = arith.muli %add3A_304, %mul3A_445 : i32
        %add3A_447 = arith.constant 2 : i32
        %add3A_448 = arith.addi %mul3A_446, %add3A_447 : i32
        %slice3A_449 = vector.extract_strided_slice %mul3A_314 {offsets = [2], sizes = [1], strides = [1]} : vector<16xi32> to vector<1xi32>
        %squeeze3A_450 = vector.extract %slice3A_449[0] : i32 from vector<1xi32>
        %add3A_451 = arith.constant 0 : i32
        %add3A_452 = arith.addi %squeeze3A_450, %add3A_451 : i32
        %get3A_453 = arith.constant 1 : i32
        %get3A_454 = arith.index_cast %get3A_453 : i32 to index
        %get3A_455 = arith.index_cast %add3A_448 : i32 to index
        %get3A_456 = arith.index_cast %add3A_452 : i32 to index
        %get3A_457 = tpu.vector_load %arg9[%get3A_454, %get3A_455, %get3A_456] {strides = array<i32>} : memref<2x128x128xf32, #tpu.memory_space<vmem>>, vector<1x1x16xf32>,
        %get3A_458 = vector.shape_cast %get3A_457 : vector<1x1x16xf32> to vector<16xf32>
        %swap3A_459 = arith.constant 1 : i32
        %swap3A_460 = arith.index_cast %swap3A_459 : i32 to index
        %swap3A_461 = arith.index_cast %add3A_448 : i32 to index
        %swap3A_462 = arith.constant 0 : index
        %swap3A_463 = tpu.vector_load %arg10[%swap3A_460, %swap3A_461, %swap3A_462] {strides = array<i32>} : memref<2x128x64xf32, #tpu.memory_space<vmem>>, vector<1x1x16xf32>,
        %swap3A_464 = vector.shape_cast %swap3A_463 : vector<1x1x16xf32> to vector<16xf32>
        %swap3A_465 = vector.shape_cast %get3A_458 : vector<16xf32> to vector<1x1x16xf32>
        tpu.vector_store %arg10[%swap3A_460, %swap3A_461, %swap3A_462], %swap3A_465 {strides = array<i32>} : memref<2x128x64xf32, #tpu.memory_space<vmem>>, vector<1x1x16xf32>,
        %add3A_466 = arith.constant 16 : i32
        %add3A_467 = arith.addi %squeeze3A_450, %add3A_466 : i32
        %get3A_468 = arith.constant 1 : i32
        %get3A_469 = arith.index_cast %get3A_468 : i32 to index
        %get3A_470 = arith.index_cast %add3A_448 : i32 to index
        %get3A_471 = arith.index_cast %add3A_467 : i32 to index
        %get3A_472 = tpu.vector_load %arg9[%get3A_469, %get3A_470, %get3A_471] {strides = array<i32>} : memref<2x128x128xf32, #tpu.memory_space<vmem>>, vector<1x1x16xf32>,
        %get3A_473 = vector.shape_cast %get3A_472 : vector<1x1x16xf32> to vector<16xf32>
        %swap3A_474 = arith.constant 1 : i32
        %swap3A_475 = arith.index_cast %swap3A_474 : i32 to index
        %swap3A_476 = arith.index_cast %add3A_448 : i32 to index
        %swap3A_477 = arith.constant 16 : index
        %swap3A_478 = tpu.vector_load %arg10[%swap3A_475, %swap3A_476, %swap3A_477] {strides = array<i32>} : memref<2x128x64xf32, #tpu.memory_space<vmem>>, vector<1x1x16xf32>,
        %swap3A_479 = vector.shape_cast %swap3A_478 : vector<1x1x16xf32> to vector<16xf32>
        %swap3A_480 = vector.shape_cast %get3A_473 : vector<16xf32> to vector<1x1x16xf32>
        tpu.vector_store %arg10[%swap3A_475, %swap3A_476, %swap3A_477], %swap3A_480 {strides = array<i32>} : memref<2x128x64xf32, #tpu.memory_space<vmem>>, vector<1x1x16xf32>,
        %add3A_481 = arith.constant 32 : i32
        %add3A_482 = arith.addi %squeeze3A_450, %add3A_481 : i32
        %get3A_483 = arith.constant 1 : i32
        %get3A_484 = arith.index_cast %get3A_483 : i32 to index
        %get3A_485 = arith.index_cast %add3A_448 : i32 to index
        %get3A_486 = arith.index_cast %add3A_482 : i32 to index
        %get3A_487 = tpu.vector_load %arg9[%get3A_484, %get3A_485, %get3A_486] {strides = array<i32>} : memref<2x128x128xf32, #tpu.memory_space<vmem>>, vector<1x1x16xf32>,
        %get3A_488 = vector.shape_cast %get3A_487 : vector<1x1x16xf32> to vector<16xf32>
        %swap3A_489 = arith.constant 1 : i32
        %swap3A_490 = arith.index_cast %swap3A_489 : i32 to index
        %swap3A_491 = arith.index_cast %add3A_448 : i32 to index
        %swap3A_492 = arith.constant 32 : index
        %swap3A_493 = tpu.vector_load %arg10[%swap3A_490, %swap3A_491, %swap3A_492] {strides = array<i32>} : memref<2x128x64xf32, #tpu.memory_space<vmem>>, vector<1x1x16xf32>,
        %swap3A_494 = vector.shape_cast %swap3A_493 : vector<1x1x16xf32> to vector<16xf32>
        %swap3A_495 = vector.shape_cast %get3A_488 : vector<16xf32> to vector<1x1x16xf32>
        tpu.vector_store %arg10[%swap3A_490, %swap3A_491, %swap3A_492], %swap3A_495 {strides = array<i32>} : memref<2x128x64xf32, #tpu.memory_space<vmem>>, vector<1x1x16xf32>,
        %add3A_496 = arith.constant 48 : i32
        %add3A_497 = arith.addi %squeeze3A_450, %add3A_496 : i32
        %get3A_498 = arith.constant 1 : i32
        %get3A_499 = arith.index_cast %get3A_498 : i32 to index
        %get3A_500 = arith.index_cast %add3A_448 : i32 to index
        %get3A_501 = arith.index_cast %add3A_497 : i32 to index
        %get3A_502 = tpu.vector_load %arg9[%get3A_499, %get3A_500, %get3A_501] {strides = array<i32>} : memref<2x128x128xf32, #tpu.memory_space<vmem>>, vector<1x1x16xf32>,
        %get3A_503 = vector.shape_cast %get3A_502 : vector<1x1x16xf32> to vector<16xf32>
        %swap3A_504 = arith.constant 1 : i32
        %swap3A_505 = arith.index_cast %swap3A_504 : i32 to index
        %swap3A_506 = arith.index_cast %add3A_448 : i32 to index
        %swap3A_507 = arith.constant 48 : index
        %swap3A_508 = tpu.vector_load %arg10[%swap3A_505, %swap3A_506, %swap3A_507] {strides = array<i32>} : memref<2x128x64xf32, #tpu.memory_space<vmem>>, vector<1x1x16xf32>,
        %swap3A_509 = vector.shape_cast %swap3A_508 : vector<1x1x16xf32> to vector<16xf32>
        %swap3A_510 = vector.shape_cast %get3A_503 : vector<16xf32> to vector<1x1x16xf32>
        tpu.vector_store %arg10[%swap3A_505, %swap3A_506, %swap3A_507], %swap3A_510 {strides = array<i32>} : memref<2x128x64xf32, #tpu.memory_space<vmem>>, vector<1x1x16xf32>,
        %mul3A_511 = arith.constant 16 : i32
        %mul3A_512 = arith.muli %add3A_304, %mul3A_511 : i32
        %add3A_513 = arith.constant 3 : i32
        %add3A_514 = arith.addi %mul3A_512, %add3A_513 : i32
        %slice3A_515 = vector.extract_strided_slice %mul3A_314 {offsets = [3], sizes = [1], strides = [1]} : vector<16xi32> to vector<1xi32>
        %squeeze3A_516 = vector.extract %slice3A_515[0] : i32 from vector<1xi32>
        %add3A_517 = arith.constant 0 : i32
        %add3A_518 = arith.addi %squeeze3A_516, %add3A_517 : i32
        %get3A_519 = arith.constant 1 : i32
        %get3A_520 = arith.index_cast %get3A_519 : i32 to index
        %get3A_521 = arith.index_cast %add3A_514 : i32 to index
        %get3A_522 = arith.index_cast %add3A_518 : i32 to index
        %get3A_523 = tpu.vector_load %arg9[%get3A_520, %get3A_521, %get3A_522] {strides = array<i32>} : memref<2x128x128xf32, #tpu.memory_space<vmem>>, vector<1x1x16xf32>,
        %get3A_524 = vector.shape_cast %get3A_523 : vector<1x1x16xf32> to vector<16xf32>
        %swap3A_525 = arith.constant 1 : i32
        %swap3A_526 = arith.index_cast %swap3A_525 : i32 to index
        %swap3A_527 = arith.index_cast %add3A_514 : i32 to index
        %swap3A_528 = arith.constant 0 : index
        %swap3A_529 = tpu.vector_load %arg10[%swap3A_526, %swap3A_527, %swap3A_528] {strides = array<i32>} : memref<2x128x64xf32, #tpu.memory_space<vmem>>, vector<1x1x16xf32>,
        %swap3A_530 = vector.shape_cast %swap3A_529 : vector<1x1x16xf32> to vector<16xf32>
        %swap3A_531 = vector.shape_cast %get3A_524 : vector<16xf32> to vector<1x1x16xf32>
        tpu.vector_store %arg10[%swap3A_526, %swap3A_527, %swap3A_528], %swap3A_531 {strides = array<i32>} : memref<2x128x64xf32, #tpu.memory_space<vmem>>, vector<1x1x16xf32>,
        %add3A_532 = arith.constant 16 : i32
        %add3A_533 = arith.addi %squeeze3A_516, %add3A_532 : i32
        %get3A_534 = arith.constant 1 : i32
        %get3A_535 = arith.index_cast %get3A_534 : i32 to index
        %get3A_536 = arith.index_cast %add3A_514 : i32 to index
        %get3A_537 = arith.index_cast %add3A_533 : i32 to index
        %get3A_538 = tpu.vector_load %arg9[%get3A_535, %get3A_536, %get3A_537] {strides = array<i32>} : memref<2x128x128xf32, #tpu.memory_space<vmem>>, vector<1x1x16xf32>,
        %get3A_539 = vector.shape_cast %get3A_538 : vector<1x1x16xf32> to vector<16xf32>
        %swap3A_540 = arith.constant 1 : i32
        %swap3A_541 = arith.index_cast %swap3A_540 : i32 to index
        %swap3A_542 = arith.index_cast %add3A_514 : i32 to index
        %swap3A_543 = arith.constant 16 : index
        %swap3A_544 = tpu.vector_load %arg10[%swap3A_541, %swap3A_542, %swap3A_543] {strides = array<i32>} : memref<2x128x64xf32, #tpu.memory_space<vmem>>, vector<1x1x16xf32>,
        %swap3A_545 = vector.shape_cast %swap3A_544 : vector<1x1x16xf32> to vector<16xf32>
        %swap3A_546 = vector.shape_cast %get3A_539 : vector<16xf32> to vector<1x1x16xf32>
        tpu.vector_store %arg10[%swap3A_541, %swap3A_542, %swap3A_543], %swap3A_546 {strides = array<i32>} : memref<2x128x64xf32, #tpu.memory_space<vmem>>, vector<1x1x16xf32>,
        %add3A_547 = arith.constant 32 : i32
        %add3A_548 = arith.addi %squeeze3A_516, %add3A_547 : i32
        %get3A_549 = arith.constant 1 : i32
        %get3A_550 = arith.index_cast %get3A_549 : i32 to index
        %get3A_551 = arith.index_cast %add3A_514 : i32 to index
        %get3A_552 = arith.index_cast %add3A_548 : i32 to index
        %get3A_553 = tpu.vector_load %arg9[%get3A_550, %get3A_551, %get3A_552] {strides = array<i32>} : memref<2x128x128xf32, #tpu.memory_space<vmem>>, vector<1x1x16xf32>,
        %get3A_554 = vector.shape_cast %get3A_553 : vector<1x1x16xf32> to vector<16xf32>
        %swap3A_555 = arith.constant 1 : i32
        %swap3A_556 = arith.index_cast %swap3A_555 : i32 to index
        %swap3A_557 = arith.index_cast %add3A_514 : i32 to index
        %swap3A_558 = arith.constant 32 : index
        %swap3A_559 = tpu.vector_load %arg10[%swap3A_556, %swap3A_557, %swap3A_558] {strides = array<i32>} : memref<2x128x64xf32, #tpu.memory_space<vmem>>, vector<1x1x16xf32>,
        %swap3A_560 = vector.shape_cast %swap3A_559 : vector<1x1x16xf32> to vector<16xf32>
        %swap3A_561 = vector.shape_cast %get3A_554 : vector<16xf32> to vector<1x1x16xf32>
        tpu.vector_store %arg10[%swap3A_556, %swap3A_557, %swap3A_558], %swap3A_561 {strides = array<i32>} : memref<2x128x64xf32, #tpu.memory_space<vmem>>, vector<1x1x16xf32>,
        %add3A_562 = arith.constant 48 : i32
        %add3A_563 = arith.addi %squeeze3A_516, %add3A_562 : i32
        %get3A_564 = arith.constant 1 : i32
        %get3A_565 = arith.index_cast %get3A_564 : i32 to index
        %get3A_566 = arith.index_cast %add3A_514 : i32 to index
        %get3A_567 = arith.index_cast %add3A_563 : i32 to index
        %get3A_568 = tpu.vector_load %arg9[%get3A_565, %get3A_566, %get3A_567] {strides = array<i32>} : memref<2x128x128xf32, #tpu.memory_space<vmem>>, vector<1x1x16xf32>,
        %get3A_569 = vector.shape_cast %get3A_568 : vector<1x1x16xf32> to vector<16xf32>
        %swap3A_570 = arith.constant 1 : i32
        %swap3A_571 = arith.index_cast %swap3A_570 : i32 to index
        %swap3A_572 = arith.index_cast %add3A_514 : i32 to index
        %swap3A_573 = arith.constant 48 : index
        %swap3A_574 = tpu.vector_load %arg10[%swap3A_571, %swap3A_572, %swap3A_573] {strides = array<i32>} : memref<2x128x64xf32, #tpu.memory_space<vmem>>, vector<1x1x16xf32>,
        %swap3A_575 = vector.shape_cast %swap3A_574 : vector<1x1x16xf32> to vector<16xf32>
        %swap3A_576 = vector.shape_cast %get3A_569 : vector<16xf32> to vector<1x1x16xf32>
        tpu.vector_store %arg10[%swap3A_571, %swap3A_572, %swap3A_573], %swap3A_576 {strides = array<i32>} : memref<2x128x64xf32, #tpu.memory_space<vmem>>, vector<1x1x16xf32>,
        %mul3A_577 = arith.constant 16 : i32
        %mul3A_578 = arith.muli %add3A_304, %mul3A_577 : i32
        %add3A_579 = arith.constant 4 : i32
        %add3A_580 = arith.addi %mul3A_578, %add3A_579 : i32
        %slice3A_581 = vector.extract_strided_slice %mul3A_314 {offsets = [4], sizes = [1], strides = [1]} : vector<16xi32> to vector<1xi32>
        %squeeze3A_582 = vector.extract %slice3A_581[0] : i32 from vector<1xi32>
        %add3A_583 = arith.constant 0 : i32
        %add3A_584 = arith.addi %squeeze3A_582, %add3A_583 : i32
        %get3A_585 = arith.constant 1 : i32
        %get3A_586 = arith.index_cast %get3A_585 : i32 to index
        %get3A_587 = arith.index_cast %add3A_580 : i32 to index
        %get3A_588 = arith.index_cast %add3A_584 : i32 to index
        %get3A_589 = tpu.vector_load %arg9[%get3A_586, %get3A_587, %get3A_588] {strides = array<i32>} : memref<2x128x128xf32, #tpu.memory_space<vmem>>, vector<1x1x16xf32>,
        %get3A_590 = vector.shape_cast %get3A_589 : vector<1x1x16xf32> to vector<16xf32>
        %swap3A_591 = arith.constant 1 : i32
        %swap3A_592 = arith.index_cast %swap3A_591 : i32 to index
        %swap3A_593 = arith.index_cast %add3A_580 : i32 to index
        %swap3A_594 = arith.constant 0 : index
        %swap3A_595 = tpu.vector_load %arg10[%swap3A_592, %swap3A_593, %swap3A_594] {strides = array<i32>} : memref<2x128x64xf32, #tpu.memory_space<vmem>>, vector<1x1x16xf32>,
        %swap3A_596 = vector.shape_cast %swap3A_595 : vector<1x1x16xf32> to vector<16xf32>
        %swap3A_597 = vector.shape_cast %get3A_590 : vector<16xf32> to vector<1x1x16xf32>
        tpu.vector_store %arg10[%swap3A_592, %swap3A_593, %swap3A_594], %swap3A_597 {strides = array<i32>} : memref<2x128x64xf32, #tpu.memory_space<vmem>>, vector<1x1x16xf32>,
        %add3A_598 = arith.constant 16 : i32
        %add3A_599 = arith.addi %squeeze3A_582, %add3A_598 : i32
        %get3A_600 = arith.constant 1 : i32
        %get3A_601 = arith.index_cast %get3A_600 : i32 to index
        %get3A_602 = arith.index_cast %add3A_580 : i32 to index
        %get3A_603 = arith.index_cast %add3A_599 : i32 to index
        %get3A_604 = tpu.vector_load %arg9[%get3A_601, %get3A_602, %get3A_603] {strides = array<i32>} : memref<2x128x128xf32, #tpu.memory_space<vmem>>, vector<1x1x16xf32>,
        %get3A_605 = vector.shape_cast %get3A_604 : vector<1x1x16xf32> to vector<16xf32>
        %swap3A_606 = arith.constant 1 : i32
        %swap3A_607 = arith.index_cast %swap3A_606 : i32 to index
        %swap3A_608 = arith.index_cast %add3A_580 : i32 to index
        %swap3A_609 = arith.constant 16 : index
        %swap3A_610 = tpu.vector_load %arg10[%swap3A_607, %swap3A_608, %swap3A_609] {strides = array<i32>} : memref<2x128x64xf32, #tpu.memory_space<vmem>>, vector<1x1x16xf32>,
        %swap3A_611 = vector.shape_cast %swap3A_610 : vector<1x1x16xf32> to vector<16xf32>
        %swap3A_612 = vector.shape_cast %get3A_605 : vector<16xf32> to vector<1x1x16xf32>
        tpu.vector_store %arg10[%swap3A_607, %swap3A_608, %swap3A_609], %swap3A_612 {strides = array<i32>} : memref<2x128x64xf32, #tpu.memory_space<vmem>>, vector<1x1x16xf32>,
        %add3A_613 = arith.constant 32 : i32
        %add3A_614 = arith.addi %squeeze3A_582, %add3A_613 : i32
        %get3A_615 = arith.constant 1 : i32
        %get3A_616 = arith.index_cast %get3A_615 : i32 to index
        %get3A_617 = arith.index_cast %add3A_580 : i32 to index
        %get3A_618 = arith.index_cast %add3A_614 : i32 to index
        %get3A_619 = tpu.vector_load %arg9[%get3A_616, %get3A_617, %get3A_618] {strides = array<i32>} : memref<2x128x128xf32, #tpu.memory_space<vmem>>, vector<1x1x16xf32>,
        %get3A_620 = vector.shape_cast %get3A_619 : vector<1x1x16xf32> to vector<16xf32>
        %swap3A_621 = arith.constant 1 : i32
        %swap3A_622 = arith.index_cast %swap3A_621 : i32 to index
        %swap3A_623 = arith.index_cast %add3A_580 : i32 to index
        %swap3A_624 = arith.constant 32 : index
        %swap3A_625 = tpu.vector_load %arg10[%swap3A_622, %swap3A_623, %swap3A_624] {strides = array<i32>} : memref<2x128x64xf32, #tpu.memory_space<vmem>>, vector<1x1x16xf32>,
        %swap3A_626 = vector.shape_cast %swap3A_625 : vector<1x1x16xf32> to vector<16xf32>
        %swap3A_627 = vector.shape_cast %get3A_620 : vector<16xf32> to vector<1x1x16xf32>
        tpu.vector_store %arg10[%swap3A_622, %swap3A_623, %swap3A_624], %swap3A_627 {strides = array<i32>} : memref<2x128x64xf32, #tpu.memory_space<vmem>>, vector<1x1x16xf32>,
        %add3A_628 = arith.constant 48 : i32
        %add3A_629 = arith.addi %squeeze3A_582, %add3A_628 : i32
        %get3A_630 = arith.constant 1 : i32
        %get3A_631 = arith.index_cast %get3A_630 : i32 to index
        %get3A_632 = arith.index_cast %add3A_580 : i32 to index
        %get3A_633 = arith.index_cast %add3A_629 : i32 to index
        %get3A_634 = tpu.vector_load %arg9[%get3A_631, %get3A_632, %get3A_633] {strides = array<i32>} : memref<2x128x128xf32, #tpu.memory_space<vmem>>, vector<1x1x16xf32>,
        %get3A_635 = vector.shape_cast %get3A_634 : vector<1x1x16xf32> to vector<16xf32>
        %swap3A_636 = arith.constant 1 : i32
        %swap3A_637 = arith.index_cast %swap3A_636 : i32 to index
        %swap3A_638 = arith.index_cast %add3A_580 : i32 to index
        %swap3A_639 = arith.constant 48 : index
        %swap3A_640 = tpu.vector_load %arg10[%swap3A_637, %swap3A_638, %swap3A_639] {strides = array<i32>} : memref<2x128x64xf32, #tpu.memory_space<vmem>>, vector<1x1x16xf32>,
        %swap3A_641 = vector.shape_cast %swap3A_640 : vector<1x1x16xf32> to vector<16xf32>
        %swap3A_642 = vector.shape_cast %get3A_635 : vector<16xf32> to vector<1x1x16xf32>
        tpu.vector_store %arg10[%swap3A_637, %swap3A_638, %swap3A_639], %swap3A_642 {strides = array<i32>} : memref<2x128x64xf32, #tpu.memory_space<vmem>>, vector<1x1x16xf32>,
        %mul3A_643 = arith.constant 16 : i32
        %mul3A_644 = arith.muli %add3A_304, %mul3A_643 : i32
        %add3A_645 = arith.constant 5 : i32
        %add3A_646 = arith.addi %mul3A_644, %add3A_645 : i32
        %slice3A_647 = vector.extract_strided_slice %mul3A_314 {offsets = [5], sizes = [1], strides = [1]} : vector<16xi32> to vector<1xi32>
        %squeeze3A_648 = vector.extract %slice3A_647[0] : i32 from vector<1xi32>
        %add3A_649 = arith.constant 0 : i32
        %add3A_650 = arith.addi %squeeze3A_648, %add3A_649 : i32
        %get3A_651 = arith.constant 1 : i32
        %get3A_652 = arith.index_cast %get3A_651 : i32 to index
        %get3A_653 = arith.index_cast %add3A_646 : i32 to index
        %get3A_654 = arith.index_cast %add3A_650 : i32 to index
        %get3A_655 = tpu.vector_load %arg9[%get3A_652, %get3A_653, %get3A_654] {strides = array<i32>} : memref<2x128x128xf32, #tpu.memory_space<vmem>>, vector<1x1x16xf32>,
        %get3A_656 = vector.shape_cast %get3A_655 : vector<1x1x16xf32> to vector<16xf32>
        %swap3A_657 = arith.constant 1 : i32
        %swap3A_658 = arith.index_cast %swap3A_657 : i32 to index
        %swap3A_659 = arith.index_cast %add3A_646 : i32 to index
        %swap3A_660 = arith.constant 0 : index
        %swap3A_661 = tpu.vector_load %arg10[%swap3A_658, %swap3A_659, %swap3A_660] {strides = array<i32>} : memref<2x128x64xf32, #tpu.memory_space<vmem>>, vector<1x1x16xf32>,
        %swap3A_662 = vector.shape_cast %swap3A_661 : vector<1x1x16xf32> to vector<16xf32>
        %swap3A_663 = vector.shape_cast %get3A_656 : vector<16xf32> to vector<1x1x16xf32>
        tpu.vector_store %arg10[%swap3A_658, %swap3A_659, %swap3A_660], %swap3A_663 {strides = array<i32>} : memref<2x128x64xf32, #tpu.memory_space<vmem>>, vector<1x1x16xf32>,
        %add3A_664 = arith.constant 16 : i32
        %add3A_665 = arith.addi %squeeze3A_648, %add3A_664 : i32
        %get3A_666 = arith.constant 1 : i32
        %get3A_667 = arith.index_cast %get3A_666 : i32 to index
        %get3A_668 = arith.index_cast %add3A_646 : i32 to index
        %get3A_669 = arith.index_cast %add3A_665 : i32 to index
        %get3A_670 = tpu.vector_load %arg9[%get3A_667, %get3A_668, %get3A_669] {strides = array<i32>} : memref<2x128x128xf32, #tpu.memory_space<vmem>>, vector<1x1x16xf32>,
        %get3A_671 = vector.shape_cast %get3A_670 : vector<1x1x16xf32> to vector<16xf32>
        %swap3A_672 = arith.constant 1 : i32
        %swap3A_673 = arith.index_cast %swap3A_672 : i32 to index
        %swap3A_674 = arith.index_cast %add3A_646 : i32 to index
        %swap3A_675 = arith.constant 16 : index
        %swap3A_676 = tpu.vector_load %arg10[%swap3A_673, %swap3A_674, %swap3A_675] {strides = array<i32>} : memref<2x128x64xf32, #tpu.memory_space<vmem>>, vector<1x1x16xf32>,
        %swap3A_677 = vector.shape_cast %swap3A_676 : vector<1x1x16xf32> to vector<16xf32>
        %swap3A_678 = vector.shape_cast %get3A_671 : vector<16xf32> to vector<1x1x16xf32>
        tpu.vector_store %arg10[%swap3A_673, %swap3A_674, %swap3A_675], %swap3A_678 {strides = array<i32>} : memref<2x128x64xf32, #tpu.memory_space<vmem>>, vector<1x1x16xf32>,
        %add3A_679 = arith.constant 32 : i32
        %add3A_680 = arith.addi %squeeze3A_648, %add3A_679 : i32
        %get3A_681 = arith.constant 1 : i32
        %get3A_682 = arith.index_cast %get3A_681 : i32 to index
        %get3A_683 = arith.index_cast %add3A_646 : i32 to index
        %get3A_684 = arith.index_cast %add3A_680 : i32 to index
        %get3A_685 = tpu.vector_load %arg9[%get3A_682, %get3A_683, %get3A_684] {strides = array<i32>} : memref<2x128x128xf32, #tpu.memory_space<vmem>>, vector<1x1x16xf32>,
        %get3A_686 = vector.shape_cast %get3A_685 : vector<1x1x16xf32> to vector<16xf32>
        %swap3A_687 = arith.constant 1 : i32
        %swap3A_688 = arith.index_cast %swap3A_687 : i32 to index
        %swap3A_689 = arith.index_cast %add3A_646 : i32 to index
        %swap3A_690 = arith.constant 32 : index
        %swap3A_691 = tpu.vector_load %arg10[%swap3A_688, %swap3A_689, %swap3A_690] {strides = array<i32>} : memref<2x128x64xf32, #tpu.memory_space<vmem>>, vector<1x1x16xf32>,
        %swap3A_692 = vector.shape_cast %swap3A_691 : vector<1x1x16xf32> to vector<16xf32>
        %swap3A_693 = vector.shape_cast %get3A_686 : vector<16xf32> to vector<1x1x16xf32>
        tpu.vector_store %arg10[%swap3A_688, %swap3A_689, %swap3A_690], %swap3A_693 {strides = array<i32>} : memref<2x128x64xf32, #tpu.memory_space<vmem>>, vector<1x1x16xf32>,
        %add3A_694 = arith.constant 48 : i32
        %add3A_695 = arith.addi %squeeze3A_648, %add3A_694 : i32
        %get3A_696 = arith.constant 1 : i32
        %get3A_697 = arith.index_cast %get3A_696 : i32 to index
        %get3A_698 = arith.index_cast %add3A_646 : i32 to index
        %get3A_699 = arith.index_cast %add3A_695 : i32 to index
        %get3A_700 = tpu.vector_load %arg9[%get3A_697, %get3A_698, %get3A_699] {strides = array<i32>} : memref<2x128x128xf32, #tpu.memory_space<vmem>>, vector<1x1x16xf32>,
        %get3A_701 = vector.shape_cast %get3A_700 : vector<1x1x16xf32> to vector<16xf32>
        %swap3A_702 = arith.constant 1 : i32
        %swap3A_703 = arith.index_cast %swap3A_702 : i32 to index
        %swap3A_704 = arith.index_cast %add3A_646 : i32 to index
        %swap3A_705 = arith.constant 48 : index
        %swap3A_706 = tpu.vector_load %arg10[%swap3A_703, %swap3A_704, %swap3A_705] {strides = array<i32>} : memref<2x128x64xf32, #tpu.memory_space<vmem>>, vector<1x1x16xf32>,
        %swap3A_707 = vector.shape_cast %swap3A_706 : vector<1x1x16xf32> to vector<16xf32>
        %swap3A_708 = vector.shape_cast %get3A_701 : vector<16xf32> to vector<1x1x16xf32>
        tpu.vector_store %arg10[%swap3A_703, %swap3A_704, %swap3A_705], %swap3A_708 {strides = array<i32>} : memref<2x128x64xf32, #tpu.memory_space<vmem>>, vector<1x1x16xf32>,
        %mul3A_709 = arith.constant 16 : i32
        %mul3A_710 = arith.muli %add3A_304, %mul3A_709 : i32
        %add3A_711 = arith.constant 6 : i32
        %add3A_712 = arith.addi %mul3A_710, %add3A_711 : i32
        %slice3A_713 = vector.extract_strided_slice %mul3A_314 {offsets = [6], sizes = [1], strides = [1]} : vector<16xi32> to vector<1xi32>
        %squeeze3A_714 = vector.extract %slice3A_713[0] : i32 from vector<1xi32>
        %add3A_715 = arith.constant 0 : i32
        %add3A_716 = arith.addi %squeeze3A_714, %add3A_715 : i32
        %get3A_717 = arith.constant 1 : i32
        %get3A_718 = arith.index_cast %get3A_717 : i32 to index
        %get3A_719 = arith.index_cast %add3A_712 : i32 to index
        %get3A_720 = arith.index_cast %add3A_716 : i32 to index
        %get3A_721 = tpu.vector_load %arg9[%get3A_718, %get3A_719, %get3A_720] {strides = array<i32>} : memref<2x128x128xf32, #tpu.memory_space<vmem>>, vector<1x1x16xf32>,
        %get3A_722 = vector.shape_cast %get3A_721 : vector<1x1x16xf32> to vector<16xf32>
        %swap3A_723 = arith.constant 1 : i32
        %swap3A_724 = arith.index_cast %swap3A_723 : i32 to index
        %swap3A_725 = arith.index_cast %add3A_712 : i32 to index
        %swap3A_726 = arith.constant 0 : index
        %swap3A_727 = tpu.vector_load %arg10[%swap3A_724, %swap3A_725, %swap3A_726] {strides = array<i32>} : memref<2x128x64xf32, #tpu.memory_space<vmem>>, vector<1x1x16xf32>,
        %swap3A_728 = vector.shape_cast %swap3A_727 : vector<1x1x16xf32> to vector<16xf32>
        %swap3A_729 = vector.shape_cast %get3A_722 : vector<16xf32> to vector<1x1x16xf32>
        tpu.vector_store %arg10[%swap3A_724, %swap3A_725, %swap3A_726], %swap3A_729 {strides = array<i32>} : memref<2x128x64xf32, #tpu.memory_space<vmem>>, vector<1x1x16xf32>,
        %add3A_730 = arith.constant 16 : i32
        %add3A_731 = arith.addi %squeeze3A_714, %add3A_730 : i32
        %get3A_732 = arith.constant 1 : i32
        %get3A_733 = arith.index_cast %get3A_732 : i32 to index
        %get3A_734 = arith.index_cast %add3A_712 : i32 to index
        %get3A_735 = arith.index_cast %add3A_731 : i32 to index
        %get3A_736 = tpu.vector_load %arg9[%get3A_733, %get3A_734, %get3A_735] {strides = array<i32>} : memref<2x128x128xf32, #tpu.memory_space<vmem>>, vector<1x1x16xf32>,
        %get3A_737 = vector.shape_cast %get3A_736 : vector<1x1x16xf32> to vector<16xf32>
        %swap3A_738 = arith.constant 1 : i32
        %swap3A_739 = arith.index_cast %swap3A_738 : i32 to index
        %swap3A_740 = arith.index_cast %add3A_712 : i32 to index
        %swap3A_741 = arith.constant 16 : index
        %swap3A_742 = tpu.vector_load %arg10[%swap3A_739, %swap3A_740, %swap3A_741] {strides = array<i32>} : memref<2x128x64xf32, #tpu.memory_space<vmem>>, vector<1x1x16xf32>,
        %swap3A_743 = vector.shape_cast %swap3A_742 : vector<1x1x16xf32> to vector<16xf32>
        %swap3A_744 = vector.shape_cast %get3A_737 : vector<16xf32> to vector<1x1x16xf32>
        tpu.vector_store %arg10[%swap3A_739, %swap3A_740, %swap3A_741], %swap3A_744 {strides = array<i32>} : memref<2x128x64xf32, #tpu.memory_space<vmem>>, vector<1x1x16xf32>,
        %add3A_745 = arith.constant 32 : i32
        %add3A_746 = arith.addi %squeeze3A_714, %add3A_745 : i32
        %get3A_747 = arith.constant 1 : i32
        %get3A_748 = arith.index_cast %get3A_747 : i32 to index
        %get3A_749 = arith.index_cast %add3A_712 : i32 to index
        %get3A_750 = arith.index_cast %add3A_746 : i32 to index
        %get3A_751 = tpu.vector_load %arg9[%get3A_748, %get3A_749, %get3A_750] {strides = array<i32>} : memref<2x128x128xf32, #tpu.memory_space<vmem>>, vector<1x1x16xf32>,
        %get3A_752 = vector.shape_cast %get3A_751 : vector<1x1x16xf32> to vector<16xf32>
        %swap3A_753 = arith.constant 1 : i32
        %swap3A_754 = arith.index_cast %swap3A_753 : i32 to index
        %swap3A_755 = arith.index_cast %add3A_712 : i32 to index
        %swap3A_756 = arith.constant 32 : index
        %swap3A_757 = tpu.vector_load %arg10[%swap3A_754, %swap3A_755, %swap3A_756] {strides = array<i32>} : memref<2x128x64xf32, #tpu.memory_space<vmem>>, vector<1x1x16xf32>,
        %swap3A_758 = vector.shape_cast %swap3A_757 : vector<1x1x16xf32> to vector<16xf32>
        %swap3A_759 = vector.shape_cast %get3A_752 : vector<16xf32> to vector<1x1x16xf32>
        tpu.vector_store %arg10[%swap3A_754, %swap3A_755, %swap3A_756], %swap3A_759 {strides = array<i32>} : memref<2x128x64xf32, #tpu.memory_space<vmem>>, vector<1x1x16xf32>,
        %add3A_760 = arith.constant 48 : i32
        %add3A_761 = arith.addi %squeeze3A_714, %add3A_760 : i32
        %get3A_762 = arith.constant 1 : i32
        %get3A_763 = arith.index_cast %get3A_762 : i32 to index
        %get3A_764 = arith.index_cast %add3A_712 : i32 to index
        %get3A_765 = arith.index_cast %add3A_761 : i32 to index
        %get3A_766 = tpu.vector_load %arg9[%get3A_763, %get3A_764, %get3A_765] {strides = array<i32>} : memref<2x128x128xf32, #tpu.memory_space<vmem>>, vector<1x1x16xf32>,
        %get3A_767 = vector.shape_cast %get3A_766 : vector<1x1x16xf32> to vector<16xf32>
        %swap3A_768 = arith.constant 1 : i32
        %swap3A_769 = arith.index_cast %swap3A_768 : i32 to index
        %swap3A_770 = arith.index_cast %add3A_712 : i32 to index
        %swap3A_771 = arith.constant 48 : index
        %swap3A_772 = tpu.vector_load %arg10[%swap3A_769, %swap3A_770, %swap3A_771] {strides = array<i32>} : memref<2x128x64xf32, #tpu.memory_space<vmem>>, vector<1x1x16xf32>,
        %swap3A_773 = vector.shape_cast %swap3A_772 : vector<1x1x16xf32> to vector<16xf32>
        %swap3A_774 = vector.shape_cast %get3A_767 : vector<16xf32> to vector<1x1x16xf32>
        tpu.vector_store %arg10[%swap3A_769, %swap3A_770, %swap3A_771], %swap3A_774 {strides = array<i32>} : memref<2x128x64xf32, #tpu.memory_space<vmem>>, vector<1x1x16xf32>,
        %mul3A_775 = arith.constant 16 : i32
        %mul3A_776 = arith.muli %add3A_304, %mul3A_775 : i32
        %add3A_777 = arith.constant 7 : i32
        %add3A_778 = arith.addi %mul3A_776, %add3A_777 : i32
        %slice3A_779 = vector.extract_strided_slice %mul3A_314 {offsets = [7], sizes = [1], strides = [1]} : vector<16xi32> to vector<1xi32>
        %squeeze3A_780 = vector.extract %slice3A_779[0] : i32 from vector<1xi32>
        %add3A_781 = arith.constant 0 : i32
        %add3A_782 = arith.addi %squeeze3A_780, %add3A_781 : i32
        %get3A_783 = arith.constant 1 : i32
        %get3A_784 = arith.index_cast %get3A_783 : i32 to index
        %get3A_785 = arith.index_cast %add3A_778 : i32 to index
        %get3A_786 = arith.index_cast %add3A_782 : i32 to index
        %get3A_787 = tpu.vector_load %arg9[%get3A_784, %get3A_785, %get3A_786] {strides = array<i32>} : memref<2x128x128xf32, #tpu.memory_space<vmem>>, vector<1x1x16xf32>,
        %get3A_788 = vector.shape_cast %get3A_787 : vector<1x1x16xf32> to vector<16xf32>
        %swap3A_789 = arith.constant 1 : i32
        %swap3A_790 = arith.index_cast %swap3A_789 : i32 to index
        %swap3A_791 = arith.index_cast %add3A_778 : i32 to index
        %swap3A_792 = arith.constant 0 : index
        %swap3A_793 = tpu.vector_load %arg10[%swap3A_790, %swap3A_791, %swap3A_792] {strides = array<i32>} : memref<2x128x64xf32, #tpu.memory_space<vmem>>, vector<1x1x16xf32>,
        %swap3A_794 = vector.shape_cast %swap3A_793 : vector<1x1x16xf32> to vector<16xf32>
        %swap3A_795 = vector.shape_cast %get3A_788 : vector<16xf32> to vector<1x1x16xf32>
        tpu.vector_store %arg10[%swap3A_790, %swap3A_791, %swap3A_792], %swap3A_795 {strides = array<i32>} : memref<2x128x64xf32, #tpu.memory_space<vmem>>, vector<1x1x16xf32>,
        %add3A_796 = arith.constant 16 : i32
        %add3A_797 = arith.addi %squeeze3A_780, %add3A_796 : i32
        %get3A_798 = arith.constant 1 : i32
        %get3A_799 = arith.index_cast %get3A_798 : i32 to index
        %get3A_800 = arith.index_cast %add3A_778 : i32 to index
        %get3A_801 = arith.index_cast %add3A_797 : i32 to index
        %get3A_802 = tpu.vector_load %arg9[%get3A_799, %get3A_800, %get3A_801] {strides = array<i32>} : memref<2x128x128xf32, #tpu.memory_space<vmem>>, vector<1x1x16xf32>,
        %get3A_803 = vector.shape_cast %get3A_802 : vector<1x1x16xf32> to vector<16xf32>
        %swap3A_804 = arith.constant 1 : i32
        %swap3A_805 = arith.index_cast %swap3A_804 : i32 to index
        %swap3A_806 = arith.index_cast %add3A_778 : i32 to index
        %swap3A_807 = arith.constant 16 : index
        %swap3A_808 = tpu.vector_load %arg10[%swap3A_805, %swap3A_806, %swap3A_807] {strides = array<i32>} : memref<2x128x64xf32, #tpu.memory_space<vmem>>, vector<1x1x16xf32>,
        %swap3A_809 = vector.shape_cast %swap3A_808 : vector<1x1x16xf32> to vector<16xf32>
        %swap3A_810 = vector.shape_cast %get3A_803 : vector<16xf32> to vector<1x1x16xf32>
        tpu.vector_store %arg10[%swap3A_805, %swap3A_806, %swap3A_807], %swap3A_810 {strides = array<i32>} : memref<2x128x64xf32, #tpu.memory_space<vmem>>, vector<1x1x16xf32>,
        %add3A_811 = arith.constant 32 : i32
        %add3A_812 = arith.addi %squeeze3A_780, %add3A_811 : i32
        %get3A_813 = arith.constant 1 : i32
        %get3A_814 = arith.index_cast %get3A_813 : i32 to index
        %get3A_815 = arith.index_cast %add3A_778 : i32 to index
        %get3A_816 = arith.index_cast %add3A_812 : i32 to index
        %get3A_817 = tpu.vector_load %arg9[%get3A_814, %get3A_815, %get3A_816] {strides = array<i32>} : memref<2x128x128xf32, #tpu.memory_space<vmem>>, vector<1x1x16xf32>,
        %get3A_818 = vector.shape_cast %get3A_817 : vector<1x1x16xf32> to vector<16xf32>
        %swap3A_819 = arith.constant 1 : i32
        %swap3A_820 = arith.index_cast %swap3A_819 : i32 to index
        %swap3A_821 = arith.index_cast %add3A_778 : i32 to index
        %swap3A_822 = arith.constant 32 : index
        %swap3A_823 = tpu.vector_load %arg10[%swap3A_820, %swap3A_821, %swap3A_822] {strides = array<i32>} : memref<2x128x64xf32, #tpu.memory_space<vmem>>, vector<1x1x16xf32>,
        %swap3A_824 = vector.shape_cast %swap3A_823 : vector<1x1x16xf32> to vector<16xf32>
        %swap3A_825 = vector.shape_cast %get3A_818 : vector<16xf32> to vector<1x1x16xf32>
        tpu.vector_store %arg10[%swap3A_820, %swap3A_821, %swap3A_822], %swap3A_825 {strides = array<i32>} : memref<2x128x64xf32, #tpu.memory_space<vmem>>, vector<1x1x16xf32>,
        %add3A_826 = arith.constant 48 : i32
        %add3A_827 = arith.addi %squeeze3A_780, %add3A_826 : i32
        %get3A_828 = arith.constant 1 : i32
        %get3A_829 = arith.index_cast %get3A_828 : i32 to index
        %get3A_830 = arith.index_cast %add3A_778 : i32 to index
        %get3A_831 = arith.index_cast %add3A_827 : i32 to index
        %get3A_832 = tpu.vector_load %arg9[%get3A_829, %get3A_830, %get3A_831] {strides = array<i32>} : memref<2x128x128xf32, #tpu.memory_space<vmem>>, vector<1x1x16xf32>,
        %get3A_833 = vector.shape_cast %get3A_832 : vector<1x1x16xf32> to vector<16xf32>
        %swap3A_834 = arith.constant 1 : i32
        %swap3A_835 = arith.index_cast %swap3A_834 : i32 to index
        %swap3A_836 = arith.index_cast %add3A_778 : i32 to index
        %swap3A_837 = arith.constant 48 : index
        %swap3A_838 = tpu.vector_load %arg10[%swap3A_835, %swap3A_836, %swap3A_837] {strides = array<i32>} : memref<2x128x64xf32, #tpu.memory_space<vmem>>, vector<1x1x16xf32>,
        %swap3A_839 = vector.shape_cast %swap3A_838 : vector<1x1x16xf32> to vector<16xf32>
        %swap3A_840 = vector.shape_cast %get3A_833 : vector<16xf32> to vector<1x1x16xf32>
        tpu.vector_store %arg10[%swap3A_835, %swap3A_836, %swap3A_837], %swap3A_840 {strides = array<i32>} : memref<2x128x64xf32, #tpu.memory_space<vmem>>, vector<1x1x16xf32>,
        %mul3A_841 = arith.constant 16 : i32
        %mul3A_842 = arith.muli %add3A_304, %mul3A_841 : i32
        %add3A_843 = arith.constant 8 : i32
        %add3A_844 = arith.addi %mul3A_842, %add3A_843 : i32
        %slice3A_845 = vector.extract_strided_slice %mul3A_314 {offsets = [8], sizes = [1], strides = [1]} : vector<16xi32> to vector<1xi32>
        %squeeze3A_846 = vector.extract %slice3A_845[0] : i32 from vector<1xi32>
        %add3A_847 = arith.constant 0 : i32
        %add3A_848 = arith.addi %squeeze3A_846, %add3A_847 : i32
        %get3A_849 = arith.constant 1 : i32
        %get3A_850 = arith.index_cast %get3A_849 : i32 to index
        %get3A_851 = arith.index_cast %add3A_844 : i32 to index
        %get3A_852 = arith.index_cast %add3A_848 : i32 to index
        %get3A_853 = tpu.vector_load %arg9[%get3A_850, %get3A_851, %get3A_852] {strides = array<i32>} : memref<2x128x128xf32, #tpu.memory_space<vmem>>, vector<1x1x16xf32>,
        %get3A_854 = vector.shape_cast %get3A_853 : vector<1x1x16xf32> to vector<16xf32>
        %swap3A_855 = arith.constant 1 : i32
        %swap3A_856 = arith.index_cast %swap3A_855 : i32 to index
        %swap3A_857 = arith.index_cast %add3A_844 : i32 to index
        %swap3A_858 = arith.constant 0 : index
        %swap3A_859 = tpu.vector_load %arg10[%swap3A_856, %swap3A_857, %swap3A_858] {strides = array<i32>} : memref<2x128x64xf32, #tpu.memory_space<vmem>>, vector<1x1x16xf32>,
        %swap3A_860 = vector.shape_cast %swap3A_859 : vector<1x1x16xf32> to vector<16xf32>
        %swap3A_861 = vector.shape_cast %get3A_854 : vector<16xf32> to vector<1x1x16xf32>
        tpu.vector_store %arg10[%swap3A_856, %swap3A_857, %swap3A_858], %swap3A_861 {strides = array<i32>} : memref<2x128x64xf32, #tpu.memory_space<vmem>>, vector<1x1x16xf32>,
        %add3A_862 = arith.constant 16 : i32
        %add3A_863 = arith.addi %squeeze3A_846, %add3A_862 : i32
        %get3A_864 = arith.constant 1 : i32
        %get3A_865 = arith.index_cast %get3A_864 : i32 to index
        %get3A_866 = arith.index_cast %add3A_844 : i32 to index
        %get3A_867 = arith.index_cast %add3A_863 : i32 to index
        %get3A_868 = tpu.vector_load %arg9[%get3A_865, %get3A_866, %get3A_867] {strides = array<i32>} : memref<2x128x128xf32, #tpu.memory_space<vmem>>, vector<1x1x16xf32>,
        %get3A_869 = vector.shape_cast %get3A_868 : vector<1x1x16xf32> to vector<16xf32>
        %swap3A_870 = arith.constant 1 : i32
        %swap3A_871 = arith.index_cast %swap3A_870 : i32 to index
        %swap3A_872 = arith.index_cast %add3A_844 : i32 to index
        %swap3A_873 = arith.constant 16 : index
        %swap3A_874 = tpu.vector_load %arg10[%swap3A_871, %swap3A_872, %swap3A_873] {strides = array<i32>} : memref<2x128x64xf32, #tpu.memory_space<vmem>>, vector<1x1x16xf32>,
        %swap3A_875 = vector.shape_cast %swap3A_874 : vector<1x1x16xf32> to vector<16xf32>
        %swap3A_876 = vector.shape_cast %get3A_869 : vector<16xf32> to vector<1x1x16xf32>
        tpu.vector_store %arg10[%swap3A_871, %swap3A_872, %swap3A_873], %swap3A_876 {strides = array<i32>} : memref<2x128x64xf32, #tpu.memory_space<vmem>>, vector<1x1x16xf32>,
        %add3A_877 = arith.constant 32 : i32
        %add3A_878 = arith.addi %squeeze3A_846, %add3A_877 : i32
        %get3A_879 = arith.constant 1 : i32
        %get3A_880 = arith.index_cast %get3A_879 : i32 to index
        %get3A_881 = arith.index_cast %add3A_844 : i32 to index
        %get3A_882 = arith.index_cast %add3A_878 : i32 to index
        %get3A_883 = tpu.vector_load %arg9[%get3A_880, %get3A_881, %get3A_882] {strides = array<i32>} : memref<2x128x128xf32, #tpu.memory_space<vmem>>, vector<1x1x16xf32>,
        %get3A_884 = vector.shape_cast %get3A_883 : vector<1x1x16xf32> to vector<16xf32>
        %swap3A_885 = arith.constant 1 : i32
        %swap3A_886 = arith.index_cast %swap3A_885 : i32 to index
        %swap3A_887 = arith.index_cast %add3A_844 : i32 to index
        %swap3A_888 = arith.constant 32 : index
        %swap3A_889 = tpu.vector_load %arg10[%swap3A_886, %swap3A_887, %swap3A_888] {strides = array<i32>} : memref<2x128x64xf32, #tpu.memory_space<vmem>>, vector<1x1x16xf32>,
        %swap3A_890 = vector.shape_cast %swap3A_889 : vector<1x1x16xf32> to vector<16xf32>
        %swap3A_891 = vector.shape_cast %get3A_884 : vector<16xf32> to vector<1x1x16xf32>
        tpu.vector_store %arg10[%swap3A_886, %swap3A_887, %swap3A_888], %swap3A_891 {strides = array<i32>} : memref<2x128x64xf32, #tpu.memory_space<vmem>>, vector<1x1x16xf32>,
        %add3A_892 = arith.constant 48 : i32
        %add3A_893 = arith.addi %squeeze3A_846, %add3A_892 : i32
        %get3A_894 = arith.constant 1 : i32
        %get3A_895 = arith.index_cast %get3A_894 : i32 to index
        %get3A_896 = arith.index_cast %add3A_844 : i32 to index
        %get3A_897 = arith.index_cast %add3A_893 : i32 to index
        %get3A_898 = tpu.vector_load %arg9[%get3A_895, %get3A_896, %get3A_897] {strides = array<i32>} : memref<2x128x128xf32, #tpu.memory_space<vmem>>, vector<1x1x16xf32>,
        %get3A_899 = vector.shape_cast %get3A_898 : vector<1x1x16xf32> to vector<16xf32>
        %swap3A_900 = arith.constant 1 : i32
        %swap3A_901 = arith.index_cast %swap3A_900 : i32 to index
        %swap3A_902 = arith.index_cast %add3A_844 : i32 to index
        %swap3A_903 = arith.constant 48 : index
        %swap3A_904 = tpu.vector_load %arg10[%swap3A_901, %swap3A_902, %swap3A_903] {strides = array<i32>} : memref<2x128x64xf32, #tpu.memory_space<vmem>>, vector<1x1x16xf32>,
        %swap3A_905 = vector.shape_cast %swap3A_904 : vector<1x1x16xf32> to vector<16xf32>
        %swap3A_906 = vector.shape_cast %get3A_899 : vector<16xf32> to vector<1x1x16xf32>
        tpu.vector_store %arg10[%swap3A_901, %swap3A_902, %swap3A_903], %swap3A_906 {strides = array<i32>} : memref<2x128x64xf32, #tpu.memory_space<vmem>>, vector<1x1x16xf32>,
        %mul3A_907 = arith.constant 16 : i32
        %mul3A_908 = arith.muli %add3A_304, %mul3A_907 : i32
        %add3A_909 = arith.constant 9 : i32
        %add3A_910 = arith.addi %mul3A_908, %add3A_909 : i32
        %slice3A_911 = vector.extract_strided_slice %mul3A_314 {offsets = [9], sizes = [1], strides = [1]} : vector<16xi32> to vector<1xi32>
        %squeeze3A_912 = vector.extract %slice3A_911[0] : i32 from vector<1xi32>
        %add3A_913 = arith.constant 0 : i32
        %add3A_914 = arith.addi %squeeze3A_912, %add3A_913 : i32
        %get3A_915 = arith.constant 1 : i32
        %get3A_916 = arith.index_cast %get3A_915 : i32 to index
        %get3A_917 = arith.index_cast %add3A_910 : i32 to index
        %get3A_918 = arith.index_cast %add3A_914 : i32 to index
        %get3A_919 = tpu.vector_load %arg9[%get3A_916, %get3A_917, %get3A_918] {strides = array<i32>} : memref<2x128x128xf32, #tpu.memory_space<vmem>>, vector<1x1x16xf32>,
        %get3A_920 = vector.shape_cast %get3A_919 : vector<1x1x16xf32> to vector<16xf32>
        %swap3A_921 = arith.constant 1 : i32
        %swap3A_922 = arith.index_cast %swap3A_921 : i32 to index
        %swap3A_923 = arith.index_cast %add3A_910 : i32 to index
        %swap3A_924 = arith.constant 0 : index
        %swap3A_925 = tpu.vector_load %arg10[%swap3A_922, %swap3A_923, %swap3A_924] {strides = array<i32>} : memref<2x128x64xf32, #tpu.memory_space<vmem>>, vector<1x1x16xf32>,
        %swap3A_926 = vector.shape_cast %swap3A_925 : vector<1x1x16xf32> to vector<16xf32>
        %swap3A_927 = vector.shape_cast %get3A_920 : vector<16xf32> to vector<1x1x16xf32>
        tpu.vector_store %arg10[%swap3A_922, %swap3A_923, %swap3A_924], %swap3A_927 {strides = array<i32>} : memref<2x128x64xf32, #tpu.memory_space<vmem>>, vector<1x1x16xf32>,
        %add3A_928 = arith.constant 16 : i32
        %add3A_929 = arith.addi %squeeze3A_912, %add3A_928 : i32
        %get3A_930 = arith.constant 1 : i32
        %get3A_931 = arith.index_cast %get3A_930 : i32 to index
        %get3A_932 = arith.index_cast %add3A_910 : i32 to index
        %get3A_933 = arith.index_cast %add3A_929 : i32 to index
        %get3A_934 = tpu.vector_load %arg9[%get3A_931, %get3A_932, %get3A_933] {strides = array<i32>} : memref<2x128x128xf32, #tpu.memory_space<vmem>>, vector<1x1x16xf32>,
        %get3A_935 = vector.shape_cast %get3A_934 : vector<1x1x16xf32> to vector<16xf32>
        %swap3A_936 = arith.constant 1 : i32
        %swap3A_937 = arith.index_cast %swap3A_936 : i32 to index
        %swap3A_938 = arith.index_cast %add3A_910 : i32 to index
        %swap3A_939 = arith.constant 16 : index
        %swap3A_940 = tpu.vector_load %arg10[%swap3A_937, %swap3A_938, %swap3A_939] {strides = array<i32>} : memref<2x128x64xf32, #tpu.memory_space<vmem>>, vector<1x1x16xf32>,
        %swap3A_941 = vector.shape_cast %swap3A_940 : vector<1x1x16xf32> to vector<16xf32>
        %swap3A_942 = vector.shape_cast %get3A_935 : vector<16xf32> to vector<1x1x16xf32>
        tpu.vector_store %arg10[%swap3A_937, %swap3A_938, %swap3A_939], %swap3A_942 {strides = array<i32>} : memref<2x128x64xf32, #tpu.memory_space<vmem>>, vector<1x1x16xf32>,
        %add3A_943 = arith.constant 32 : i32
        %add3A_944 = arith.addi %squeeze3A_912, %add3A_943 : i32
        %get3A_945 = arith.constant 1 : i32
        %get3A_946 = arith.index_cast %get3A_945 : i32 to index
        %get3A_947 = arith.index_cast %add3A_910 : i32 to index
        %get3A_948 = arith.index_cast %add3A_944 : i32 to index
        %get3A_949 = tpu.vector_load %arg9[%get3A_946, %get3A_947, %get3A_948] {strides = array<i32>} : memref<2x128x128xf32, #tpu.memory_space<vmem>>, vector<1x1x16xf32>,
        %get3A_950 = vector.shape_cast %get3A_949 : vector<1x1x16xf32> to vector<16xf32>
        %swap3A_951 = arith.constant 1 : i32
        %swap3A_952 = arith.index_cast %swap3A_951 : i32 to index
        %swap3A_953 = arith.index_cast %add3A_910 : i32 to index
        %swap3A_954 = arith.constant 32 : index
        %swap3A_955 = tpu.vector_load %arg10[%swap3A_952, %swap3A_953, %swap3A_954] {strides = array<i32>} : memref<2x128x64xf32, #tpu.memory_space<vmem>>, vector<1x1x16xf32>,
        %swap3A_956 = vector.shape_cast %swap3A_955 : vector<1x1x16xf32> to vector<16xf32>
        %swap3A_957 = vector.shape_cast %get3A_950 : vector<16xf32> to vector<1x1x16xf32>
        tpu.vector_store %arg10[%swap3A_952, %swap3A_953, %swap3A_954], %swap3A_957 {strides = array<i32>} : memref<2x128x64xf32, #tpu.memory_space<vmem>>, vector<1x1x16xf32>,
        %add3A_958 = arith.constant 48 : i32
        %add3A_959 = arith.addi %squeeze3A_912, %add3A_958 : i32
        %get3A_960 = arith.constant 1 : i32
        %get3A_961 = arith.index_cast %get3A_960 : i32 to index
        %get3A_962 = arith.index_cast %add3A_910 : i32 to index
        %get3A_963 = arith.index_cast %add3A_959 : i32 to index
        %get3A_964 = tpu.vector_load %arg9[%get3A_961, %get3A_962, %get3A_963] {strides = array<i32>} : memref<2x128x128xf32, #tpu.memory_space<vmem>>, vector<1x1x16xf32>,
        %get3A_965 = vector.shape_cast %get3A_964 : vector<1x1x16xf32> to vector<16xf32>
        %swap3A_966 = arith.constant 1 : i32
        %swap3A_967 = arith.index_cast %swap3A_966 : i32 to index
        %swap3A_968 = arith.index_cast %add3A_910 : i32 to index
        %swap3A_969 = arith.constant 48 : index
        %swap3A_970 = tpu.vector_load %arg10[%swap3A_967, %swap3A_968, %swap3A_969] {strides = array<i32>} : memref<2x128x64xf32, #tpu.memory_space<vmem>>, vector<1x1x16xf32>,
        %swap3A_971 = vector.shape_cast %swap3A_970 : vector<1x1x16xf32> to vector<16xf32>
        %swap3A_972 = vector.shape_cast %get3A_965 : vector<16xf32> to vector<1x1x16xf32>
        tpu.vector_store %arg10[%swap3A_967, %swap3A_968, %swap3A_969], %swap3A_972 {strides = array<i32>} : memref<2x128x64xf32, #tpu.memory_space<vmem>>, vector<1x1x16xf32>,
        %mul3A_973 = arith.constant 16 : i32
        %mul3A_974 = arith.muli %add3A_304, %mul3A_973 : i32
        %add3A_975 = arith.constant 10 : i32
        %add3A_976 = arith.addi %mul3A_974, %add3A_975 : i32
        %slice3A_977 = vector.extract_strided_slice %mul3A_314 {offsets = [10], sizes = [1], strides = [1]} : vector<16xi32> to vector<1xi32>
        %squeeze3A_978 = vector.extract %slice3A_977[0] : i32 from vector<1xi32>
        %add3A_979 = arith.constant 0 : i32
        %add3A_980 = arith.addi %squeeze3A_978, %add3A_979 : i32
        %get3A_981 = arith.constant 1 : i32
        %get3A_982 = arith.index_cast %get3A_981 : i32 to index
        %get3A_983 = arith.index_cast %add3A_976 : i32 to index
        %get3A_984 = arith.index_cast %add3A_980 : i32 to index
        %get3A_985 = tpu.vector_load %arg9[%get3A_982, %get3A_983, %get3A_984] {strides = array<i32>} : memref<2x128x128xf32, #tpu.memory_space<vmem>>, vector<1x1x16xf32>,
        %get3A_986 = vector.shape_cast %get3A_985 : vector<1x1x16xf32> to vector<16xf32>
        %swap3A_987 = arith.constant 1 : i32
        %swap3A_988 = arith.index_cast %swap3A_987 : i32 to index
        %swap3A_989 = arith.index_cast %add3A_976 : i32 to index
        %swap3A_990 = arith.constant 0 : index
        %swap3A_991 = tpu.vector_load %arg10[%swap3A_988, %swap3A_989, %swap3A_990] {strides = array<i32>} : memref<2x128x64xf32, #tpu.memory_space<vmem>>, vector<1x1x16xf32>,
        %swap3A_992 = vector.shape_cast %swap3A_991 : vector<1x1x16xf32> to vector<16xf32>
        %swap3A_993 = vector.shape_cast %get3A_986 : vector<16xf32> to vector<1x1x16xf32>
        tpu.vector_store %arg10[%swap3A_988, %swap3A_989, %swap3A_990], %swap3A_993 {strides = array<i32>} : memref<2x128x64xf32, #tpu.memory_space<vmem>>, vector<1x1x16xf32>,
        %add3A_994 = arith.constant 16 : i32
        %add3A_995 = arith.addi %squeeze3A_978, %add3A_994 : i32
        %get3A_996 = arith.constant 1 : i32
        %get3A_997 = arith.index_cast %get3A_996 : i32 to index
        %get3A_998 = arith.index_cast %add3A_976 : i32 to index
        %get3A_999 = arith.index_cast %add3A_995 : i32 to index
        %get3A_1000 = tpu.vector_load %arg9[%get3A_997, %get3A_998, %get3A_999] {strides = array<i32>} : memref<2x128x128xf32, #tpu.memory_space<vmem>>, vector<1x1x16xf32>,
        %get3A_1001 = vector.shape_cast %get3A_1000 : vector<1x1x16xf32> to vector<16xf32>
        %swap3A_1002 = arith.constant 1 : i32
        %swap3A_1003 = arith.index_cast %swap3A_1002 : i32 to index
        %swap3A_1004 = arith.index_cast %add3A_976 : i32 to index
        %swap3A_1005 = arith.constant 16 : index
        %swap3A_1006 = tpu.vector_load %arg10[%swap3A_1003, %swap3A_1004, %swap3A_1005] {strides = array<i32>} : memref<2x128x64xf32, #tpu.memory_space<vmem>>, vector<1x1x16xf32>,
        %swap3A_1007 = vector.shape_cast %swap3A_1006 : vector<1x1x16xf32> to vector<16xf32>
        %swap3A_1008 = vector.shape_cast %get3A_1001 : vector<16xf32> to vector<1x1x16xf32>
        tpu.vector_store %arg10[%swap3A_1003, %swap3A_1004, %swap3A_1005], %swap3A_1008 {strides = array<i32>} : memref<2x128x64xf32, #tpu.memory_space<vmem>>, vector<1x1x16xf32>,
        %add3A_1009 = arith.constant 32 : i32
        %add3A_1010 = arith.addi %squeeze3A_978, %add3A_1009 : i32
        %get3A_1011 = arith.constant 1 : i32
        %get3A_1012 = arith.index_cast %get3A_1011 : i32 to index
        %get3A_1013 = arith.index_cast %add3A_976 : i32 to index
        %get3A_1014 = arith.index_cast %add3A_1010 : i32 to index
        %get3A_1015 = tpu.vector_load %arg9[%get3A_1012, %get3A_1013, %get3A_1014] {strides = array<i32>} : memref<2x128x128xf32, #tpu.memory_space<vmem>>, vector<1x1x16xf32>,
        %get3A_1016 = vector.shape_cast %get3A_1015 : vector<1x1x16xf32> to vector<16xf32>
        %swap3A_1017 = arith.constant 1 : i32
        %swap3A_1018 = arith.index_cast %swap3A_1017 : i32 to index
        %swap3A_1019 = arith.index_cast %add3A_976 : i32 to index
        %swap3A_1020 = arith.constant 32 : index
        %swap3A_1021 = tpu.vector_load %arg10[%swap3A_1018, %swap3A_1019, %swap3A_1020] {strides = array<i32>} : memref<2x128x64xf32, #tpu.memory_space<vmem>>, vector<1x1x16xf32>,
        %swap3A_1022 = vector.shape_cast %swap3A_1021 : vector<1x1x16xf32> to vector<16xf32>
        %swap3A_1023 = vector.shape_cast %get3A_1016 : vector<16xf32> to vector<1x1x16xf32>
        tpu.vector_store %arg10[%swap3A_1018, %swap3A_1019, %swap3A_1020], %swap3A_1023 {strides = array<i32>} : memref<2x128x64xf32, #tpu.memory_space<vmem>>, vector<1x1x16xf32>,
        %add3A_1024 = arith.constant 48 : i32
        %add3A_1025 = arith.addi %squeeze3A_978, %add3A_1024 : i32
        %get3A_1026 = arith.constant 1 : i32
        %get3A_1027 = arith.index_cast %get3A_1026 : i32 to index
        %get3A_1028 = arith.index_cast %add3A_976 : i32 to index
        %get3A_1029 = arith.index_cast %add3A_1025 : i32 to index
        %get3A_1030 = tpu.vector_load %arg9[%get3A_1027, %get3A_1028, %get3A_1029] {strides = array<i32>} : memref<2x128x128xf32, #tpu.memory_space<vmem>>, vector<1x1x16xf32>,
        %get3A_1031 = vector.shape_cast %get3A_1030 : vector<1x1x16xf32> to vector<16xf32>
        %swap3A_1032 = arith.constant 1 : i32
        %swap3A_1033 = arith.index_cast %swap3A_1032 : i32 to index
        %swap3A_1034 = arith.index_cast %add3A_976 : i32 to index
        %swap3A_1035 = arith.constant 48 : index
        %swap3A_1036 = tpu.vector_load %arg10[%swap3A_1033, %swap3A_1034, %swap3A_1035] {strides = array<i32>} : memref<2x128x64xf32, #tpu.memory_space<vmem>>, vector<1x1x16xf32>,
        %swap3A_1037 = vector.shape_cast %swap3A_1036 : vector<1x1x16xf32> to vector<16xf32>
        %swap3A_1038 = vector.shape_cast %get3A_1031 : vector<16xf32> to vector<1x1x16xf32>
        tpu.vector_store %arg10[%swap3A_1033, %swap3A_1034, %swap3A_1035], %swap3A_1038 {strides = array<i32>} : memref<2x128x64xf32, #tpu.memory_space<vmem>>, vector<1x1x16xf32>,
        %mul3A_1039 = arith.constant 16 : i32
        %mul3A_1040 = arith.muli %add3A_304, %mul3A_1039 : i32
        %add3A_1041 = arith.constant 11 : i32
        %add3A_1042 = arith.addi %mul3A_1040, %add3A_1041 : i32
        %slice3A_1043 = vector.extract_strided_slice %mul3A_314 {offsets = [11], sizes = [1], strides = [1]} : vector<16xi32> to vector<1xi32>
        %squeeze3A_1044 = vector.extract %slice3A_1043[0] : i32 from vector<1xi32>
        %add3A_1045 = arith.constant 0 : i32
        %add3A_1046 = arith.addi %squeeze3A_1044, %add3A_1045 : i32
        %get3A_1047 = arith.constant 1 : i32
        %get3A_1048 = arith.index_cast %get3A_1047 : i32 to index
        %get3A_1049 = arith.index_cast %add3A_1042 : i32 to index
        %get3A_1050 = arith.index_cast %add3A_1046 : i32 to index
        %get3A_1051 = tpu.vector_load %arg9[%get3A_1048, %get3A_1049, %get3A_1050] {strides = array<i32>} : memref<2x128x128xf32, #tpu.memory_space<vmem>>, vector<1x1x16xf32>,
        %get3A_1052 = vector.shape_cast %get3A_1051 : vector<1x1x16xf32> to vector<16xf32>
        %swap3A_1053 = arith.constant 1 : i32
        %swap3A_1054 = arith.index_cast %swap3A_1053 : i32 to index
        %swap3A_1055 = arith.index_cast %add3A_1042 : i32 to index
        %swap3A_1056 = arith.constant 0 : index
        %swap3A_1057 = tpu.vector_load %arg10[%swap3A_1054, %swap3A_1055, %swap3A_1056] {strides = array<i32>} : memref<2x128x64xf32, #tpu.memory_space<vmem>>, vector<1x1x16xf32>,
        %swap3A_1058 = vector.shape_cast %swap3A_1057 : vector<1x1x16xf32> to vector<16xf32>
        %swap3A_1059 = vector.shape_cast %get3A_1052 : vector<16xf32> to vector<1x1x16xf32>
        tpu.vector_store %arg10[%swap3A_1054, %swap3A_1055, %swap3A_1056], %swap3A_1059 {strides = array<i32>} : memref<2x128x64xf32, #tpu.memory_space<vmem>>, vector<1x1x16xf32>,
        %add3A_1060 = arith.constant 16 : i32
        %add3A_1061 = arith.addi %squeeze3A_1044, %add3A_1060 : i32
        %get3A_1062 = arith.constant 1 : i32
        %get3A_1063 = arith.index_cast %get3A_1062 : i32 to index
        %get3A_1064 = arith.index_cast %add3A_1042 : i32 to index
        %get3A_1065 = arith.index_cast %add3A_1061 : i32 to index
        %get3A_1066 = tpu.vector_load %arg9[%get3A_1063, %get3A_1064, %get3A_1065] {strides = array<i32>} : memref<2x128x128xf32, #tpu.memory_space<vmem>>, vector<1x1x16xf32>,
        %get3A_1067 = vector.shape_cast %get3A_1066 : vector<1x1x16xf32> to vector<16xf32>
        %swap3A_1068 = arith.constant 1 : i32
        %swap3A_1069 = arith.index_cast %swap3A_1068 : i32 to index
        %swap3A_1070 = arith.index_cast %add3A_1042 : i32 to index
        %swap3A_1071 = arith.constant 16 : index
        %swap3A_1072 = tpu.vector_load %arg10[%swap3A_1069, %swap3A_1070, %swap3A_1071] {strides = array<i32>} : memref<2x128x64xf32, #tpu.memory_space<vmem>>, vector<1x1x16xf32>,
        %swap3A_1073 = vector.shape_cast %swap3A_1072 : vector<1x1x16xf32> to vector<16xf32>
        %swap3A_1074 = vector.shape_cast %get3A_1067 : vector<16xf32> to vector<1x1x16xf32>
        tpu.vector_store %arg10[%swap3A_1069, %swap3A_1070, %swap3A_1071], %swap3A_1074 {strides = array<i32>} : memref<2x128x64xf32, #tpu.memory_space<vmem>>, vector<1x1x16xf32>,
        %add3A_1075 = arith.constant 32 : i32
        %add3A_1076 = arith.addi %squeeze3A_1044, %add3A_1075 : i32
        %get3A_1077 = arith.constant 1 : i32
        %get3A_1078 = arith.index_cast %get3A_1077 : i32 to index
        %get3A_1079 = arith.index_cast %add3A_1042 : i32 to index
        %get3A_1080 = arith.index_cast %add3A_1076 : i32 to index
        %get3A_1081 = tpu.vector_load %arg9[%get3A_1078, %get3A_1079, %get3A_1080] {strides = array<i32>} : memref<2x128x128xf32, #tpu.memory_space<vmem>>, vector<1x1x16xf32>,
        %get3A_1082 = vector.shape_cast %get3A_1081 : vector<1x1x16xf32> to vector<16xf32>
        %swap3A_1083 = arith.constant 1 : i32
        %swap3A_1084 = arith.index_cast %swap3A_1083 : i32 to index
        %swap3A_1085 = arith.index_cast %add3A_1042 : i32 to index
        %swap3A_1086 = arith.constant 32 : index
        %swap3A_1087 = tpu.vector_load %arg10[%swap3A_1084, %swap3A_1085, %swap3A_1086] {strides = array<i32>} : memref<2x128x64xf32, #tpu.memory_space<vmem>>, vector<1x1x16xf32>,
        %swap3A_1088 = vector.shape_cast %swap3A_1087 : vector<1x1x16xf32> to vector<16xf32>
        %swap3A_1089 = vector.shape_cast %get3A_1082 : vector<16xf32> to vector<1x1x16xf32>
        tpu.vector_store %arg10[%swap3A_1084, %swap3A_1085, %swap3A_1086], %swap3A_1089 {strides = array<i32>} : memref<2x128x64xf32, #tpu.memory_space<vmem>>, vector<1x1x16xf32>,
        %add3A_1090 = arith.constant 48 : i32
        %add3A_1091 = arith.addi %squeeze3A_1044, %add3A_1090 : i32
        %get3A_1092 = arith.constant 1 : i32
        %get3A_1093 = arith.index_cast %get3A_1092 : i32 to index
        %get3A_1094 = arith.index_cast %add3A_1042 : i32 to index
        %get3A_1095 = arith.index_cast %add3A_1091 : i32 to index
        %get3A_1096 = tpu.vector_load %arg9[%get3A_1093, %get3A_1094, %get3A_1095] {strides = array<i32>} : memref<2x128x128xf32, #tpu.memory_space<vmem>>, vector<1x1x16xf32>,
        %get3A_1097 = vector.shape_cast %get3A_1096 : vector<1x1x16xf32> to vector<16xf32>
        %swap3A_1098 = arith.constant 1 : i32
        %swap3A_1099 = arith.index_cast %swap3A_1098 : i32 to index
        %swap3A_1100 = arith.index_cast %add3A_1042 : i32 to index
        %swap3A_1101 = arith.constant 48 : index
        %swap3A_1102 = tpu.vector_load %arg10[%swap3A_1099, %swap3A_1100, %swap3A_1101] {strides = array<i32>} : memref<2x128x64xf32, #tpu.memory_space<vmem>>, vector<1x1x16xf32>,
        %swap3A_1103 = vector.shape_cast %swap3A_1102 : vector<1x1x16xf32> to vector<16xf32>
        %swap3A_1104 = vector.shape_cast %get3A_1097 : vector<16xf32> to vector<1x1x16xf32>
        tpu.vector_store %arg10[%swap3A_1099, %swap3A_1100, %swap3A_1101], %swap3A_1104 {strides = array<i32>} : memref<2x128x64xf32, #tpu.memory_space<vmem>>, vector<1x1x16xf32>,
        %mul3A_1105 = arith.constant 16 : i32
        %mul3A_1106 = arith.muli %add3A_304, %mul3A_1105 : i32
        %add3A_1107 = arith.constant 12 : i32
        %add3A_1108 = arith.addi %mul3A_1106, %add3A_1107 : i32
        %slice3A_1109 = vector.extract_strided_slice %mul3A_314 {offsets = [12], sizes = [1], strides = [1]} : vector<16xi32> to vector<1xi32>
        %squeeze3A_1110 = vector.extract %slice3A_1109[0] : i32 from vector<1xi32>
        %add3A_1111 = arith.constant 0 : i32
        %add3A_1112 = arith.addi %squeeze3A_1110, %add3A_1111 : i32
        %get3A_1113 = arith.constant 1 : i32
        %get3A_1114 = arith.index_cast %get3A_1113 : i32 to index
        %get3A_1115 = arith.index_cast %add3A_1108 : i32 to index
        %get3A_1116 = arith.index_cast %add3A_1112 : i32 to index
        %get3A_1117 = tpu.vector_load %arg9[%get3A_1114, %get3A_1115, %get3A_1116] {strides = array<i32>} : memref<2x128x128xf32, #tpu.memory_space<vmem>>, vector<1x1x16xf32>,
        %get3A_1118 = vector.shape_cast %get3A_1117 : vector<1x1x16xf32> to vector<16xf32>
        %swap3A_1119 = arith.constant 1 : i32
        %swap3A_1120 = arith.index_cast %swap3A_1119 : i32 to index
        %swap3A_1121 = arith.index_cast %add3A_1108 : i32 to index
        %swap3A_1122 = arith.constant 0 : index
        %swap3A_1123 = tpu.vector_load %arg10[%swap3A_1120, %swap3A_1121, %swap3A_1122] {strides = array<i32>} : memref<2x128x64xf32, #tpu.memory_space<vmem>>, vector<1x1x16xf32>,
        %swap3A_1124 = vector.shape_cast %swap3A_1123 : vector<1x1x16xf32> to vector<16xf32>
        %swap3A_1125 = vector.shape_cast %get3A_1118 : vector<16xf32> to vector<1x1x16xf32>
        tpu.vector_store %arg10[%swap3A_1120, %swap3A_1121, %swap3A_1122], %swap3A_1125 {strides = array<i32>} : memref<2x128x64xf32, #tpu.memory_space<vmem>>, vector<1x1x16xf32>,
        %add3A_1126 = arith.constant 16 : i32
        %add3A_1127 = arith.addi %squeeze3A_1110, %add3A_1126 : i32
        %get3A_1128 = arith.constant 1 : i32
        %get3A_1129 = arith.index_cast %get3A_1128 : i32 to index
        %get3A_1130 = arith.index_cast %add3A_1108 : i32 to index
        %get3A_1131 = arith.index_cast %add3A_1127 : i32 to index
        %get3A_1132 = tpu.vector_load %arg9[%get3A_1129, %get3A_1130, %get3A_1131] {strides = array<i32>} : memref<2x128x128xf32, #tpu.memory_space<vmem>>, vector<1x1x16xf32>,
        %get3A_1133 = vector.shape_cast %get3A_1132 : vector<1x1x16xf32> to vector<16xf32>
        %swap3A_1134 = arith.constant 1 : i32
        %swap3A_1135 = arith.index_cast %swap3A_1134 : i32 to index
        %swap3A_1136 = arith.index_cast %add3A_1108 : i32 to index
        %swap3A_1137 = arith.constant 16 : index
        %swap3A_1138 = tpu.vector_load %arg10[%swap3A_1135, %swap3A_1136, %swap3A_1137] {strides = array<i32>} : memref<2x128x64xf32, #tpu.memory_space<vmem>>, vector<1x1x16xf32>,
        %swap3A_1139 = vector.shape_cast %swap3A_1138 : vector<1x1x16xf32> to vector<16xf32>
        %swap3A_1140 = vector.shape_cast %get3A_1133 : vector<16xf32> to vector<1x1x16xf32>
        tpu.vector_store %arg10[%swap3A_1135, %swap3A_1136, %swap3A_1137], %swap3A_1140 {strides = array<i32>} : memref<2x128x64xf32, #tpu.memory_space<vmem>>, vector<1x1x16xf32>,
        %add3A_1141 = arith.constant 32 : i32
        %add3A_1142 = arith.addi %squeeze3A_1110, %add3A_1141 : i32
        %get3A_1143 = arith.constant 1 : i32
        %get3A_1144 = arith.index_cast %get3A_1143 : i32 to index
        %get3A_1145 = arith.index_cast %add3A_1108 : i32 to index
        %get3A_1146 = arith.index_cast %add3A_1142 : i32 to index
        %get3A_1147 = tpu.vector_load %arg9[%get3A_1144, %get3A_1145, %get3A_1146] {strides = array<i32>} : memref<2x128x128xf32, #tpu.memory_space<vmem>>, vector<1x1x16xf32>,
        %get3A_1148 = vector.shape_cast %get3A_1147 : vector<1x1x16xf32> to vector<16xf32>
        %swap3A_1149 = arith.constant 1 : i32
        %swap3A_1150 = arith.index_cast %swap3A_1149 : i32 to index
        %swap3A_1151 = arith.index_cast %add3A_1108 : i32 to index
        %swap3A_1152 = arith.constant 32 : index
        %swap3A_1153 = tpu.vector_load %arg10[%swap3A_1150, %swap3A_1151, %swap3A_1152] {strides = array<i32>} : memref<2x128x64xf32, #tpu.memory_space<vmem>>, vector<1x1x16xf32>,
        %swap3A_1154 = vector.shape_cast %swap3A_1153 : vector<1x1x16xf32> to vector<16xf32>
        %swap3A_1155 = vector.shape_cast %get3A_1148 : vector<16xf32> to vector<1x1x16xf32>
        tpu.vector_store %arg10[%swap3A_1150, %swap3A_1151, %swap3A_1152], %swap3A_1155 {strides = array<i32>} : memref<2x128x64xf32, #tpu.memory_space<vmem>>, vector<1x1x16xf32>,
        %add3A_1156 = arith.constant 48 : i32
        %add3A_1157 = arith.addi %squeeze3A_1110, %add3A_1156 : i32
        %get3A_1158 = arith.constant 1 : i32
        %get3A_1159 = arith.index_cast %get3A_1158 : i32 to index
        %get3A_1160 = arith.index_cast %add3A_1108 : i32 to index
        %get3A_1161 = arith.index_cast %add3A_1157 : i32 to index
        %get3A_1162 = tpu.vector_load %arg9[%get3A_1159, %get3A_1160, %get3A_1161] {strides = array<i32>} : memref<2x128x128xf32, #tpu.memory_space<vmem>>, vector<1x1x16xf32>,
        %get3A_1163 = vector.shape_cast %get3A_1162 : vector<1x1x16xf32> to vector<16xf32>
        %swap3A_1164 = arith.constant 1 : i32
        %swap3A_1165 = arith.index_cast %swap3A_1164 : i32 to index
        %swap3A_1166 = arith.index_cast %add3A_1108 : i32 to index
        %swap3A_1167 = arith.constant 48 : index
        %swap3A_1168 = tpu.vector_load %arg10[%swap3A_1165, %swap3A_1166, %swap3A_1167] {strides = array<i32>} : memref<2x128x64xf32, #tpu.memory_space<vmem>>, vector<1x1x16xf32>,
        %swap3A_1169 = vector.shape_cast %swap3A_1168 : vector<1x1x16xf32> to vector<16xf32>
        %swap3A_1170 = vector.shape_cast %get3A_1163 : vector<16xf32> to vector<1x1x16xf32>
        tpu.vector_store %arg10[%swap3A_1165, %swap3A_1166, %swap3A_1167], %swap3A_1170 {strides = array<i32>} : memref<2x128x64xf32, #tpu.memory_space<vmem>>, vector<1x1x16xf32>,
        %mul3A_1171 = arith.constant 16 : i32
        %mul3A_1172 = arith.muli %add3A_304, %mul3A_1171 : i32
        %add3A_1173 = arith.constant 13 : i32
        %add3A_1174 = arith.addi %mul3A_1172, %add3A_1173 : i32
        %slice3A_1175 = vector.extract_strided_slice %mul3A_314 {offsets = [13], sizes = [1], strides = [1]} : vector<16xi32> to vector<1xi32>
        %squeeze3A_1176 = vector.extract %slice3A_1175[0] : i32 from vector<1xi32>
        %add3A_1177 = arith.constant 0 : i32
        %add3A_1178 = arith.addi %squeeze3A_1176, %add3A_1177 : i32
        %get3A_1179 = arith.constant 1 : i32
        %get3A_1180 = arith.index_cast %get3A_1179 : i32 to index
        %get3A_1181 = arith.index_cast %add3A_1174 : i32 to index
        %get3A_1182 = arith.index_cast %add3A_1178 : i32 to index
        %get3A_1183 = tpu.vector_load %arg9[%get3A_1180, %get3A_1181, %get3A_1182] {strides = array<i32>} : memref<2x128x128xf32, #tpu.memory_space<vmem>>, vector<1x1x16xf32>,
        %get3A_1184 = vector.shape_cast %get3A_1183 : vector<1x1x16xf32> to vector<16xf32>
        %swap3A_1185 = arith.constant 1 : i32
        %swap3A_1186 = arith.index_cast %swap3A_1185 : i32 to index
        %swap3A_1187 = arith.index_cast %add3A_1174 : i32 to index
        %swap3A_1188 = arith.constant 0 : index
        %swap3A_1189 = tpu.vector_load %arg10[%swap3A_1186, %swap3A_1187, %swap3A_1188] {strides = array<i32>} : memref<2x128x64xf32, #tpu.memory_space<vmem>>, vector<1x1x16xf32>,
        %swap3A_1190 = vector.shape_cast %swap3A_1189 : vector<1x1x16xf32> to vector<16xf32>
        %swap3A_1191 = vector.shape_cast %get3A_1184 : vector<16xf32> to vector<1x1x16xf32>
        tpu.vector_store %arg10[%swap3A_1186, %swap3A_1187, %swap3A_1188], %swap3A_1191 {strides = array<i32>} : memref<2x128x64xf32, #tpu.memory_space<vmem>>, vector<1x1x16xf32>,
        %add3A_1192 = arith.constant 16 : i32
        %add3A_1193 = arith.addi %squeeze3A_1176, %add3A_1192 : i32
        %get3A_1194 = arith.constant 1 : i32
        %get3A_1195 = arith.index_cast %get3A_1194 : i32 to index
        %get3A_1196 = arith.index_cast %add3A_1174 : i32 to index
        %get3A_1197 = arith.index_cast %add3A_1193 : i32 to index
        %get3A_1198 = tpu.vector_load %arg9[%get3A_1195, %get3A_1196, %get3A_1197] {strides = array<i32>} : memref<2x128x128xf32, #tpu.memory_space<vmem>>, vector<1x1x16xf32>,
        %get3A_1199 = vector.shape_cast %get3A_1198 : vector<1x1x16xf32> to vector<16xf32>
        %swap3A_1200 = arith.constant 1 : i32
        %swap3A_1201 = arith.index_cast %swap3A_1200 : i32 to index
        %swap3A_1202 = arith.index_cast %add3A_1174 : i32 to index
        %swap3A_1203 = arith.constant 16 : index
        %swap3A_1204 = tpu.vector_load %arg10[%swap3A_1201, %swap3A_1202, %swap3A_1203] {strides = array<i32>} : memref<2x128x64xf32, #tpu.memory_space<vmem>>, vector<1x1x16xf32>,
        %swap3A_1205 = vector.shape_cast %swap3A_1204 : vector<1x1x16xf32> to vector<16xf32>
        %swap3A_1206 = vector.shape_cast %get3A_1199 : vector<16xf32> to vector<1x1x16xf32>
        tpu.vector_store %arg10[%swap3A_1201, %swap3A_1202, %swap3A_1203], %swap3A_1206 {strides = array<i32>} : memref<2x128x64xf32, #tpu.memory_space<vmem>>, vector<1x1x16xf32>,
        %add3A_1207 = arith.constant 32 : i32
        %add3A_1208 = arith.addi %squeeze3A_1176, %add3A_1207 : i32
        %get3A_1209 = arith.constant 1 : i32
        %get3A_1210 = arith.index_cast %get3A_1209 : i32 to index
        %get3A_1211 = arith.index_cast %add3A_1174 : i32 to index
        %get3A_1212 = arith.index_cast %add3A_1208 : i32 to index
        %get3A_1213 = tpu.vector_load %arg9[%get3A_1210, %get3A_1211, %get3A_1212] {strides = array<i32>} : memref<2x128x128xf32, #tpu.memory_space<vmem>>, vector<1x1x16xf32>,
        %get3A_1214 = vector.shape_cast %get3A_1213 : vector<1x1x16xf32> to vector<16xf32>
        %swap3A_1215 = arith.constant 1 : i32
        %swap3A_1216 = arith.index_cast %swap3A_1215 : i32 to index
        %swap3A_1217 = arith.index_cast %add3A_1174 : i32 to index
        %swap3A_1218 = arith.constant 32 : index
        %swap3A_1219 = tpu.vector_load %arg10[%swap3A_1216, %swap3A_1217, %swap3A_1218] {strides = array<i32>} : memref<2x128x64xf32, #tpu.memory_space<vmem>>, vector<1x1x16xf32>,
        %swap3A_1220 = vector.shape_cast %swap3A_1219 : vector<1x1x16xf32> to vector<16xf32>
        %swap3A_1221 = vector.shape_cast %get3A_1214 : vector<16xf32> to vector<1x1x16xf32>
        tpu.vector_store %arg10[%swap3A_1216, %swap3A_1217, %swap3A_1218], %swap3A_1221 {strides = array<i32>} : memref<2x128x64xf32, #tpu.memory_space<vmem>>, vector<1x1x16xf32>,
        %add3A_1222 = arith.constant 48 : i32
        %add3A_1223 = arith.addi %squeeze3A_1176, %add3A_1222 : i32
        %get3A_1224 = arith.constant 1 : i32
        %get3A_1225 = arith.index_cast %get3A_1224 : i32 to index
        %get3A_1226 = arith.index_cast %add3A_1174 : i32 to index
        %get3A_1227 = arith.index_cast %add3A_1223 : i32 to index
        %get3A_1228 = tpu.vector_load %arg9[%get3A_1225, %get3A_1226, %get3A_1227] {strides = array<i32>} : memref<2x128x128xf32, #tpu.memory_space<vmem>>, vector<1x1x16xf32>,
        %get3A_1229 = vector.shape_cast %get3A_1228 : vector<1x1x16xf32> to vector<16xf32>
        %swap3A_1230 = arith.constant 1 : i32
        %swap3A_1231 = arith.index_cast %swap3A_1230 : i32 to index
        %swap3A_1232 = arith.index_cast %add3A_1174 : i32 to index
        %swap3A_1233 = arith.constant 48 : index
        %swap3A_1234 = tpu.vector_load %arg10[%swap3A_1231, %swap3A_1232, %swap3A_1233] {strides = array<i32>} : memref<2x128x64xf32, #tpu.memory_space<vmem>>, vector<1x1x16xf32>,
        %swap3A_1235 = vector.shape_cast %swap3A_1234 : vector<1x1x16xf32> to vector<16xf32>
        %swap3A_1236 = vector.shape_cast %get3A_1229 : vector<16xf32> to vector<1x1x16xf32>
        tpu.vector_store %arg10[%swap3A_1231, %swap3A_1232, %swap3A_1233], %swap3A_1236 {strides = array<i32>} : memref<2x128x64xf32, #tpu.memory_space<vmem>>, vector<1x1x16xf32>,
        %mul3A_1237 = arith.constant 16 : i32
        %mul3A_1238 = arith.muli %add3A_304, %mul3A_1237 : i32
        %add3A_1239 = arith.constant 14 : i32
        %add3A_1240 = arith.addi %mul3A_1238, %add3A_1239 : i32
        %slice3A_1241 = vector.extract_strided_slice %mul3A_314 {offsets = [14], sizes = [1], strides = [1]} : vector<16xi32> to vector<1xi32>
        %squeeze3A_1242 = vector.extract %slice3A_1241[0] : i32 from vector<1xi32>
        %add3A_1243 = arith.constant 0 : i32
        %add3A_1244 = arith.addi %squeeze3A_1242, %add3A_1243 : i32
        %get3A_1245 = arith.constant 1 : i32
        %get3A_1246 = arith.index_cast %get3A_1245 : i32 to index
        %get3A_1247 = arith.index_cast %add3A_1240 : i32 to index
        %get3A_1248 = arith.index_cast %add3A_1244 : i32 to index
        %get3A_1249 = tpu.vector_load %arg9[%get3A_1246, %get3A_1247, %get3A_1248] {strides = array<i32>} : memref<2x128x128xf32, #tpu.memory_space<vmem>>, vector<1x1x16xf32>,
        %get3A_1250 = vector.shape_cast %get3A_1249 : vector<1x1x16xf32> to vector<16xf32>
        %swap3A_1251 = arith.constant 1 : i32
        %swap3A_1252 = arith.index_cast %swap3A_1251 : i32 to index
        %swap3A_1253 = arith.index_cast %add3A_1240 : i32 to index
        %swap3A_1254 = arith.constant 0 : index
        %swap3A_1255 = tpu.vector_load %arg10[%swap3A_1252, %swap3A_1253, %swap3A_1254] {strides = array<i32>} : memref<2x128x64xf32, #tpu.memory_space<vmem>>, vector<1x1x16xf32>,
        %swap3A_1256 = vector.shape_cast %swap3A_1255 : vector<1x1x16xf32> to vector<16xf32>
        %swap3A_1257 = vector.shape_cast %get3A_1250 : vector<16xf32> to vector<1x1x16xf32>
        tpu.vector_store %arg10[%swap3A_1252, %swap3A_1253, %swap3A_1254], %swap3A_1257 {strides = array<i32>} : memref<2x128x64xf32, #tpu.memory_space<vmem>>, vector<1x1x16xf32>,
        %add3A_1258 = arith.constant 16 : i32
        %add3A_1259 = arith.addi %squeeze3A_1242, %add3A_1258 : i32
        %get3A_1260 = arith.constant 1 : i32
        %get3A_1261 = arith.index_cast %get3A_1260 : i32 to index
        %get3A_1262 = arith.index_cast %add3A_1240 : i32 to index
        %get3A_1263 = arith.index_cast %add3A_1259 : i32 to index
        %get3A_1264 = tpu.vector_load %arg9[%get3A_1261, %get3A_1262, %get3A_1263] {strides = array<i32>} : memref<2x128x128xf32, #tpu.memory_space<vmem>>, vector<1x1x16xf32>,
        %get3A_1265 = vector.shape_cast %get3A_1264 : vector<1x1x16xf32> to vector<16xf32>
        %swap3A_1266 = arith.constant 1 : i32
        %swap3A_1267 = arith.index_cast %swap3A_1266 : i32 to index
        %swap3A_1268 = arith.index_cast %add3A_1240 : i32 to index
        %swap3A_1269 = arith.constant 16 : index
        %swap3A_1270 = tpu.vector_load %arg10[%swap3A_1267, %swap3A_1268, %swap3A_1269] {strides = array<i32>} : memref<2x128x64xf32, #tpu.memory_space<vmem>>, vector<1x1x16xf32>,
        %swap3A_1271 = vector.shape_cast %swap3A_1270 : vector<1x1x16xf32> to vector<16xf32>
        %swap3A_1272 = vector.shape_cast %get3A_1265 : vector<16xf32> to vector<1x1x16xf32>
        tpu.vector_store %arg10[%swap3A_1267, %swap3A_1268, %swap3A_1269], %swap3A_1272 {strides = array<i32>} : memref<2x128x64xf32, #tpu.memory_space<vmem>>, vector<1x1x16xf32>,
        %add3A_1273 = arith.constant 32 : i32
        %add3A_1274 = arith.addi %squeeze3A_1242, %add3A_1273 : i32
        %get3A_1275 = arith.constant 1 : i32
        %get3A_1276 = arith.index_cast %get3A_1275 : i32 to index
        %get3A_1277 = arith.index_cast %add3A_1240 : i32 to index
        %get3A_1278 = arith.index_cast %add3A_1274 : i32 to index
        %get3A_1279 = tpu.vector_load %arg9[%get3A_1276, %get3A_1277, %get3A_1278] {strides = array<i32>} : memref<2x128x128xf32, #tpu.memory_space<vmem>>, vector<1x1x16xf32>,
        %get3A_1280 = vector.shape_cast %get3A_1279 : vector<1x1x16xf32> to vector<16xf32>
        %swap3A_1281 = arith.constant 1 : i32
        %swap3A_1282 = arith.index_cast %swap3A_1281 : i32 to index
        %swap3A_1283 = arith.index_cast %add3A_1240 : i32 to index
        %swap3A_1284 = arith.constant 32 : index
        %swap3A_1285 = tpu.vector_load %arg10[%swap3A_1282, %swap3A_1283, %swap3A_1284] {strides = array<i32>} : memref<2x128x64xf32, #tpu.memory_space<vmem>>, vector<1x1x16xf32>,
        %swap3A_1286 = vector.shape_cast %swap3A_1285 : vector<1x1x16xf32> to vector<16xf32>
        %swap3A_1287 = vector.shape_cast %get3A_1280 : vector<16xf32> to vector<1x1x16xf32>
        tpu.vector_store %arg10[%swap3A_1282, %swap3A_1283, %swap3A_1284], %swap3A_1287 {strides = array<i32>} : memref<2x128x64xf32, #tpu.memory_space<vmem>>, vector<1x1x16xf32>,
        %add3A_1288 = arith.constant 48 : i32
        %add3A_1289 = arith.addi %squeeze3A_1242, %add3A_1288 : i32
        %get3A_1290 = arith.constant 1 : i32
        %get3A_1291 = arith.index_cast %get3A_1290 : i32 to index
        %get3A_1292 = arith.index_cast %add3A_1240 : i32 to index
        %get3A_1293 = arith.index_cast %add3A_1289 : i32 to index
        %get3A_1294 = tpu.vector_load %arg9[%get3A_1291, %get3A_1292, %get3A_1293] {strides = array<i32>} : memref<2x128x128xf32, #tpu.memory_space<vmem>>, vector<1x1x16xf32>,
        %get3A_1295 = vector.shape_cast %get3A_1294 : vector<1x1x16xf32> to vector<16xf32>
        %swap3A_1296 = arith.constant 1 : i32
        %swap3A_1297 = arith.index_cast %swap3A_1296 : i32 to index
        %swap3A_1298 = arith.index_cast %add3A_1240 : i32 to index
        %swap3A_1299 = arith.constant 48 : index
        %swap3A_1300 = tpu.vector_load %arg10[%swap3A_1297, %swap3A_1298, %swap3A_1299] {strides = array<i32>} : memref<2x128x64xf32, #tpu.memory_space<vmem>>, vector<1x1x16xf32>,
        %swap3A_1301 = vector.shape_cast %swap3A_1300 : vector<1x1x16xf32> to vector<16xf32>
        %swap3A_1302 = vector.shape_cast %get3A_1295 : vector<16xf32> to vector<1x1x16xf32>
        tpu.vector_store %arg10[%swap3A_1297, %swap3A_1298, %swap3A_1299], %swap3A_1302 {strides = array<i32>} : memref<2x128x64xf32, #tpu.memory_space<vmem>>, vector<1x1x16xf32>,
        %mul3A_1303 = arith.constant 16 : i32
        %mul3A_1304 = arith.muli %add3A_304, %mul3A_1303 : i32
        %add3A_1305 = arith.constant 15 : i32
        %add3A_1306 = arith.addi %mul3A_1304, %add3A_1305 : i32
        %slice3A_1307 = vector.extract_strided_slice %mul3A_314 {offsets = [15], sizes = [1], strides = [1]} : vector<16xi32> to vector<1xi32>
        %squeeze3A_1308 = vector.extract %slice3A_1307[0] : i32 from vector<1xi32>
        %add3A_1309 = arith.constant 0 : i32
        %add3A_1310 = arith.addi %squeeze3A_1308, %add3A_1309 : i32
        %get3A_1311 = arith.constant 1 : i32
        %get3A_1312 = arith.index_cast %get3A_1311 : i32 to index
        %get3A_1313 = arith.index_cast %add3A_1306 : i32 to index
        %get3A_1314 = arith.index_cast %add3A_1310 : i32 to index
        %get3A_1315 = tpu.vector_load %arg9[%get3A_1312, %get3A_1313, %get3A_1314] {strides = array<i32>} : memref<2x128x128xf32, #tpu.memory_space<vmem>>, vector<1x1x16xf32>,
        %get3A_1316 = vector.shape_cast %get3A_1315 : vector<1x1x16xf32> to vector<16xf32>
        %swap3A_1317 = arith.constant 1 : i32
        %swap3A_1318 = arith.index_cast %swap3A_1317 : i32 to index
        %swap3A_1319 = arith.index_cast %add3A_1306 : i32 to index
        %swap3A_1320 = arith.constant 0 : index
        %swap3A_1321 = tpu.vector_load %arg10[%swap3A_1318, %swap3A_1319, %swap3A_1320] {strides = array<i32>} : memref<2x128x64xf32, #tpu.memory_space<vmem>>, vector<1x1x16xf32>,
        %swap3A_1322 = vector.shape_cast %swap3A_1321 : vector<1x1x16xf32> to vector<16xf32>
        %swap3A_1323 = vector.shape_cast %get3A_1316 : vector<16xf32> to vector<1x1x16xf32>
        tpu.vector_store %arg10[%swap3A_1318, %swap3A_1319, %swap3A_1320], %swap3A_1323 {strides = array<i32>} : memref<2x128x64xf32, #tpu.memory_space<vmem>>, vector<1x1x16xf32>,
        %add3A_1324 = arith.constant 16 : i32
        %add3A_1325 = arith.addi %squeeze3A_1308, %add3A_1324 : i32
        %get3A_1326 = arith.constant 1 : i32
        %get3A_1327 = arith.index_cast %get3A_1326 : i32 to index
        %get3A_1328 = arith.index_cast %add3A_1306 : i32 to index
        %get3A_1329 = arith.index_cast %add3A_1325 : i32 to index
        %get3A_1330 = tpu.vector_load %arg9[%get3A_1327, %get3A_1328, %get3A_1329] {strides = array<i32>} : memref<2x128x128xf32, #tpu.memory_space<vmem>>, vector<1x1x16xf32>,
        %get3A_1331 = vector.shape_cast %get3A_1330 : vector<1x1x16xf32> to vector<16xf32>
        %swap3A_1332 = arith.constant 1 : i32
        %swap3A_1333 = arith.index_cast %swap3A_1332 : i32 to index
        %swap3A_1334 = arith.index_cast %add3A_1306 : i32 to index
        %swap3A_1335 = arith.constant 16 : index
        %swap3A_1336 = tpu.vector_load %arg10[%swap3A_1333, %swap3A_1334, %swap3A_1335] {strides = array<i32>} : memref<2x128x64xf32, #tpu.memory_space<vmem>>, vector<1x1x16xf32>,
        %swap3A_1337 = vector.shape_cast %swap3A_1336 : vector<1x1x16xf32> to vector<16xf32>
        %swap3A_1338 = vector.shape_cast %get3A_1331 : vector<16xf32> to vector<1x1x16xf32>
        tpu.vector_store %arg10[%swap3A_1333, %swap3A_1334, %swap3A_1335], %swap3A_1338 {strides = array<i32>} : memref<2x128x64xf32, #tpu.memory_space<vmem>>, vector<1x1x16xf32>,
        %add3A_1339 = arith.constant 32 : i32
        %add3A_1340 = arith.addi %squeeze3A_1308, %add3A_1339 : i32
        %get3A_1341 = arith.constant 1 : i32
        %get3A_1342 = arith.index_cast %get3A_1341 : i32 to index
        %get3A_1343 = arith.index_cast %add3A_1306 : i32 to index
        %get3A_1344 = arith.index_cast %add3A_1340 : i32 to index
        %get3A_1345 = tpu.vector_load %arg9[%get3A_1342, %get3A_1343, %get3A_1344] {strides = array<i32>} : memref<2x128x128xf32, #tpu.memory_space<vmem>>, vector<1x1x16xf32>,
        %get3A_1346 = vector.shape_cast %get3A_1345 : vector<1x1x16xf32> to vector<16xf32>
        %swap3A_1347 = arith.constant 1 : i32
        %swap3A_1348 = arith.index_cast %swap3A_1347 : i32 to index
        %swap3A_1349 = arith.index_cast %add3A_1306 : i32 to index
        %swap3A_1350 = arith.constant 32 : index
        %swap3A_1351 = tpu.vector_load %arg10[%swap3A_1348, %swap3A_1349, %swap3A_1350] {strides = array<i32>} : memref<2x128x64xf32, #tpu.memory_space<vmem>>, vector<1x1x16xf32>,
        %swap3A_1352 = vector.shape_cast %swap3A_1351 : vector<1x1x16xf32> to vector<16xf32>
        %swap3A_1353 = vector.shape_cast %get3A_1346 : vector<16xf32> to vector<1x1x16xf32>
        tpu.vector_store %arg10[%swap3A_1348, %swap3A_1349, %swap3A_1350], %swap3A_1353 {strides = array<i32>} : memref<2x128x64xf32, #tpu.memory_space<vmem>>, vector<1x1x16xf32>,
        %add3A_1354 = arith.constant 48 : i32
        %add3A_1355 = arith.addi %squeeze3A_1308, %add3A_1354 : i32
        %get3A_1356 = arith.constant 1 : i32
        %get3A_1357 = arith.index_cast %get3A_1356 : i32 to index
        %get3A_1358 = arith.index_cast %add3A_1306 : i32 to index
        %get3A_1359 = arith.index_cast %add3A_1355 : i32 to index
        %get3A_1360 = tpu.vector_load %arg9[%get3A_1357, %get3A_1358, %get3A_1359] {strides = array<i32>} : memref<2x128x128xf32, #tpu.memory_space<vmem>>, vector<1x1x16xf32>,
        %get3A_1361 = vector.shape_cast %get3A_1360 : vector<1x1x16xf32> to vector<16xf32>
        %swap3A_1362 = arith.constant 1 : i32
        %swap3A_1363 = arith.index_cast %swap3A_1362 : i32 to index
        %swap3A_1364 = arith.index_cast %add3A_1306 : i32 to index
        %swap3A_1365 = arith.constant 48 : index
        %swap3A_1366 = tpu.vector_load %arg10[%swap3A_1363, %swap3A_1364, %swap3A_1365] {strides = array<i32>} : memref<2x128x64xf32, #tpu.memory_space<vmem>>, vector<1x1x16xf32>,
        %swap3A_1367 = vector.shape_cast %swap3A_1366 : vector<1x1x16xf32> to vector<16xf32>
        %swap3A_1368 = vector.shape_cast %get3A_1361 : vector<16xf32> to vector<1x1x16xf32>
        tpu.vector_store %arg10[%swap3A_1363, %swap3A_1364, %swap3A_1365], %swap3A_1368 {strides = array<i32>} : memref<2x128x64xf32, #tpu.memory_space<vmem>>, vector<1x1x16xf32>,
      }
      %scan3A_275 = arith.constant 8 : i32
      %mul3A_276 = arith.constant 128 : i32
      %mul3A_277 = arith.muli %add3A_257, %mul3A_276 : i32
      %add3A_278 = arith.addi %multiple_of3A, %mul3A_277 : i32
      %multiple_of3A_279 = tpu.assume_multiple %add3A_278, 8 : i32
      %dma_start3A_280 = arith.constant 1 : i32
      %dma_start3A_281 = arith.constant 0 : i32
      %dma_start3A_282 = arith.constant 0 : i32
      %dma_start3A_283 = tpu.memref_slice %arg10[%dma_start3A_280, %dma_start3A_281, %dma_start3A_282] : memref<2x128x64xf32, #tpu.memory_space<vmem>> -> memref<1x128x64xf32, #tpu.memory_space<vmem>>
      %dma_start3A_284 = tpu.memref_squeeze %dma_start3A_283 : memref<1x128x64xf32, #tpu.memory_space<vmem>> -> memref<128x64xf32, #tpu.memory_space<vmem>>
      %dma_start3A_285 = arith.constant 0 : i32
      %dma_start3A_286 = tpu.memref_slice %arg4[%multiple_of3A_279, %dma_start3A_285] : memref<819200x64xf32, #tpu.memory_space<hbm>> -> memref<128x64xf32, #tpu.memory_space<hbm>>
      %dma_start3A_287 = arith.constant 0 : i32
      %dma_start3A_288 = tpu.memref_slice %arg4[%multiple_of3A_279, %dma_start3A_287] : memref<819200x64xf32, #tpu.memory_space<hbm>> -> memref<128x64xf32, #tpu.memory_space<hbm>>
      %dma_start3A_289 = arith.constant 0 : i32
      %dma_start3A_290 = arith.constant 0 : i32
      %dma_start3A_291 = tpu.memref_slice %arg10[%dma_start3A_280, %dma_start3A_289, %dma_start3A_290] : memref<2x128x64xf32, #tpu.memory_space<vmem>> -> memref<1x128x64xf32, #tpu.memory_space<vmem>>
      %dma_start3A_292 = tpu.memref_squeeze %dma_start3A_291 : memref<1x128x64xf32, #tpu.memory_space<vmem>> -> memref<128x64xf32, #tpu.memory_space<vmem>>
      tpu.enqueue_dma source(%dma_start3A_292 : memref<128x64xf32, #tpu.memory_space<vmem>>) target(%dma_start3A_288 : memref<128x64xf32, #tpu.memory_space<hbm>>) target_semaphore(%arg14 : memref<!tpu.dma_semaphore, #tpu.memory_space<semaphore_mem>>)
      %add3A_293 = arith.constant 2 : i32
      %add3A_294 = arith.addi %add3A_257, %add3A_293 : i32
      %lt3A_295 = arith.constant 200 : i32
      %lt3A_296 = arith.cmpi slt, %add3A_294, %lt3A_295 : i32
      %convert_element_type3A_297 = arith.extui %lt3A_296 : i1 to i32
      %cond3A_298 = arith.constant 0 : i32
      %cond3A_299 = arith.cmpi ne, %convert_element_type3A_297, %cond3A_298 : i32
      scf.if %cond3A_299 {
        %add3A_300 = arith.constant 2 : i32
        %add3A_301 = arith.addi %add3A_257, %add3A_300 : i32
        %mul3A_302 = arith.constant 128 : i32
        %mul3A_303 = arith.muli %add3A_301, %mul3A_302 : i32
        %add3A_304 = arith.addi %multiple_of3A, %mul3A_303 : i32
        %multiple_of3A_305 = tpu.assume_multiple %add3A_304, 8 : i32
        "tpu.region"() ({
          %run_scoped3A = tpu.sem_alloc : memref<!tpu.dma_semaphore, #tpu.memory_space<semaphore_mem>>
          %dma_start3A_394 = tpu.memref_slice %arg2[%multiple_of3A_305] : memref<819200xi32, #tpu.memory_space<hbm>> -> memref<128xi32, #tpu.memory_space<hbm>>
          %dma_start3A_395 = tpu.memref_slice %arg2[%multiple_of3A_305] : memref<819200xi32, #tpu.memory_space<hbm>> -> memref<128xi32, #tpu.memory_space<hbm>>
          tpu.enqueue_dma source(%dma_start3A_395 : memref<128xi32, #tpu.memory_space<hbm>>) target(%arg6 : memref<128xi32, #tpu.memory_space<vmem>>) target_semaphore(%run_scoped3A : memref<!tpu.dma_semaphore, #tpu.memory_space<semaphore_mem>>)
          %dma_wait3A_396 = tpu.memref_slice %arg2[%multiple_of3A_305] : memref<819200xi32, #tpu.memory_space<hbm>> -> memref<128xi32, #tpu.memory_space<hbm>>
          %dma_wait3A_397 = tpu.memref_slice %arg2[%multiple_of3A_305] : memref<819200xi32, #tpu.memory_space<hbm>> -> memref<128xi32, #tpu.memory_space<hbm>>
          tpu.wait_dma2 semaphore(%run_scoped3A : memref<!tpu.dma_semaphore, #tpu.memory_space<semaphore_mem>>) src(%dma_wait3A_397 : memref<128xi32, #tpu.memory_space<hbm>>) dst(%arg6 : memref<128xi32, #tpu.memory_space<vmem>>)
          tpu.yield
        }) : () -> ()
        %get3A_306 = arith.constant 0 : index
        %get3A_307 = tpu.vector_load %arg6[%get3A_306] {strides = array<i32>} : memref<128xi32, #tpu.memory_space<vmem>>, vector<16xi32>,
        %get3A_308 = vector.shape_cast %get3A_307 : vector<16xi32> to vector<16xi32>
        %shift_right_logical3A_309 = arith.constant 1 : i32
        %shift_right_logical3A_310 = vector.broadcast %shift_right_logical3A_309 : i32 to vector<16xi32>
        %shift_right_logical3A_311 = arith.shrui %get3A_308, %shift_right_logical3A_310 : vector<16xi32>
        %swap3A_312 = arith.constant 0 : index
        %swap3A_313 = tpu.vector_load %arg8[%swap3A_312] {strides = array<i32>} : memref<128xi32, #tpu.memory_space<vmem>>, vector<16xi32>,
        %swap3A_314 = vector.shape_cast %swap3A_313 : vector<16xi32> to vector<16xi32>
        %swap3A_315 = vector.shape_cast %shift_right_logical3A_311 : vector<16xi32> to vector<16xi32>
        tpu.vector_store %arg8[%swap3A_312], %swap3A_315 {strides = array<i32>} : memref<128xi32, #tpu.memory_space<vmem>>, vector<16xi32>,
        %get3A_316 = arith.constant 16 : index
        %get3A_317 = tpu.vector_load %arg6[%get3A_316] {strides = array<i32>} : memref<128xi32, #tpu.memory_space<vmem>>, vector<16xi32>,
        %get3A_318 = vector.shape_cast %get3A_317 : vector<16xi32> to vector<16xi32>
        %shift_right_logical3A_319 = arith.constant 1 : i32
        %shift_right_logical3A_320 = vector.broadcast %shift_right_logical3A_319 : i32 to vector<16xi32>
        %shift_right_logical3A_321 = arith.shrui %get3A_318, %shift_right_logical3A_320 : vector<16xi32>
        %swap3A_322 = arith.constant 16 : index
        %swap3A_323 = tpu.vector_load %arg8[%swap3A_322] {strides = array<i32>} : memref<128xi32, #tpu.memory_space<vmem>>, vector<16xi32>,
        %swap3A_324 = vector.shape_cast %swap3A_323 : vector<16xi32> to vector<16xi32>
        %swap3A_325 = vector.shape_cast %shift_right_logical3A_321 : vector<16xi32> to vector<16xi32>
        tpu.vector_store %arg8[%swap3A_322], %swap3A_325 {strides = array<i32>} : memref<128xi32, #tpu.memory_space<vmem>>, vector<16xi32>,
        %get3A_326 = arith.constant 32 : index
        %get3A_327 = tpu.vector_load %arg6[%get3A_326] {strides = array<i32>} : memref<128xi32, #tpu.memory_space<vmem>>, vector<16xi32>,
        %get3A_328 = vector.shape_cast %get3A_327 : vector<16xi32> to vector<16xi32>
        %shift_right_logical3A_329 = arith.constant 1 : i32
        %shift_right_logical3A_330 = vector.broadcast %shift_right_logical3A_329 : i32 to vector<16xi32>
        %shift_right_logical3A_331 = arith.shrui %get3A_328, %shift_right_logical3A_330 : vector<16xi32>
        %swap3A_332 = arith.constant 32 : index
        %swap3A_333 = tpu.vector_load %arg8[%swap3A_332] {strides = array<i32>} : memref<128xi32, #tpu.memory_space<vmem>>, vector<16xi32>,
        %swap3A_334 = vector.shape_cast %swap3A_333 : vector<16xi32> to vector<16xi32>
        %swap3A_335 = vector.shape_cast %shift_right_logical3A_331 : vector<16xi32> to vector<16xi32>
        tpu.vector_store %arg8[%swap3A_332], %swap3A_335 {strides = array<i32>} : memref<128xi32, #tpu.memory_space<vmem>>, vector<16xi32>,
        %get3A_336 = arith.constant 48 : index
        %get3A_337 = tpu.vector_load %arg6[%get3A_336] {strides = array<i32>} : memref<128xi32, #tpu.memory_space<vmem>>, vector<16xi32>,
        %get3A_338 = vector.shape_cast %get3A_337 : vector<16xi32> to vector<16xi32>
        %shift_right_logical3A_339 = arith.constant 1 : i32
        %shift_right_logical3A_340 = vector.broadcast %shift_right_logical3A_339 : i32 to vector<16xi32>
        %shift_right_logical3A_341 = arith.shrui %get3A_338, %shift_right_logical3A_340 : vector<16xi32>
        %swap3A_342 = arith.constant 48 : index
        %swap3A_343 = tpu.vector_load %arg8[%swap3A_342] {strides = array<i32>} : memref<128xi32, #tpu.memory_space<vmem>>, vector<16xi32>,
        %swap3A_344 = vector.shape_cast %swap3A_343 : vector<16xi32> to vector<16xi32>
        %swap3A_345 = vector.shape_cast %shift_right_logical3A_341 : vector<16xi32> to vector<16xi32>
        tpu.vector_store %arg8[%swap3A_342], %swap3A_345 {strides = array<i32>} : memref<128xi32, #tpu.memory_space<vmem>>, vector<16xi32>,
        %get3A_346 = arith.constant 64 : index
        %get3A_347 = tpu.vector_load %arg6[%get3A_346] {strides = array<i32>} : memref<128xi32, #tpu.memory_space<vmem>>, vector<16xi32>,
        %get3A_348 = vector.shape_cast %get3A_347 : vector<16xi32> to vector<16xi32>
        %shift_right_logical3A_349 = arith.constant 1 : i32
        %shift_right_logical3A_350 = vector.broadcast %shift_right_logical3A_349 : i32 to vector<16xi32>
        %shift_right_logical3A_351 = arith.shrui %get3A_348, %shift_right_logical3A_350 : vector<16xi32>
        %swap3A_352 = arith.constant 64 : index
        %swap3A_353 = tpu.vector_load %arg8[%swap3A_352] {strides = array<i32>} : memref<128xi32, #tpu.memory_space<vmem>>, vector<16xi32>,
        %swap3A_354 = vector.shape_cast %swap3A_353 : vector<16xi32> to vector<16xi32>
        %swap3A_355 = vector.shape_cast %shift_right_logical3A_351 : vector<16xi32> to vector<16xi32>
        tpu.vector_store %arg8[%swap3A_352], %swap3A_355 {strides = array<i32>} : memref<128xi32, #tpu.memory_space<vmem>>, vector<16xi32>,
        %get3A_356 = arith.constant 80 : index
        %get3A_357 = tpu.vector_load %arg6[%get3A_356] {strides = array<i32>} : memref<128xi32, #tpu.memory_space<vmem>>, vector<16xi32>,
        %get3A_358 = vector.shape_cast %get3A_357 : vector<16xi32> to vector<16xi32>
        %shift_right_logical3A_359 = arith.constant 1 : i32
        %shift_right_logical3A_360 = vector.broadcast %shift_right_logical3A_359 : i32 to vector<16xi32>
        %shift_right_logical3A_361 = arith.shrui %get3A_358, %shift_right_logical3A_360 : vector<16xi32>
        %swap3A_362 = arith.constant 80 : index
        %swap3A_363 = tpu.vector_load %arg8[%swap3A_362] {strides = array<i32>} : memref<128xi32, #tpu.memory_space<vmem>>, vector<16xi32>,
        %swap3A_364 = vector.shape_cast %swap3A_363 : vector<16xi32> to vector<16xi32>
        %swap3A_365 = vector.shape_cast %shift_right_logical3A_361 : vector<16xi32> to vector<16xi32>
        tpu.vector_store %arg8[%swap3A_362], %swap3A_365 {strides = array<i32>} : memref<128xi32, #tpu.memory_space<vmem>>, vector<16xi32>,
        %get3A_366 = arith.constant 96 : index
        %get3A_367 = tpu.vector_load %arg6[%get3A_366] {strides = array<i32>} : memref<128xi32, #tpu.memory_space<vmem>>, vector<16xi32>,
        %get3A_368 = vector.shape_cast %get3A_367 : vector<16xi32> to vector<16xi32>
        %shift_right_logical3A_369 = arith.constant 1 : i32
        %shift_right_logical3A_370 = vector.broadcast %shift_right_logical3A_369 : i32 to vector<16xi32>
        %shift_right_logical3A_371 = arith.shrui %get3A_368, %shift_right_logical3A_370 : vector<16xi32>
        %swap3A_372 = arith.constant 96 : index
        %swap3A_373 = tpu.vector_load %arg8[%swap3A_372] {strides = array<i32>} : memref<128xi32, #tpu.memory_space<vmem>>, vector<16xi32>,
        %swap3A_374 = vector.shape_cast %swap3A_373 : vector<16xi32> to vector<16xi32>
        %swap3A_375 = vector.shape_cast %shift_right_logical3A_371 : vector<16xi32> to vector<16xi32>
        tpu.vector_store %arg8[%swap3A_372], %swap3A_375 {strides = array<i32>} : memref<128xi32, #tpu.memory_space<vmem>>, vector<16xi32>,
        %get3A_376 = arith.constant 112 : index
        %get3A_377 = tpu.vector_load %arg6[%get3A_376] {strides = array<i32>} : memref<128xi32, #tpu.memory_space<vmem>>, vector<16xi32>,
        %get3A_378 = vector.shape_cast %get3A_377 : vector<16xi32> to vector<16xi32>
        %shift_right_logical3A_379 = arith.constant 1 : i32
        %shift_right_logical3A_380 = vector.broadcast %shift_right_logical3A_379 : i32 to vector<16xi32>
        %shift_right_logical3A_381 = arith.shrui %get3A_378, %shift_right_logical3A_380 : vector<16xi32>
        %swap3A_382 = arith.constant 112 : index
        %swap3A_383 = tpu.vector_load %arg8[%swap3A_382] {strides = array<i32>} : memref<128xi32, #tpu.memory_space<vmem>>, vector<16xi32>,
        %swap3A_384 = vector.shape_cast %swap3A_383 : vector<16xi32> to vector<16xi32>
        %swap3A_385 = vector.shape_cast %shift_right_logical3A_381 : vector<16xi32> to vector<16xi32>
        tpu.vector_store %arg8[%swap3A_382], %swap3A_385 {strides = array<i32>} : memref<128xi32, #tpu.memory_space<vmem>>, vector<16xi32>,
        %dma_start3A_386 = arith.constant 1 : i32
        %dma_start3A_387 = arith.constant 0 : i32
        %dma_start3A_388 = arith.constant 0 : i32
        %dma_start3A_389 = tpu.memref_slice %arg9[%dma_start3A_386, %dma_start3A_387, %dma_start3A_388] : memref<2x128x128xf32, #tpu.memory_space<vmem>> -> memref<1x128x128xf32, #tpu.memory_space<vmem>>
        %dma_start3A_390 = tpu.memref_squeeze %dma_start3A_389 : memref<1x128x128xf32, #tpu.memory_space<vmem>> -> memref<128x128xf32, #tpu.memory_space<vmem>>
        %dma_start3A_391 = arith.constant 0 : i32
        %dma_start3A_392 = arith.constant 0 : i32
        %dma_start3A_393 = tpu.memref_slice %arg3[%dma_start3A_391, %dma_start3A_392] : memref<500000x128xf32, #tpu.memory_space<hbm>> -> memref<500000x128xf32, #tpu.memory_space<hbm>>
        tpu.enqueue_indirect_dma source(%dma_start3A_393 : memref<500000x128xf32, #tpu.memory_space<hbm>>) target(%dma_start3A_390 : memref<128x128xf32, #tpu.memory_space<vmem>>) offsets(%arg8 : memref<128xi32, #tpu.memory_space<vmem>>) semaphore(%arg12 : memref<!tpu.dma_semaphore, #tpu.memory_space<semaphore_mem>>)
      } else {
      }
    }
    %scan3A_185 = arith.constant 100 : i32
    %dma_wait3A = arith.constant 0 : i32
    %dma_wait3A_186 = arith.constant 0 : i32
    %dma_wait3A_187 = arith.constant 0 : i32
    %dma_wait3A_188 = tpu.memref_slice %arg10[%dma_wait3A, %dma_wait3A_186, %dma_wait3A_187] : memref<2x128x64xf32, #tpu.memory_space<vmem>> -> memref<1x128x64xf32, #tpu.memory_space<vmem>>
    %dma_wait3A_189 = tpu.memref_squeeze %dma_wait3A_188 : memref<1x128x64xf32, #tpu.memory_space<vmem>> -> memref<128x64xf32, #tpu.memory_space<vmem>>
    %dma_wait3A_190 = arith.constant 0 : i32
    %dma_wait3A_191 = tpu.memref_slice %arg4[%multiple_of3A, %dma_wait3A_190] : memref<819200x64xf32, #tpu.memory_space<hbm>> -> memref<128x64xf32, #tpu.memory_space<hbm>>
    %dma_wait3A_192 = arith.constant 0 : i32
    %dma_wait3A_193 = tpu.memref_slice %arg4[%multiple_of3A, %dma_wait3A_192] : memref<819200x64xf32, #tpu.memory_space<hbm>> -> memref<128x64xf32, #tpu.memory_space<hbm>>
    %dma_wait3A_194 = arith.constant 0 : i32
    %dma_wait3A_195 = arith.constant 0 : i32
    %dma_wait3A_196 = tpu.memref_slice %arg10[%dma_wait3A, %dma_wait3A_194, %dma_wait3A_195] : memref<2x128x64xf32, #tpu.memory_space<vmem>> -> memref<1x128x64xf32, #tpu.memory_space<vmem>>
    %dma_wait3A_197 = tpu.memref_squeeze %dma_wait3A_196 : memref<1x128x64xf32, #tpu.memory_space<vmem>> -> memref<128x64xf32, #tpu.memory_space<vmem>>
    tpu.wait_dma2 semaphore(%arg13 : memref<!tpu.dma_semaphore, #tpu.memory_space<semaphore_mem>>) src(%dma_wait3A_197 : memref<128x64xf32, #tpu.memory_space<vmem>>) dst(%dma_wait3A_193 : memref<128x64xf32, #tpu.memory_space<hbm>>)
    %dma_wait3A_198 = arith.constant 1 : i32
    %dma_wait3A_199 = arith.constant 0 : i32
    %dma_wait3A_200 = arith.constant 0 : i32
    %dma_wait3A_201 = tpu.memref_slice %arg10[%dma_wait3A_198, %dma_wait3A_199, %dma_wait3A_200] : memref<2x128x64xf32, #tpu.memory_space<vmem>> -> memref<1x128x64xf32, #tpu.memory_space<vmem>>
    %dma_wait3A_202 = tpu.memref_squeeze %dma_wait3A_201 : memref<1x128x64xf32, #tpu.memory_space<vmem>> -> memref<128x64xf32, #tpu.memory_space<vmem>>
    %dma_wait3A_203 = arith.constant 0 : i32
    %dma_wait3A_204 = tpu.memref_slice %arg4[%multiple_of3A, %dma_wait3A_203] : memref<819200x64xf32, #tpu.memory_space<hbm>> -> memref<128x64xf32, #tpu.memory_space<hbm>>
    %dma_wait3A_205 = arith.constant 0 : i32
    %dma_wait3A_206 = tpu.memref_slice %arg4[%multiple_of3A, %dma_wait3A_205] : memref<819200x64xf32, #tpu.memory_space<hbm>> -> memref<128x64xf32, #tpu.memory_space<hbm>>
    %dma_wait3A_207 = arith.constant 0 : i32
    %dma_wait3A_208 = arith.constant 0 : i32
    %dma_wait3A_209 = tpu.memref_slice %arg10[%dma_wait3A_198, %dma_wait3A_207, %dma_wait3A_208] : memref<2x128x64xf32, #tpu.memory_space<vmem>> -> memref<1x128x64xf32, #tpu.memory_space<vmem>>
    %dma_wait3A_210 = tpu.memref_squeeze %dma_wait3A_209 : memref<1x128x64xf32, #tpu.memory_space<vmem>> -> memref<128x64xf32, #tpu.memory_space<vmem>>
    tpu.wait_dma2 semaphore(%arg14 : memref<!tpu.dma_semaphore, #tpu.memory_space<semaphore_mem>>) src(%dma_wait3A_210 : memref<128x64xf32, #tpu.memory_space<vmem>>) dst(%dma_wait3A_206 : memref<128x64xf32, #tpu.memory_space<hbm>>)
    return
  }
}

</mosaic_0001>

<sc_bundles>
// kernel: kernel.3.cloned.1.call-start
scs
__scs_entry_jumppad:
0x0: {  	(pc) =	sbr.rel $0x88, $3  }
0x1: {  	(tag) =	ssettag $0x0;
	lr =	simm.s32 $0x1  }
0x2: {  	[smem:$0x3F9F] =	sst lr;
	_ =	strace $0xD0000000  }
0x3: {  	_ = 	snop  }
0x4: {  	_ = 	snop  }
0x5: {  	_ = 	snop  }
0x6: {  	_ = 	snop  }
0x7: {  	_ = 	snop  }
__scs_overlays_trampoline_lowered:
0x8: {  	[smem:$0x3FAE] =	sst s0  }
0x9: {  	[smem:$0x3FAF] =	sst s1  }
0xa: {  	[smem:$0x3FB0] =	sst s2  }
0xb: {  	[smem:$0x3FB1] =	sst s3  }
0xc: {  	[smem:$0x3FB2] =	sst s4  }
0xd: {  	[smem:$0x3FB3] =	sst s5  }
0xe: {  	[smem:$0x3FB4] =	sst s6  }
0xf: {  	[smem:$0x3FB5] =	sst s7  }
0x10: {  	[smem:$0x3FB6] =	sst s8  }
0x11: {  	[smem:$0x3FB7] =	sst s9;
	s0 =	simm.s32 @!p0 $0x0  }
0x12: {  	s1 =	sld [smem:$0x3F9D];
	s0 =	simm.s32 @p0 $0x1  }
0x13: {  	[smem:$0x3FB8] =	sst s0;
	s0 =	simm.s32 @!p1 $0x0  }
0x14: {  	s2 =	sld [smem:$0x3F9C];
	s0 =	simm.s32 @p1 $0x1  }
0x15: {  	[smem:$0x3FB9] =	sst s0;
	s0 =	simm.s32 @!p2 $0x0  }
0x16: {  	s3 =	sld [smem:$0x3FDB];
	s0 =	simm.s32 @p2 $0x1  }
0x17: {  	s4 =	simm.s32 $0x1BF5;
	[smem:$0x3FBB] =	sst s0  }
0x18: {  	s0 =	sld [smem:$0x3F9E];
	_ =	swait.ge [sflag:s4], $0x0  }
0x19: {  	s7 =	sld [smem:$0x3F9F]  }
0x1a: {  	s8 =	sadd.s32 $0xFFFFE003, lr  }
0x1b: {  	s9 =	sadd.s32 $0xFFFFFEF7, lr;
	s5 =	simm.s32 $0xFFFFFFFF;
	p2 =	slt.u32 s8, $0xFFFFF086  }
0x1c: {  	p1 =	slt.u32 s9, $0xF7A;
	s5 =	simm.s32 @!p2 $0x0  }
0x1d: {  	s5 =	simm.s32 @p1 $0x1;
	p0 =	seq.s32 s7, s2  }
0x1e: {  	s7 =	smul.u32 @!p0 $0xF7A, s2;
	p2 =	seq.s32 @!p0 s5, $0x0  }
0x1f: {  	s9 =	smul.u32 $0xF7A, s1;
	s8 =	simm.s32 @!p0 $0x1BF5;
	p2 =	por !p2, p0  }
0x20: {  	[sflag:s8] =	ssyncset.s32 @!p0 $0xFFFFF086;
	s6 =	sadd.s32 @!p0 s3, s7;
	s7 =	simm.s32 @!p0 $0x108  }
0x21: {  	s3 =	sadd.s32 s3, s9;
	s6 =	sadd.s32 @!p0 $0x88, s6;
	s7 =	simm.s32 @p2 $0x1082  }
0x22: {  	[simem:s7], [sflag:s8] =	dma.local @!p0 [hbm:s6], $0xF7A  }
0x23: {  	s9 =	sor.u32 $0xD0000000, s2;
	s6 =	simm.s32 $0x108;
	_ =	swait.ge @!p0 [sflag:s8], $0x0  }
0x24: {  	s3 =	sadd.s32 $0x88, s3;
	s6 =	simm.s32 @!p1 $0x1082;
	[sflag:s4] =	ssyncset.s32 $0xFFFFF086  }
0x25: {  	[simem:s6], [sflag:s4] =	dma.local [hbm:s3], $0xF7A  }
0x26: {  	[smem:$0x3F9F] =	sst s1;
	(tag) =	ssettag s2;
	_ =	strace s9  }
0x27: {  	s1 =	sld [smem:$0x3FAF]  }
0x28: {  	s2 =	sld [smem:$0x3FB0]  }
0x29: {  	s4 =	sld [smem:$0x3FB2]  }
0x2a: {  	p0 =	seq.s32 s5, $0x0;
	s5 =	sld [smem:$0x3FB3]  }
0x2b: {  	s6 =	sld [smem:$0x3FB4]  }
0x2c: {  	s7 =	sld [smem:$0x3FB5]  }
0x2d: {  	s3 =	simm.s32 $0x108;
	s8 =	sld [smem:$0x3FB6]  }
0x2e: {  	s3 =	simm.s32 @!p0 $0x1082;
	s9 =	sld [smem:$0x3FB7]  }
0x2f: {  	lr =	sadd.s32 s0, s3;
	s0 =	sld [smem:$0x3FAE]  }
0x30: {  	s3 =	sld [smem:$0x3FB1]  }
0x31: {  	[smem:$0x3FBA] =	sst s10  }
0x32: {  	s10 =	sld [smem:$0x3FB8];
	_ =	sdelay $0x3  }
0x33: {  	p0 =	seq.s32 s10, $0x1;
	s10 =	sld [smem:$0x3FBA];
	_ =	sdelay $0x3  }
0x34: {  	[smem:$0x3FBA] =	sst s10  }
0x35: {  	s10 =	sld [smem:$0x3FB9];
	_ =	sdelay $0x3  }
0x36: {  	p1 =	seq.s32 s10, $0x1;
	s10 =	sld [smem:$0x3FBA];
	_ =	sdelay $0x3  }
0x37: {  	[smem:$0x3FBA] =	sst s10  }
0x38: {  	s10 =	sld [smem:$0x3FBB]  }
0x39: {  	_ = 	snop;
	(pc) =	sbr.ind lr, $3  }
0x3a: {  	_ = 	snop  }
0x3b: {  	_ = 	snop  }
0x3c: {  	p2 =	seq.s32 s10, $0x1;
	s10 =	sld [smem:$0x3FBA]  }
0x3d: {  	_ =	shalt  }
0x3e: {  	_ =	shalt  }
0x3f: {  	_ =	shalt  }
0x40: {  	_ =	shalt  }
0x41: {  	_ =	shalt  }
0x42: {  	_ =	shalt  }
0x43: {  	_ =	shalt  }
0x44: {  	_ =	shalt  }
0x45: {  	_ =	shalt  }
0x46: {  	_ =	shalt  }
0x47: {  	_ =	shalt  }
0x48: {  	_ =	shalt  }
0x49: {  	_ =	shalt  }
0x4a: {  	_ =	shalt  }
0x4b: {  	_ =	shalt  }
0x4c: {  	_ =	shalt  }
0x4d: {  	_ =	shalt  }
0x4e: {  	_ =	shalt  }
0x4f: {  	_ =	shalt  }
0x50: {  	_ =	shalt  }
0x51: {  	_ =	shalt  }
0x52: {  	_ =	shalt  }
0x53: {  	_ =	shalt  }
0x54: {  	_ =	shalt  }
0x55: {  	_ =	shalt  }
0x56: {  	_ =	shalt  }
0x57: {  	_ =	shalt  }
0x58: {  	_ =	shalt  }
0x59: {  	_ =	shalt  }
0x5a: {  	_ =	shalt  }
0x5b: {  	_ =	shalt  }
0x5c: {  	_ =	shalt  }
0x5d: {  	_ =	shalt  }
0x5e: {  	_ =	shalt  }
0x5f: {  	_ =	shalt  }
0x60: {  	_ =	shalt  }
0x61: {  	_ =	shalt  }
0x62: {  	_ =	shalt  }
0x63: {  	_ =	shalt  }
0x64: {  	_ =	shalt  }
0x65: {  	_ =	shalt  }
0x66: {  	_ =	shalt  }
0x67: {  	_ =	shalt  }
0x68: {  	_ =	shalt  }
0x69: {  	_ =	shalt  }
0x6a: {  	_ =	shalt  }
0x6b: {  	_ =	shalt  }
0x6c: {  	_ =	shalt  }
0x6d: {  	_ =	shalt  }
0x6e: {  	_ =	shalt  }
0x6f: {  	_ =	shalt  }
0x70: {  	_ =	shalt  }
0x71: {  	_ =	shalt  }
0x72: {  	_ =	shalt  }
0x73: {  	_ =	shalt  }
0x74: {  	_ =	shalt  }
0x75: {  	_ =	shalt  }
0x76: {  	_ =	shalt  }
0x77: {  	_ =	shalt  }
0x78: {  	_ =	shalt  }
0x79: {  	_ =	shalt  }
0x7a: {  	_ =	shalt  }
0x7b: {  	_ =	shalt  }
0x7c: {  	_ =	shalt  }
0x7d: {  	_ =	shalt  }
0x7e: {  	_ =	shalt  }
0x7f: {  	_ =	shalt  }
0x80: {  	_ =	shalt  }
0x81: {  	_ =	shalt  }
0x82: {  	_ =	shalt  }
0x83: {  	_ =	shalt  }
0x84: {  	_ =	shalt  }
0x85: {  	_ =	shalt  }
0x86: {  	_ =	shalt  }
0x87: {  	_ =	shalt  }
.Lfunc_end0:
.L_simem_size_0:
called_computation.1_lowered:
.L_overlay_start_0:
0x88: {  	s2 =	sld [smem:$0x3FD9]  }
0x89: {  	s3 =	sld [smem:$0x3FFE];
	_ =	sdelay $0x1  }
0x8a: {  	s1 =	srdreg.scid  }
0x8b: {  	s0 =	sand.u32 $0x1, s1  }
0x8c: {  	s17 =	sshll.u32 s0, $0xA;
	s2 =	sadd.s32 s3, s2  }
0x8d: {  	s2 =	sadd.s32 s2, s17  }
0x8e: {  	[smem:$0x3FC6] =	sst s2  }
0x8f: {  	_ = 	snop  }
0x90: {  	s2 =	sld [smem:$0x3FD0];
	(tm) =	ssettm $0x1  }
0x91: {  	s18 =	sld [smem:$0x3FFB];
	_ =	sdelay $0x3  }
0x92: {  	_ =	strace s18  }
0x93: {  	s3 =	sld [smem:$0x3FFC];
	_ =	sdelay $0x3  }
0x94: {  	_ =	strace s3  }
0x95: {  	s3 =	sld [smem:$0x3FFD];
	_ =	sdelay $0x3  }
0x96: {  	_ =	strace s3  }
0x97: {  	_ =	strace $0x8FFFFFFF  }
0x98: {  	s19 =	sld [smem:$0x3FDB];
	_ =	sdelay $0x1  }
0x99: {  	s4 =	simm.s32 $_scs_section_size  }
0x9a: {  	s5 =	simm.s32 $_size__tile_overlayer_lowered;
	s6 =	simm.s32 $_tile_overlayer_lowered  }
0x9b: {  	s22 =	simm.s32 $0x1BFF;
	s21 =	sshll.u32 s6, $0x1;
	s3 =	sadd.s32 s4, s19  }
0x9c: {  	s7 =	simm.s32 $0x0;
	s20 =	sshll.u32 s5, $0x1;
	s5 =	sadd.s32 s21, s3  }
0x9d: {  	[timem:s7], [sflag:s22] =	dma.local [hbm:s5], s20  }
0x9e: {  	_ =	swait.ge [sflag:s22], s20  }
0x9f: {  	s4 =	ssub.s32 $0x0, s20;
	[sflag:s22] =	ssyncset.done $0x0  }
0xa0: {  	[sflag:s22] =	ssyncadd.s32 s4;
	_ =	sdelay $0x1  }
0xa1: {  	s23 =	simm.s32 $0x1B8B  }
0xa2: {  	_ =	swait.ge [sflag:s23], $0x1  }
0xa3: {  	[sflag:s23] =	ssyncset.done $0x0  }
0xa4: {  	s25 =	simm.s32 $0x1B8E;
	s24 =	sld [smem:$0x3FFE];
	[sflag:s23] =	ssyncadd.s32 $0xFFFFFFFF  }
0xa5: {  	s26 =	simm.s32 $execute0_lowered;
	[smem:$0x3FD2] =	sst s25  }
0xa6: {  	s5 =	sshll.u32 s26, $0x1;
	_ =	strace $0x80000046;
	[dreg:$0x1] =	wrdreg $0xFFFFFFFF  }
0xa7: {  	s28 =	simm.s32 $_size_execute0_lowered;
	s3 =	sadd.s32 s3, s5;
	[dreg:$0x0] =	wrdreg $0x0  }
0xa8: {  	s5 =	sshll.u32 s28, $0x1;
	[dreg:$0x2] =	wrdreg s3  }
0xa9: {  	[dreg:$0x3] =	wrdreg s5  }
0xaa: {  	[dreg:$0x4] =	wrdreg $0xC0  }
0xab: {  	_ =	task [dreg:s7], $0x5FFFF  }
0xac: {  	[dreg:$0x1] =	wrdreg $0xFFFFFFFF  }
0xad: {  	[dreg:$0x0] =	wrdreg $0x60  }
0xae: {  	[dreg:$0x2] =	wrdreg s2  }
0xaf: {  	[dreg:$0x3] =	wrdreg s24  }
0xb0: {  	[dreg:$0x4] =	wrdreg $0x9  }
0xb1: {  	_ =	task.clear_ibuf [dreg:s7], $0x5FFFF;
	_ =	strace $0x90000046  }
0xb2: {  	s29 =	simm.s32 $0x9;
	_ =	strace $0x80000048  }
0xb3: {  	_ =	swait.ge [sflag:s29], $0x1  }
0xb4: {  	[sflag:s29] =	ssyncadd.s32 $0xFFFFFFFF  }
0xb5: {  	_ =	strace $0x90000048  }
0xb6: {  	_ =	sfence  }
0xb7: {  	s30 =	sld [smem:$0x0];
	_ =	sdelay $0x2  }
0xb8: {  	s31 =	sshll.u32 s1, $0xD;
	s1 =	sshrl.u32 s1, $0x2  }
0xb9: {  	s3 =	sand.u32 $0x4000, s31;
	s1 =	sadd.s32 s1, s30  }
0xba: {  	s0 =	sor.u32 s3, s0;
	s1 =	sshll.u32 s1, $0x11  }
0xbb: {  	s0 =	sor.u32 s1, s0  }
0xbc: {  	s0 =	sadd.s32 $0x8F2B, s0  }
0xbd: {  	[sflag:s0] =	ssyncadd.remote.s32 $0x1  }
0xbe: {  	_ =	sfence.sel $0xFFFF  }
0xbf: {  	[dreg:$0x0] =	wrdreg $0xFFFFFFFF;
	(pc) =	sbr.abs _section_cstart, $3  }
0xc0: {  	[dreg:$0x1] =	wrdreg $0xFFFFFFFF  }
0xc1: {  	_ =	task.clear_ibuf [dreg:s7], $0x2FFFF;
	_ =	strace $0x9FFFFFFF  }
0xc2: {  	(tm) =	ssettm $0x7FFFFFFF  }
0xc3: {  	_ =	shalt  }
tec
execute0_lowered:
.L_overlay_start_1:
0x0: {  	(tag) =	ssettag $0x1  }
0x1: {  	s1 =	srdreg.scid;
	s2 =	rddreg [dreg:$0x0]  }
0x2: {  	s0 =	stileid.u32;
	s6 =	rddreg [dreg:$0x1];
	s3 =	simm.s32 $0x0  }
0x3: {  	s13 =	simm.s32 $0x5;
	s14 =	simm.s32 $0x80;
	s15 =	simm.s32 $0x100  }
0x4: {  	s16 =	simm.s32 $0x200;
	s17 =	simm.s32 $0x180;
	s18 =	simm.s32 $0x4200  }
0x5: {  	s19 =	simm.s32 $0x1;
	s20 =	simm.s32 $0x8200;
	s21 =	simm.s32 $0x2  }
0x6: {  	s22 =	simm.s32 $0x4;
	s4 =	sand.u32 $0x1, s1;
	s31 =	sshll.u32 s0, $0x1  }
0x7: {  	s23 =	simm.s32 $0xC200;
	s24 =	simm.s32 $0x3;
	s8 =	sor.u32 s4, s31  }
0x8: {  	s25 =	simm.s32 $0x0;
	[smem:$0x7FF] =	sst s3;
	s11 =	smul.u32 $0x6400, s8  }
.Ltmp0:
0x9: {  	_ =	strace $0x80000047;
	s7 =	ssub.s32 $0x2, s4;
	(pc) =	sbr.rel .LBB2_1-.Ltmp0, $4  }
0xa: {  	s4 =	sadd.s32 $0xF42E00, s6;
	s6 =	sadd.s32 $0xA00, s6;
	s9 =	sshrl.u32 s7, $0x1  }
0xb: {  	s8 =	smul.u32 $0x320000, s8;
	s12 =	ssub.s32 s7, s9;
	s5 =	sshrl.u32 s11, $0x3  }
0xc: {  	s9 =	sor.u32 $0x100, s11;
	s10 =	sor.u32 $0x80, s11;
	s5 =	sadd.s32 s2, s5  }
0xd: {  	s11 =	sor.u32 $0x180, s11;
	s12 =	smax.u32 s12, $0x1;
	s7 =	sadd.s32 $0x10, s5  }
.LBB2_12:
0xe: {  	s25 =	sadd.s32 $0x1, s25  }
0xf: {  	_ =	swait.ge [sflag:s24], $0x4000;
	p0 =	sne.s32 s25, s12  }
.Ltmp1:
0x10: {  	[sflag:s24] =	ssyncset.done $0x0;
	(pc) =	sbr.rel @!p0 .LBB2_13-.Ltmp1, $4  }
0x11: {  	[sflag:s24] =	ssyncadd.s32 $0xFFFFC000  }
0x12: {  	_ =	swait.ge [sflag:s22], $0x4000  }
0x13: {  	[sflag:s22] =	ssyncset.done $0x0  }
0x14: {  	[sflag:s22] =	ssyncadd.s32 $0xFFFFC000  }
.LBB2_1:
0x15: {  	[tilespmem:s3], [sflag:$0x5] =	stream.linear.gather [hbm4b:s5+s3], $0x80, $0x38;
	[tilespmem:$0x10200] =	vst v63  }
0x16: {  	_ =	swait.ge [sflag:s13], $0x80  }
0x17: {  	[sflag:s13] =	ssyncset.done $0x0  }
0x18: {  	[sflag:s13] =	ssyncadd.s32 $0xFFFFFF80  }
0x19: {  	v0 =	vld [tilespmem:$0x0]  }
0x1a: {  	v1 =	vld [tilespmem:$0x10]  }
0x1b: {  	v2 =	vld [tilespmem:$0x20]  }
0x1c: {  	v3 =	vld [tilespmem:$0x30]  }
0x1d: {  	v4 =	vld [tilespmem:$0x40]  }
0x1e: {  	v5 =	vld [tilespmem:$0x50];
	v0 =	vshrl.u32 v0, $0x1  }
0x1f: {  	v41 =	vld [tilespmem:$0x60];
	v40 =	vshrl.u32 v1, $0x1;
	[tilespmem:$0x100] =	vst v0  }
0x20: {  	v43 =	vld [tilespmem:$0x70];
	v42 =	vshrl.u32 v2, $0x1;
	[tilespmem:$0x110] =	vst v40  }
0x21: {  	v44 =	vshrl.u32 v3, $0x1;
	[tilespmem:$0x120] =	vst v42  }
0x22: {  	v45 =	vshrl.u32 v4, $0x1;
	[tilespmem:$0x130] =	vst v44  }
0x23: {  	v46 =	vshrl.u32 v5, $0x1;
	[tilespmem:$0x140] =	vst v45  }
0x24: {  	v47 =	vshrl.u32 v41, $0x1;
	[tilespmem:$0x150] =	vst v46  }
0x25: {  	v48 =	vshrl.u32 v43, $0x1;
	[tilespmem:$0x160] =	vst v47  }
0x26: {  	[tilespmem:$0x170] =	vst v48  }
0x27: {  	[tilespmem:s16], [sflag:$0x1] =	stream.indirect.gather [hbm4b:s4+s14], $0x80, s15, s14, $0xb8;
	[tilespmem:$0x10200] =	vst v63  }
0x28: {  	_ = 	snop  }
0x29: {  	[tilespmem:s14], [sflag:$0x5] =	stream.linear.gather [hbm4b:s7+s3], $0x80, $0x38;
	[tilespmem:$0x10200] =	vst v63  }
0x2a: {  	_ =	swait.ge [sflag:s13], $0x80  }
0x2b: {  	[sflag:s13] =	ssyncset.done $0x0  }
0x2c: {  	[sflag:s13] =	ssyncadd.s32 $0xFFFFFF80  }
0x2d: {  	v49 =	vld [tilespmem:$0x80]  }
0x2e: {  	v50 =	vld [tilespmem:$0x90]  }
0x2f: {  	v51 =	vld [tilespmem:$0xA0]  }
0x30: {  	v52 =	vld [tilespmem:$0xB0]  }
0x31: {  	v53 =	vld [tilespmem:$0xC0]  }
0x32: {  	v54 =	vld [tilespmem:$0xD0];
	v0 =	vshrl.u32 v49, $0x1  }
0x33: {  	v56 =	vld [tilespmem:$0xE0];
	v55 =	vshrl.u32 v50, $0x1;
	[tilespmem:$0x180] =	vst v0  }
0x34: {  	v58 =	vld [tilespmem:$0xF0];
	v57 =	vshrl.u32 v51, $0x1;
	[tilespmem:$0x190] =	vst v55  }
0x35: {  	v59 =	vshrl.u32 v52, $0x1;
	[tilespmem:$0x1A0] =	vst v57  }
0x36: {  	v60 =	vshrl.u32 v53, $0x1;
	[tilespmem:$0x1B0] =	vst v59  }
0x37: {  	v61 =	vshrl.u32 v54, $0x1;
	[tilespmem:$0x1C0] =	vst v60  }
0x38: {  	v62 =	vshrl.u32 v56, $0x1;
	[tilespmem:$0x1D0] =	vst v61  }
0x39: {  	v63 =	vshrl.u32 v58, $0x1;
	[tilespmem:$0x1E0] =	vst v62  }
0x3a: {  	s26 =	simm.s32 $0x0;
	[tilespmem:$0x1F0] =	vst v63  }
0x3b: {  	[tilespmem:s18], [sflag:$0x2] =	stream.indirect.gather [hbm4b:s4+s14], $0x80, s17, s14, $0xb8;
	[tilespmem:$0x10200] =	vst v63  }
.LBB2_2:
0x3c: {  	_ =	swait.ge [sflag:s19], $0x4000  }
0x3d: {  	p0 =	seq.s32 s26, $0x0;
	[sflag:s19] =	ssyncset.done $0x0  }
0x3e: {  	s29 =	simm.s32 @!p0 $0x3;
	[sflag:s19] =	ssyncadd.s32 $0xFFFFC000  }
0x3f: {  	_ =	swait.ge @!p0 [sflag:s29], $0x4000  }
0x40: {  	s28 =	sshll.u32 s26, $0x8;
	[sflag:s29] =	ssyncset.done @!p0 $0x0  }
0x41: {  	s30 =	simm.s32 $0x0;
	[sflag:s29] =	ssyncadd.s32 @!p0 $0xFFFFC000;
	s29 =	simm.s32 $0x0  }
.LBB2_3:
0x42: {  	v0 =	vld [tilespmem:s29+$0x0];
	_ =	sdelay $0x4  }
0x43: {  	v0 =	vshll.u32 v0, $0x6  }
0x44: {  	s31 =	sshra.s32 s30, $0x2;
	v0 =	vand.u32 $0x40, v0  }
0x45: {  	v0 =	vadd.s32 s31, v0  }
0x46: {  	(v2sf) =	vpush v0, $0x1  }
0x47: {  	(v2sf) =	vpush v0, $0x0;
	_ =	sdelay $0xd  }
0x48: {  	s1 =	spop (v2sf)  }
0x49: {  	s0 =	spop (v2sf)  }
0x4a: {  	v1 =	vld [tilespmem:s0+$0x200];
	_ =	sdelay $0x4  }
0x4b: {  	[tilespmem:s31+$0x8200] =	vst v1  }
0x4c: {  	v1 =	vld [tilespmem:s0+$0x210];
	_ =	sdelay $0x4  }
0x4d: {  	[tilespmem:s31+$0x8210] =	vst v1  }
0x4e: {  	v1 =	vld [tilespmem:s0+$0x220];
	_ =	sdelay $0x4  }
0x4f: {  	[tilespmem:s31+$0x8220] =	vst v1  }
0x50: {  	v1 =	vld [tilespmem:s0+$0x230];
	_ =	sdelay $0x4  }
0x51: {  	[tilespmem:s31+$0x8230] =	vst v1  }
0x52: {  	v1 =	vld [tilespmem:s1+$0x280];
	_ =	sdelay $0x4  }
0x53: {  	[tilespmem:s31+$0x8280] =	vst v1  }
0x54: {  	v1 =	vld [tilespmem:s1+$0x290]  }
0x55: {  	(v2sf) =	vpush v0, $0x3  }
0x56: {  	(v2sf) =	vpush v0, $0x2;
	_ =	sdelay $0x2  }
0x57: {  	[tilespmem:s31+$0x8290] =	vst v1  }
0x58: {  	v1 =	vld [tilespmem:s1+$0x2A0];
	_ =	sdelay $0x4  }
0x59: {  	[tilespmem:s31+$0x82A0] =	vst v1  }
0x5a: {  	v1 =	vld [tilespmem:s1+$0x2B0];
	_ =	sdelay $0x3  }
0x5b: {  	s0 =	spop (v2sf)  }
0x5c: {  	s1 =	spop (v2sf);
	[tilespmem:s31+$0x82B0] =	vst v1  }
0x5d: {  	v1 =	vld [tilespmem:s1+$0x300];
	_ =	sdelay $0x4  }
0x5e: {  	[tilespmem:s31+$0x8300] =	vst v1  }
0x5f: {  	v1 =	vld [tilespmem:s1+$0x310];
	_ =	sdelay $0x4  }
0x60: {  	[tilespmem:s31+$0x8310] =	vst v1  }
0x61: {  	v1 =	vld [tilespmem:s1+$0x320];
	_ =	sdelay $0x4  }
0x62: {  	[tilespmem:s31+$0x8320] =	vst v1  }
0x63: {  	v1 =	vld [tilespmem:s1+$0x330];
	_ =	sdelay $0x4  }
0x64: {  	[tilespmem:s31+$0x8330] =	vst v1  }
0x65: {  	v1 =	vld [tilespmem:s0+$0x380];
	_ =	sdelay $0x4  }
0x66: {  	[tilespmem:s31+$0x8380] =	vst v1  }
0x67: {  	v1 =	vld [tilespmem:s0+$0x390]  }
0x68: {  	(v2sf) =	vpush v0, $0x5  }
0x69: {  	(v2sf) =	vpush v0, $0x4;
	_ =	sdelay $0x2  }
0x6a: {  	[tilespmem:s31+$0x8390] =	vst v1  }
0x6b: {  	v1 =	vld [tilespmem:s0+$0x3A0];
	_ =	sdelay $0x4  }
0x6c: {  	[tilespmem:s31+$0x83A0] =	vst v1  }
0x6d: {  	v1 =	vld [tilespmem:s0+$0x3B0];
	_ =	sdelay $0x3  }
0x6e: {  	s0 =	spop (v2sf)  }
0x6f: {  	s1 =	spop (v2sf);
	[tilespmem:s31+$0x83B0] =	vst v1  }
0x70: {  	v1 =	vld [tilespmem:s1+$0x400];
	_ =	sdelay $0x4  }
0x71: {  	[tilespmem:s31+$0x8400] =	vst v1  }
0x72: {  	v1 =	vld [tilespmem:s1+$0x410];
	_ =	sdelay $0x4  }
0x73: {  	[tilespmem:s31+$0x8410] =	vst v1  }
0x74: {  	v1 =	vld [tilespmem:s1+$0x420];
	_ =	sdelay $0x4  }
0x75: {  	[tilespmem:s31+$0x8420] =	vst v1  }
0x76: {  	v1 =	vld [tilespmem:s1+$0x430];
	_ =	sdelay $0x4  }
0x77: {  	[tilespmem:s31+$0x8430] =	vst v1  }
0x78: {  	v1 =	vld [tilespmem:s0+$0x480];
	_ =	sdelay $0x4  }
0x79: {  	[tilespmem:s31+$0x8480] =	vst v1  }
0x7a: {  	v1 =	vld [tilespmem:s0+$0x490]  }
0x7b: {  	(v2sf) =	vpush v0, $0x7  }
0x7c: {  	(v2sf) =	vpush v0, $0x6;
	_ =	sdelay $0x2  }
0x7d: {  	[tilespmem:s31+$0x8490] =	vst v1  }
0x7e: {  	v1 =	vld [tilespmem:s0+$0x4A0];
	_ =	sdelay $0x4  }
0x7f: {  	[tilespmem:s31+$0x84A0] =	vst v1  }
0x80: {  	v1 =	vld [tilespmem:s0+$0x4B0];
	_ =	sdelay $0x3  }
0x81: {  	s0 =	spop (v2sf)  }
0x82: {  	s1 =	spop (v2sf);
	[tilespmem:s31+$0x84B0] =	vst v1  }
0x83: {  	v1 =	vld [tilespmem:s1+$0x500];
	_ =	sdelay $0x4  }
0x84: {  	[tilespmem:s31+$0x8500] =	vst v1  }
0x85: {  	v1 =	vld [tilespmem:s1+$0x510];
	_ =	sdelay $0x4  }
0x86: {  	[tilespmem:s31+$0x8510] =	vst v1  }
0x87: {  	v1 =	vld [tilespmem:s1+$0x520];
	_ =	sdelay $0x4  }
0x88: {  	[tilespmem:s31+$0x8520] =	vst v1  }
0x89: {  	v1 =	vld [tilespmem:s1+$0x530];
	_ =	sdelay $0x4  }
0x8a: {  	[tilespmem:s31+$0x8530] =	vst v1  }
0x8b: {  	v1 =	vld [tilespmem:s0+$0x580];
	_ =	sdelay $0x4  }
0x8c: {  	[tilespmem:s31+$0x8580] =	vst v1  }
0x8d: {  	v1 =	vld [tilespmem:s0+$0x590]  }
0x8e: {  	(v2sf) =	vpush v0, $0x9  }
0x8f: {  	(v2sf) =	vpush v0, $0x8;
	_ =	sdelay $0x2  }
0x90: {  	[tilespmem:s31+$0x8590] =	vst v1  }
0x91: {  	v1 =	vld [tilespmem:s0+$0x5A0];
	_ =	sdelay $0x4  }
0x92: {  	[tilespmem:s31+$0x85A0] =	vst v1  }
0x93: {  	v1 =	vld [tilespmem:s0+$0x5B0];
	_ =	sdelay $0x3  }
0x94: {  	s0 =	spop (v2sf)  }
0x95: {  	s1 =	spop (v2sf);
	[tilespmem:s31+$0x85B0] =	vst v1  }
0x96: {  	v1 =	vld [tilespmem:s1+$0x600];
	_ =	sdelay $0x4  }
0x97: {  	[tilespmem:s31+$0x8600] =	vst v1  }
0x98: {  	v1 =	vld [tilespmem:s1+$0x610];
	_ =	sdelay $0x4  }
0x99: {  	[tilespmem:s31+$0x8610] =	vst v1  }
0x9a: {  	v1 =	vld [tilespmem:s1+$0x620];
	_ =	sdelay $0x4  }
0x9b: {  	[tilespmem:s31+$0x8620] =	vst v1  }
0x9c: {  	v1 =	vld [tilespmem:s1+$0x630];
	_ =	sdelay $0x4  }
0x9d: {  	[tilespmem:s31+$0x8630] =	vst v1  }
0x9e: {  	v1 =	vld [tilespmem:s0+$0x680];
	_ =	sdelay $0x4  }
0x9f: {  	[tilespmem:s31+$0x8680] =	vst v1  }
0xa0: {  	v1 =	vld [tilespmem:s0+$0x690]  }
0xa1: {  	(v2sf) =	vpush v0, $0xB  }
0xa2: {  	(v2sf) =	vpush v0, $0xA;
	_ =	sdelay $0x2  }
0xa3: {  	[tilespmem:s31+$0x8690] =	vst v1  }
0xa4: {  	v1 =	vld [tilespmem:s0+$0x6A0];
	_ =	sdelay $0x4  }
0xa5: {  	[tilespmem:s31+$0x86A0] =	vst v1  }
0xa6: {  	v1 =	vld [tilespmem:s0+$0x6B0];
	_ =	sdelay $0x3  }
0xa7: {  	s0 =	spop (v2sf)  }
0xa8: {  	s1 =	spop (v2sf);
	[tilespmem:s31+$0x86B0] =	vst v1  }
0xa9: {  	v1 =	vld [tilespmem:s1+$0x700];
	_ =	sdelay $0x4  }
0xaa: {  	[tilespmem:s31+$0x8700] =	vst v1  }
0xab: {  	v1 =	vld [tilespmem:s1+$0x710];
	_ =	sdelay $0x4  }
0xac: {  	[tilespmem:s31+$0x8710] =	vst v1  }
0xad: {  	v1 =	vld [tilespmem:s1+$0x720];
	_ =	sdelay $0x4  }
0xae: {  	[tilespmem:s31+$0x8720] =	vst v1  }
0xaf: {  	v1 =	vld [tilespmem:s1+$0x730];
	_ =	sdelay $0x4  }
0xb0: {  	[tilespmem:s31+$0x8730] =	vst v1  }
0xb1: {  	v1 =	vld [tilespmem:s0+$0x780];
	_ =	sdelay $0x4  }
0xb2: {  	[tilespmem:s31+$0x8780] =	vst v1  }
0xb3: {  	v1 =	vld [tilespmem:s0+$0x790]  }
0xb4: {  	(v2sf) =	vpush v0, $0xD  }
0xb5: {  	(v2sf) =	vpush v0, $0xC;
	_ =	sdelay $0x2  }
0xb6: {  	[tilespmem:s31+$0x8790] =	vst v1  }
0xb7: {  	v1 =	vld [tilespmem:s0+$0x7A0];
	_ =	sdelay $0x4  }
0xb8: {  	[tilespmem:s31+$0x87A0] =	vst v1  }
0xb9: {  	v1 =	vld [tilespmem:s0+$0x7B0];
	_ =	sdelay $0x3  }
0xba: {  	s0 =	spop (v2sf)  }
0xbb: {  	s1 =	spop (v2sf);
	[tilespmem:s31+$0x87B0] =	vst v1  }
0xbc: {  	v1 =	vld [tilespmem:s1+$0x800];
	_ =	sdelay $0x4  }
0xbd: {  	[tilespmem:s31+$0x8800] =	vst v1  }
0xbe: {  	v1 =	vld [tilespmem:s1+$0x810];
	_ =	sdelay $0x4  }
0xbf: {  	[tilespmem:s31+$0x8810] =	vst v1  }
0xc0: {  	v1 =	vld [tilespmem:s1+$0x820];
	_ =	sdelay $0x4  }
0xc1: {  	[tilespmem:s31+$0x8820] =	vst v1  }
0xc2: {  	v1 =	vld [tilespmem:s1+$0x830];
	_ =	sdelay $0x4  }
0xc3: {  	[tilespmem:s31+$0x8830] =	vst v1  }
0xc4: {  	v1 =	vld [tilespmem:s0+$0x880];
	_ =	sdelay $0x4  }
0xc5: {  	[tilespmem:s31+$0x8880] =	vst v1  }
0xc6: {  	v1 =	vld [tilespmem:s0+$0x890]  }
0xc7: {  	(v2sf) =	vpush v0, $0xF  }
0xc8: {  	(v2sf) =	vpush v0, $0xE;
	_ =	sdelay $0x2  }
0xc9: {  	[tilespmem:s31+$0x8890] =	vst v1  }
0xca: {  	v63 =	vld [tilespmem:s0+$0x8A0];
	_ =	sdelay $0x4  }
0xcb: {  	[tilespmem:s31+$0x88A0] =	vst v63  }
0xcc: {  	v0 =	vld [tilespmem:s0+$0x8B0];
	_ =	sdelay $0x3  }
0xcd: {  	s0 =	spop (v2sf)  }
0xce: {  	s1 =	spop (v2sf);
	[tilespmem:s31+$0x88B0] =	vst v0  }
0xcf: {  	v0 =	vld [tilespmem:s1+$0x900];
	_ =	sdelay $0x4  }
0xd0: {  	[tilespmem:s31+$0x8900] =	vst v0  }
0xd1: {  	v0 =	vld [tilespmem:s1+$0x910];
	_ =	sdelay $0x4  }
0xd2: {  	[tilespmem:s31+$0x8910] =	vst v0  }
0xd3: {  	v0 =	vld [tilespmem:s1+$0x920];
	_ =	sdelay $0x4  }
0xd4: {  	[tilespmem:s31+$0x8920] =	vst v0  }
0xd5: {  	v0 =	vld [tilespmem:s1+$0x930];
	_ =	sdelay $0x4  }
0xd6: {  	[tilespmem:s31+$0x8930] =	vst v0  }
0xd7: {  	v0 =	vld [tilespmem:s0+$0x980];
	_ =	sdelay $0x4  }
0xd8: {  	[tilespmem:s31+$0x8980] =	vst v0  }
0xd9: {  	v0 =	vld [tilespmem:s0+$0x990];
	_ =	sdelay $0x4  }
0xda: {  	[tilespmem:s31+$0x8990] =	vst v0  }
0xdb: {  	v0 =	vld [tilespmem:s0+$0x9A0];
	_ =	sdelay $0x4  }
0xdc: {  	[tilespmem:s31+$0x89A0] =	vst v0  }
0xdd: {  	p1 =	sne.s32 s30, $0xE000;
	v0 =	vld [tilespmem:s0+$0x9B0]  }
.Ltmp2:
0xde: {  	_ = 	snop;
	(pc) =	sbr.rel @p1 .LBB2_3-.Ltmp2, $2  }
0xdf: {  	_ =	sdelay $0x2  }
0xe0: {  	s29 =	sadd.s32 $0x10, s29;
	s30 =	sadd.s32 $0x2000, s30;
	[tilespmem:s31+$0x89B0] =	vst v0  }
0xe1: {  	p1 =	sne.s32 s26, $0x63  }
.Ltmp3:
0xe2: {  	s0 =	sshll.u32 s26, $0xF;
	(pc) =	sbr.rel @p1 .LBB2_6-.Ltmp3, $4  }
0xe3: {  	s0 =	sadd.s32 s8, s0  }
0xe4: {  	s0 =	sshrl.u32 s0, $0x3  }
0xe5: {  	s0 =	sadd.s32 s6, s0  }
0xe6: {  	[hbm4b:s0+s3] =	stream.linear.scatter [tilespmem:s20], [sflag:$0x3], $0x4000, $0x38;
	[tilespmem:$0x10200] =	vst v63  }
.Ltmp4:
0xe7: {  	(pc) =	sbr.rel .LBB2_7-.Ltmp4, $4  }
0xe8: {  	_ = 	snop  }
0xe9: {  	_ =	swait.ge [sflag:s21], $0x4000  }
0xea: {  	[sflag:s21] =	ssyncset.done $0x0  }
0xeb: {  	[sflag:s21] =	ssyncadd.s32 $0xFFFFC000  }
.LBB2_6:
0xec: {  	s0 =	sadd.s32 s28, s9  }
0xed: {  	s0 =	sshrl.u32 s0, $0x3  }
0xee: {  	s0 =	sadd.s32 s2, s0  }
0xef: {  	[tilespmem:s3], [sflag:$0x5] =	stream.linear.gather [hbm4b:s0+s3], $0x80, $0x38;
	[tilespmem:$0x10200] =	vst v63  }
0xf0: {  	_ =	swait.ge [sflag:s13], $0x80  }
0xf1: {  	[sflag:s13] =	ssyncset.done $0x0  }
0xf2: {  	[sflag:s13] =	ssyncadd.s32 $0xFFFFFF80  }
0xf3: {  	v0 =	vld [tilespmem:$0x0]  }
0xf4: {  	v1 =	vld [tilespmem:$0x10]  }
0xf5: {  	v2 =	vld [tilespmem:$0x20]  }
0xf6: {  	v3 =	vld [tilespmem:$0x30]  }
0xf7: {  	v4 =	vld [tilespmem:$0x40]  }
0xf8: {  	v5 =	vld [tilespmem:$0x50];
	v0 =	vshrl.u32 v0, $0x1  }
0xf9: {  	v56 =	vld [tilespmem:$0x60];
	v55 =	vshrl.u32 v1, $0x1;
	[tilespmem:$0x100] =	vst v0  }
0xfa: {  	v58 =	vld [tilespmem:$0x70];
	v57 =	vshrl.u32 v2, $0x1;
	[tilespmem:$0x110] =	vst v55  }
0xfb: {  	v59 =	vshrl.u32 v3, $0x1;
	[tilespmem:$0x120] =	vst v57  }
0xfc: {  	v60 =	vshrl.u32 v4, $0x1;
	[tilespmem:$0x130] =	vst v59  }
0xfd: {  	v61 =	vshrl.u32 v5, $0x1;
	[tilespmem:$0x140] =	vst v60  }
0xfe: {  	v62 =	vshrl.u32 v56, $0x1;
	[tilespmem:$0x150] =	vst v61  }
0xff: {  	v63 =	vshrl.u32 v58, $0x1;
	[tilespmem:$0x160] =	vst v62  }
.Ltmp5:
0x100: {  	[tilespmem:$0x170] =	vst v63;
	(pc) =	sbr.rel @p0 .LBB2_8-.Ltmp5, $4  }
0x101: {  	[tilespmem:s16], [sflag:$0x1] =	stream.indirect.gather [hbm4b:s4+s14], $0x80, s15, s14, $0xb8;
	[tilespmem:$0x10200] =	vst v63  }
0x102: {  	_ =	swait.ge [sflag:s21], $0x4000  }
0x103: {  	[sflag:s21] =	ssyncset.done $0x0  }
0x104: {  	[sflag:s21] =	ssyncadd.s32 $0xFFFFC000  }
.LBB2_7:
0x105: {  	_ =	swait.ge [sflag:s22], $0x4000  }
0x106: {  	[sflag:s22] =	ssyncset.done $0x0  }
0x107: {  	[sflag:s22] =	ssyncadd.s32 $0xFFFFC000  }
.LBB2_8:
0x108: {  	s29 =	simm.s32 $0x0;
	s30 =	simm.s32 $0x80  }
.LBB2_9:
0x109: {  	v0 =	vld [tilespmem:s30+$0x0];
	_ =	sdelay $0x4  }
0x10a: {  	v0 =	vshll.u32 v0, $0x6  }
0x10b: {  	s31 =	sshra.s32 s29, $0x2;
	v0 =	vand.u32 $0x40, v0  }
0x10c: {  	v0 =	vadd.s32 s31, v0  }
0x10d: {  	(v2sf) =	vpush v0, $0x1  }
0x10e: {  	(v2sf) =	vpush v0, $0x0;
	_ =	sdelay $0xd  }
0x10f: {  	s0 =	spop (v2sf)  }
0x110: {  	s1 =	spop (v2sf)  }
0x111: {  	v1 =	vld [tilespmem:s1+$0x4200];
	_ =	sdelay $0x4  }
0x112: {  	[tilespmem:s31+$0xC200] =	vst v1  }
0x113: {  	v1 =	vld [tilespmem:s1+$0x4210];
	_ =	sdelay $0x4  }
0x114: {  	[tilespmem:s31+$0xC210] =	vst v1  }
0x115: {  	v1 =	vld [tilespmem:s1+$0x4220];
	_ =	sdelay $0x4  }
0x116: {  	[tilespmem:s31+$0xC220] =	vst v1  }
0x117: {  	v1 =	vld [tilespmem:s1+$0x4230];
	_ =	sdelay $0x4  }
0x118: {  	[tilespmem:s31+$0xC230] =	vst v1  }
0x119: {  	v1 =	vld [tilespmem:s0+$0x4280];
	_ =	sdelay $0x4  }
0x11a: {  	[tilespmem:s31+$0xC280] =	vst v1  }
0x11b: {  	v1 =	vld [tilespmem:s0+$0x4290]  }
0x11c: {  	(v2sf) =	vpush v0, $0x3  }
0x11d: {  	(v2sf) =	vpush v0, $0x2;
	_ =	sdelay $0x2  }
0x11e: {  	[tilespmem:s31+$0xC290] =	vst v1  }
0x11f: {  	v1 =	vld [tilespmem:s0+$0x42A0];
	_ =	sdelay $0x4  }
0x120: {  	[tilespmem:s31+$0xC2A0] =	vst v1  }
0x121: {  	v1 =	vld [tilespmem:s0+$0x42B0];
	_ =	sdelay $0x3  }
0x122: {  	s0 =	spop (v2sf)  }
0x123: {  	s1 =	spop (v2sf);
	[tilespmem:s31+$0xC2B0] =	vst v1  }
0x124: {  	v1 =	vld [tilespmem:s1+$0x4300];
	_ =	sdelay $0x4  }
0x125: {  	[tilespmem:s31+$0xC300] =	vst v1  }
0x126: {  	v1 =	vld [tilespmem:s1+$0x4310];
	_ =	sdelay $0x4  }
0x127: {  	[tilespmem:s31+$0xC310] =	vst v1  }
0x128: {  	v1 =	vld [tilespmem:s1+$0x4320];
	_ =	sdelay $0x4  }
0x129: {  	[tilespmem:s31+$0xC320] =	vst v1  }
0x12a: {  	v1 =	vld [tilespmem:s1+$0x4330];
	_ =	sdelay $0x4  }
0x12b: {  	[tilespmem:s31+$0xC330] =	vst v1  }
0x12c: {  	v1 =	vld [tilespmem:s0+$0x4380];
	_ =	sdelay $0x4  }
0x12d: {  	[tilespmem:s31+$0xC380] =	vst v1  }
0x12e: {  	v1 =	vld [tilespmem:s0+$0x4390]  }
0x12f: {  	(v2sf) =	vpush v0, $0x5  }
0x130: {  	(v2sf) =	vpush v0, $0x4;
	_ =	sdelay $0x2  }
0x131: {  	[tilespmem:s31+$0xC390] =	vst v1  }
0x132: {  	v1 =	vld [tilespmem:s0+$0x43A0];
	_ =	sdelay $0x4  }
0x133: {  	[tilespmem:s31+$0xC3A0] =	vst v1  }
0x134: {  	v1 =	vld [tilespmem:s0+$0x43B0];
	_ =	sdelay $0x3  }
0x135: {  	s0 =	spop (v2sf)  }
0x136: {  	s1 =	spop (v2sf);
	[tilespmem:s31+$0xC3B0] =	vst v1  }
0x137: {  	v1 =	vld [tilespmem:s1+$0x4400];
	_ =	sdelay $0x4  }
0x138: {  	[tilespmem:s31+$0xC400] =	vst v1  }
0x139: {  	v1 =	vld [tilespmem:s1+$0x4410];
	_ =	sdelay $0x4  }
0x13a: {  	[tilespmem:s31+$0xC410] =	vst v1  }
0x13b: {  	v1 =	vld [tilespmem:s1+$0x4420];
	_ =	sdelay $0x4  }
0x13c: {  	[tilespmem:s31+$0xC420] =	vst v1  }
0x13d: {  	v1 =	vld [tilespmem:s1+$0x4430];
	_ =	sdelay $0x4  }
0x13e: {  	[tilespmem:s31+$0xC430] =	vst v1  }
0x13f: {  	v1 =	vld [tilespmem:s0+$0x4480];
	_ =	sdelay $0x4  }
0x140: {  	[tilespmem:s31+$0xC480] =	vst v1  }
0x141: {  	v1 =	vld [tilespmem:s0+$0x4490]  }
0x142: {  	(v2sf) =	vpush v0, $0x7  }
0x143: {  	(v2sf) =	vpush v0, $0x6;
	_ =	sdelay $0x2  }
0x144: {  	[tilespmem:s31+$0xC490] =	vst v1  }
0x145: {  	v1 =	vld [tilespmem:s0+$0x44A0];
	_ =	sdelay $0x4  }
0x146: {  	[tilespmem:s31+$0xC4A0] =	vst v1  }
0x147: {  	v1 =	vld [tilespmem:s0+$0x44B0];
	_ =	sdelay $0x3  }
0x148: {  	s0 =	spop (v2sf)  }
0x149: {  	s1 =	spop (v2sf);
	[tilespmem:s31+$0xC4B0] =	vst v1  }
0x14a: {  	v1 =	vld [tilespmem:s1+$0x4500];
	_ =	sdelay $0x4  }
0x14b: {  	[tilespmem:s31+$0xC500] =	vst v1  }
0x14c: {  	v1 =	vld [tilespmem:s1+$0x4510];
	_ =	sdelay $0x4  }
0x14d: {  	[tilespmem:s31+$0xC510] =	vst v1  }
0x14e: {  	v1 =	vld [tilespmem:s1+$0x4520];
	_ =	sdelay $0x4  }
0x14f: {  	[tilespmem:s31+$0xC520] =	vst v1  }
0x150: {  	v1 =	vld [tilespmem:s1+$0x4530];
	_ =	sdelay $0x4  }
0x151: {  	[tilespmem:s31+$0xC530] =	vst v1  }
0x152: {  	v1 =	vld [tilespmem:s0+$0x4580];
	_ =	sdelay $0x4  }
0x153: {  	[tilespmem:s31+$0xC580] =	vst v1  }
0x154: {  	v1 =	vld [tilespmem:s0+$0x4590]  }
0x155: {  	(v2sf) =	vpush v0, $0x9  }
0x156: {  	(v2sf) =	vpush v0, $0x8;
	_ =	sdelay $0x2  }
0x157: {  	[tilespmem:s31+$0xC590] =	vst v1  }
0x158: {  	v1 =	vld [tilespmem:s0+$0x45A0];
	_ =	sdelay $0x4  }
0x159: {  	[tilespmem:s31+$0xC5A0] =	vst v1  }
0x15a: {  	v1 =	vld [tilespmem:s0+$0x45B0];
	_ =	sdelay $0x3  }
0x15b: {  	s0 =	spop (v2sf)  }
0x15c: {  	s1 =	spop (v2sf);
	[tilespmem:s31+$0xC5B0] =	vst v1  }
0x15d: {  	v1 =	vld [tilespmem:s1+$0x4600];
	_ =	sdelay $0x4  }
0x15e: {  	[tilespmem:s31+$0xC600] =	vst v1  }
0x15f: {  	v1 =	vld [tilespmem:s1+$0x4610];
	_ =	sdelay $0x4  }
0x160: {  	[tilespmem:s31+$0xC610] =	vst v1  }
0x161: {  	v1 =	vld [tilespmem:s1+$0x4620];
	_ =	sdelay $0x4  }
0x162: {  	[tilespmem:s31+$0xC620] =	vst v1  }
0x163: {  	v1 =	vld [tilespmem:s1+$0x4630];
	_ =	sdelay $0x4  }
0x164: {  	[tilespmem:s31+$0xC630] =	vst v1  }
0x165: {  	v1 =	vld [tilespmem:s0+$0x4680];
	_ =	sdelay $0x4  }
0x166: {  	[tilespmem:s31+$0xC680] =	vst v1  }
0x167: {  	v1 =	vld [tilespmem:s0+$0x4690]  }
0x168: {  	(v2sf) =	vpush v0, $0xB  }
0x169: {  	(v2sf) =	vpush v0, $0xA;
	_ =	sdelay $0x2  }
0x16a: {  	[tilespmem:s31+$0xC690] =	vst v1  }
0x16b: {  	v1 =	vld [tilespmem:s0+$0x46A0];
	_ =	sdelay $0x4  }
0x16c: {  	[tilespmem:s31+$0xC6A0] =	vst v1  }
0x16d: {  	v1 =	vld [tilespmem:s0+$0x46B0];
	_ =	sdelay $0x3  }
0x16e: {  	s0 =	spop (v2sf)  }
0x16f: {  	s1 =	spop (v2sf);
	[tilespmem:s31+$0xC6B0] =	vst v1  }
0x170: {  	v1 =	vld [tilespmem:s1+$0x4700];
	_ =	sdelay $0x4  }
0x171: {  	[tilespmem:s31+$0xC700] =	vst v1  }
0x172: {  	v1 =	vld [tilespmem:s1+$0x4710];
	_ =	sdelay $0x4  }
0x173: {  	[tilespmem:s31+$0xC710] =	vst v1  }
0x174: {  	v1 =	vld [tilespmem:s1+$0x4720];
	_ =	sdelay $0x4  }
0x175: {  	[tilespmem:s31+$0xC720] =	vst v1  }
0x176: {  	v1 =	vld [tilespmem:s1+$0x4730];
	_ =	sdelay $0x4  }
0x177: {  	[tilespmem:s31+$0xC730] =	vst v1  }
0x178: {  	v1 =	vld [tilespmem:s0+$0x4780];
	_ =	sdelay $0x4  }
0x179: {  	[tilespmem:s31+$0xC780] =	vst v1  }
0x17a: {  	v1 =	vld [tilespmem:s0+$0x4790]  }
0x17b: {  	(v2sf) =	vpush v0, $0xD  }
0x17c: {  	(v2sf) =	vpush v0, $0xC;
	_ =	sdelay $0x2  }
0x17d: {  	[tilespmem:s31+$0xC790] =	vst v1  }
0x17e: {  	v1 =	vld [tilespmem:s0+$0x47A0];
	_ =	sdelay $0x4  }
0x17f: {  	[tilespmem:s31+$0xC7A0] =	vst v1  }
0x180: {  	v1 =	vld [tilespmem:s0+$0x47B0];
	_ =	sdelay $0x3  }
0x181: {  	s0 =	spop (v2sf)  }
0x182: {  	s1 =	spop (v2sf);
	[tilespmem:s31+$0xC7B0] =	vst v1  }
0x183: {  	v1 =	vld [tilespmem:s1+$0x4800];
	_ =	sdelay $0x4  }
0x184: {  	[tilespmem:s31+$0xC800] =	vst v1  }
0x185: {  	v1 =	vld [tilespmem:s1+$0x4810];
	_ =	sdelay $0x4  }
0x186: {  	[tilespmem:s31+$0xC810] =	vst v1  }
0x187: {  	v1 =	vld [tilespmem:s1+$0x4820];
	_ =	sdelay $0x4  }
0x188: {  	[tilespmem:s31+$0xC820] =	vst v1  }
0x189: {  	v1 =	vld [tilespmem:s1+$0x4830];
	_ =	sdelay $0x4  }
0x18a: {  	[tilespmem:s31+$0xC830] =	vst v1  }
0x18b: {  	v1 =	vld [tilespmem:s0+$0x4880];
	_ =	sdelay $0x4  }
0x18c: {  	[tilespmem:s31+$0xC880] =	vst v1  }
0x18d: {  	v1 =	vld [tilespmem:s0+$0x4890]  }
0x18e: {  	(v2sf) =	vpush v0, $0xF  }
0x18f: {  	(v2sf) =	vpush v0, $0xE;
	_ =	sdelay $0x2  }
0x190: {  	[tilespmem:s31+$0xC890] =	vst v1  }
0x191: {  	v63 =	vld [tilespmem:s0+$0x48A0];
	_ =	sdelay $0x4  }
0x192: {  	[tilespmem:s31+$0xC8A0] =	vst v63  }
0x193: {  	v0 =	vld [tilespmem:s0+$0x48B0];
	_ =	sdelay $0x3  }
0x194: {  	s0 =	spop (v2sf)  }
0x195: {  	s1 =	spop (v2sf);
	[tilespmem:s31+$0xC8B0] =	vst v0  }
0x196: {  	v0 =	vld [tilespmem:s1+$0x4900];
	_ =	sdelay $0x4  }
0x197: {  	[tilespmem:s31+$0xC900] =	vst v0  }
0x198: {  	v0 =	vld [tilespmem:s1+$0x4910];
	_ =	sdelay $0x4  }
0x199: {  	[tilespmem:s31+$0xC910] =	vst v0  }
0x19a: {  	v0 =	vld [tilespmem:s1+$0x4920];
	_ =	sdelay $0x4  }
0x19b: {  	[tilespmem:s31+$0xC920] =	vst v0  }
0x19c: {  	v0 =	vld [tilespmem:s1+$0x4930];
	_ =	sdelay $0x4  }
0x19d: {  	[tilespmem:s31+$0xC930] =	vst v0  }
0x19e: {  	v0 =	vld [tilespmem:s0+$0x4980];
	_ =	sdelay $0x4  }
0x19f: {  	[tilespmem:s31+$0xC980] =	vst v0  }
0x1a0: {  	v0 =	vld [tilespmem:s0+$0x4990];
	_ =	sdelay $0x4  }
0x1a1: {  	[tilespmem:s31+$0xC990] =	vst v0  }
0x1a2: {  	v0 =	vld [tilespmem:s0+$0x49A0];
	_ =	sdelay $0x4  }
0x1a3: {  	[tilespmem:s31+$0xC9A0] =	vst v0  }
0x1a4: {  	p0 =	sne.s32 s29, $0xE000;
	v0 =	vld [tilespmem:s0+$0x49B0]  }
.Ltmp6:
0x1a5: {  	_ = 	snop;
	(pc) =	sbr.rel @p0 .LBB2_9-.Ltmp6, $2  }
0x1a6: {  	_ =	sdelay $0x2  }
0x1a7: {  	s30 =	sadd.s32 $0x10, s30;
	s29 =	sadd.s32 $0x2000, s29;
	[tilespmem:s31+$0xC9B0] =	vst v0  }
0x1a8: {  	p0 =	seq.s32 s26, $0x63  }
.Ltmp7:
0x1a9: {  	_ = 	snop;
	(pc) =	sbr.rel @p0 .LBB2_12-.Ltmp7, $4  }
0x1aa: {  	s0 =	sadd.s32 s28, s10  }
0x1ab: {  	s0 =	sshll.u32 s0, $0x4  }
0x1ac: {  	s0 =	sadd.s32 s6, s0  }
0x1ad: {  	[hbm4b:s0+s3] =	stream.linear.scatter [tilespmem:s23], [sflag:$0x4], $0x4000, $0x38;
	[tilespmem:$0x10200] =	vst v63  }
0x1ae: {  	s0 =	sadd.s32 s28, s11  }
0x1af: {  	s0 =	sshrl.u32 s0, $0x3  }
0x1b0: {  	s0 =	sadd.s32 s2, s0  }
0x1b1: {  	[tilespmem:s14], [sflag:$0x5] =	stream.linear.gather [hbm4b:s0+s3], $0x80, $0x38;
	[tilespmem:$0x10200] =	vst v63  }
0x1b2: {  	_ =	swait.ge [sflag:s13], $0x80  }
0x1b3: {  	[sflag:s13] =	ssyncset.done $0x0  }
0x1b4: {  	[sflag:s13] =	ssyncadd.s32 $0xFFFFFF80  }
0x1b5: {  	v0 =	vld [tilespmem:$0x80]  }
0x1b6: {  	v1 =	vld [tilespmem:$0x90]  }
0x1b7: {  	v2 =	vld [tilespmem:$0xA0]  }
0x1b8: {  	v3 =	vld [tilespmem:$0xB0]  }
0x1b9: {  	v4 =	vld [tilespmem:$0xC0]  }
0x1ba: {  	v5 =	vld [tilespmem:$0xD0];
	v0 =	vshrl.u32 v0, $0x1  }
0x1bb: {  	v56 =	vld [tilespmem:$0xE0];
	v55 =	vshrl.u32 v1, $0x1;
	[tilespmem:$0x180] =	vst v0  }
0x1bc: {  	v58 =	vld [tilespmem:$0xF0];
	v57 =	vshrl.u32 v2, $0x1;
	[tilespmem:$0x190] =	vst v55  }
0x1bd: {  	v59 =	vshrl.u32 v3, $0x1;
	[tilespmem:$0x1A0] =	vst v57  }
0x1be: {  	v60 =	vshrl.u32 v4, $0x1;
	[tilespmem:$0x1B0] =	vst v59  }
.Ltmp8:
0x1bf: {  	v61 =	vshrl.u32 v5, $0x1;
	[tilespmem:$0x1C0] =	vst v60;
	(pc) =	sbr.rel .LBB2_2-.Ltmp8, $4  }
0x1c0: {  	v62 =	vshrl.u32 v56, $0x1;
	[tilespmem:$0x1D0] =	vst v61  }
0x1c1: {  	v63 =	vshrl.u32 v58, $0x1;
	[tilespmem:$0x1E0] =	vst v62  }
0x1c2: {  	s26 =	sadd.s32 $0x1, s26;
	[tilespmem:$0x1F0] =	vst v63  }
0x1c3: {  	[tilespmem:s18], [sflag:$0x2] =	stream.indirect.gather [hbm4b:s4+s14], $0x80, s17, s14, $0xb8;
	[tilespmem:$0x10200] =	vst v63  }
.LBB2_13:
0x1c4: {  	_ =	sfence.sel $0x180000  }
0x1c5: {  	[bflag:$0x0] =	sbarrier.arrive $0xFFFF  }
0x1c6: {  	_ =	strace $0x90000047  }
0x1c7: {  	s0 =	stileid.u32;
	[bflag:$0x2] =	sbarrier.arrive $0xFFFF  }
0x1c8: {  	p0 =	sne.s32 s0, $0x0;
	s0 =	rddreg [dreg:$0x2]  }
0x1c9: {  	s0 =	sadd.s32 @!p0 $0x100000, s0  }
0x1ca: {  	[sflag:s0] =	ssyncadd.tile.s32 @!p0 $0x1;
	_ =	shalt  }
.Lfunc_end2:
_tile_overlayer_lowered:
.L_overlay_start_2:
0x1cb: {  	(tag) =	ssettag $0x2  }
0x1cc: {  	s0 =	rddreg [dreg:$0x0];
	s2 =	stileid.u32  }
0x1cd: {  	s1 =	rddreg [dreg:$0x1];
	p0 =	sne.s32 s2, $0x0  }
0x1ce: {  	s3 =	rddreg [dreg:$0x2];
	[bflag:$0x3] =	sbarrier.arrive $0xFFFF;
	s2 =	simm.s32 @!p0 $0x1C05  }
0x1cf: {  	[timem:s3], [sflag:s2] =	dma.local @!p0 [hbm:s0], s1  }
0x1d0: {  	s0 =	simm.s32 @!p0 $0x5  }
0x1d1: {  	_ =	swait.ge @!p0 [sflag:s0], s1  }
0x1d2: {  	s1 =	ssub.s32 @!p0 $0x0, s1;
	[sflag:s0] =	ssyncset.done @!p0 $0x0  }
0x1d3: {  	[sflag:s0] =	ssyncadd.s32 @!p0 s1  }
0x1d4: {  	[bflag:$0x3] =	sbarrier.arrive $0xFFFF  }
0x1d5: {  	_ =	shalt  }

// kernel: sparse-core-data-format-call.cloned.1.call-start
scs
called_computation_lowered:
.L_overlay_start_0:
0x0: {  	s2 =	sld [smem:$0x3FD9]  }
0x1: {  	s3 =	sld [smem:$0x3FFE];
	_ =	sdelay $0x1  }
0x2: {  	s1 =	srdreg.scid  }
0x3: {  	s0 =	sand.u32 $0x1, s1  }
0x4: {  	s18 =	sshll.u32 s0, $0xA;
	s2 =	sadd.s32 s3, s2  }
0x5: {  	s2 =	sadd.s32 s2, s18  }
0x6: {  	[smem:$0x3FC6] =	sst s2  }
0x7: {  	_ = 	snop  }
0x8: {  	s2 =	sld [smem:$0x3FD0];
	(tm) =	ssettm $0x1  }
0x9: {  	s19 =	sld [smem:$0x3FFB];
	_ =	sdelay $0x3  }
0xa: {  	_ =	strace s19  }
0xb: {  	s3 =	sld [smem:$0x3FFC];
	_ =	sdelay $0x3  }
0xc: {  	_ =	strace s3  }
0xd: {  	s3 =	sld [smem:$0x3FFD];
	_ =	sdelay $0x3  }
0xe: {  	_ =	strace s3  }
0xf: {  	_ =	strace $0x8FFFFFFF  }
0x10: {  	s20 =	sld [smem:$0x3FDB];
	_ =	sdelay $0x1  }
0x11: {  	s4 =	simm.s32 $_scs_section_size  }
0x12: {  	s5 =	simm.s32 $_size__tile_overlayer_lowered;
	s6 =	simm.s32 $_tile_overlayer_lowered  }
0x13: {  	s23 =	simm.s32 $0x1BFF;
	s22 =	sshll.u32 s6, $0x1;
	s3 =	sadd.s32 s4, s20  }
0x14: {  	s7 =	simm.s32 $0x0;
	s21 =	sshll.u32 s5, $0x1;
	s5 =	sadd.s32 s22, s3  }
0x15: {  	[timem:s7], [sflag:s23] =	dma.local [hbm:s5], s21  }
0x16: {  	_ =	swait.ge [sflag:s23], s21  }
0x17: {  	s4 =	ssub.s32 $0x0, s21;
	[sflag:s23] =	ssyncset.done $0x0  }
0x18: {  	[sflag:s23] =	ssyncadd.s32 s4;
	_ =	sdelay $0x1  }
0x19: {  	s24 =	simm.s32 $0x1B8B  }
0x1a: {  	_ =	swait.ge [sflag:s24], $0x1  }
0x1b: {  	[sflag:s24] =	ssyncset.done $0x0  }
0x1c: {  	s26 =	simm.s32 $0x1B8E;
	s25 =	sld [smem:$0x3FFE];
	[sflag:s24] =	ssyncadd.s32 $0xFFFFFFFF  }
0x1d: {  	s27 =	simm.s32 $execute0_lowered;
	[smem:$0x3FD2] =	sst s26  }
0x1e: {  	s5 =	sshll.u32 s27, $0x1;
	_ =	strace $0x80000049;
	[dreg:$0x1] =	wrdreg $0xFFFFFFFF  }
0x1f: {  	s28 =	simm.s32 $_size_execute0_lowered;
	s3 =	sadd.s32 s3, s5;
	[dreg:$0x0] =	wrdreg $0x0  }
0x20: {  	s5 =	sshll.u32 s28, $0x1;
	[dreg:$0x2] =	wrdreg s3  }
0x21: {  	[dreg:$0x3] =	wrdreg s5  }
0x22: {  	[dreg:$0x4] =	wrdreg $0xC0  }
0x23: {  	_ =	task [dreg:s7], $0x5FFFF  }
0x24: {  	[dreg:$0x1] =	wrdreg $0xFFFFFFFF  }
0x25: {  	[dreg:$0x0] =	wrdreg $0x60  }
0x26: {  	[dreg:$0x2] =	wrdreg s25  }
0x27: {  	[dreg:$0x3] =	wrdreg s2  }
0x28: {  	[dreg:$0x4] =	wrdreg $0x9  }
0x29: {  	_ =	task.clear_ibuf [dreg:s7], $0x5FFFF;
	_ =	strace $0x90000049  }
0x2a: {  	s29 =	simm.s32 $0x9;
	_ =	strace $0x8000004B  }
0x2b: {  	_ =	swait.ge [sflag:s29], $0x1  }
0x2c: {  	[sflag:s29] =	ssyncadd.s32 $0xFFFFFFFF  }
0x2d: {  	_ =	strace $0x9000004B  }
0x2e: {  	_ =	sfence  }
0x2f: {  	s30 =	sld [smem:$0x0];
	_ =	sdelay $0x2  }
0x30: {  	s31 =	sshll.u32 s1, $0xD;
	s1 =	sshrl.u32 s1, $0x2  }
0x31: {  	s3 =	sand.u32 $0x4000, s31;
	s1 =	sadd.s32 s1, s30  }
0x32: {  	s0 =	sor.u32 s3, s0;
	s1 =	sshll.u32 s1, $0x11  }
0x33: {  	s0 =	sor.u32 s1, s0  }
0x34: {  	s0 =	sadd.s32 $0x8F2B, s0  }
0x35: {  	[sflag:s0] =	ssyncadd.remote.s32 $0x1  }
0x36: {  	_ =	sfence.sel $0xFFFF  }
0x37: {  	[dreg:$0x0] =	wrdreg $0xFFFFFFFF;
	(pc) =	sbr.abs _section_cstart, $3  }
0x38: {  	[dreg:$0x1] =	wrdreg $0xFFFFFFFF  }
0x39: {  	_ =	task.clear_ibuf [dreg:s7], $0x2FFFF;
	_ =	strace $0x9FFFFFFF  }
0x3a: {  	(tm) =	ssettm $0x7FFFFFFF  }
0x3b: {  	_ =	shalt  }
tec
execute0_lowered:
.L_overlay_start_1:
0x0: {  	(tag) =	ssettag $0x1  }
0x1: {  	s0 =	srdreg.scid  }
0x2: {  	s1 =	sshll.u32 s0, $0x4  }
0x3: {  	s0 =	stileid.u32;
	s1 =	sand.u32 $0x10, s1  }
0x4: {  	s1 =	sor.u32 s0, s1  }
0x5: {  	s6 =	rddreg [dreg:$0x0];
	s4 =	simm.s32 $0x1;
	s2 =	sshll.u32 s1, $0x7  }
0x6: {  	s7 =	simm.s32 $0x2;
	s12 =	simm.s32 $0x0;
	s1 =	ssub.s32 $0x1000, s2  }
0x7: {  	s8 =	simm.s32 $0x8000;
	s13 =	simm.s32 $0x0;
	s3 =	sand.u32 $0xF80, s1  }
0x8: {  	s9 =	simm.s32 $0x0;
	s5 =	sshrl.u32 s1, $0xC;
	p0 =	sne.s32 s3, $0x0  }
.Ltmp0:
0x9: {  	s1 =	rddreg [dreg:$0x2];
	s4 =	simm.s32 @!p0 $0x0;
	(pc) =	sbr.rel .LBB1_1-.Ltmp0, $4  }
0xa: {  	s11 =	simm.s32 $0x0;
	s3 =	rddreg [dreg:$0x1];
	s5 =	sadd.s32 s4, s5  }
0xb: {  	_ =	strace $0x8000004A;
	s4 =	simm.s32 $0x1;
	s5 =	smul.u32 $0xC8, s5  }
0xc: {  	s6 =	sadd.s32 $0xA00, s6;
	s10 =	smov.u32 s2;
	[sflag:s4] =	ssyncpa.u1 $0x0  }
0xd: {  	p0 =	por $0x0, $0x0;
	[sflag:s7] =	ssyncpa.u1 $0x0;
	s7 =	sor.u32 $0x1, s5  }
.LBB1_4:
0xe: {  	s16 =	sshll.u32 s13, $0x3;
	s17 =	sand.u32 $0x78, s13  }
0xf: {  	s30 =	sand.u32 $0x7E00, s13;
	s12 =	sshll.u32 s12, $0xF;
	s16 =	sand.u32 $0xC00, s16  }
0x10: {  	[tilespmem:s15+$0x810 ss:$0x81] =	vst.msk $0xffff, v2;
	s31 =	sand.u32 $0x7, s13;
	s16 =	sor.u32 s17, s16;
	s17 =	sadd.s32 s3, s30  }
0x11: {  	[tilespmem:s15+$0x1020 ss:$0x81] =	vst.msk $0xffff, v0;
	s13 =	sshll.u32 s31, $0x12;
	s12 =	sadd.s32 s12, s17;
	s16 =	sshrl.u32 s16, $0x3  }
0x12: {  	[tilespmem:s15+$0x0 ss:$0x81] =	vst.msk $0xffff, v1;
	s13 =	sor.u32 $0x400, s13;
	s12 =	sadd.s32 s16, s12  }
0x13: {  	[hbm4b:s12+s13] =	stream.strided.scatter [tilespmem:s14], [sflag:$0x2], $0x2000, s8, s13, $0x20;
	[tilespmem:$0x8080] =	vst v63  }
.LBB1_5:
0x14: {  	s14 =	sadd.s32 $0x1, s9  }
0x15: {  	s12 =	sadd.s32 $0x1000, s10;
	s16 =	smov.u32 s10;
	p2 =	sgt.s32 s14, $0xC7  }
0x16: {  	s16 =	smov.u32 @p2 s12  }
0x17: {  	s14 =	simm.s32 @p2 $0x0;
	p2 =	sgt.s32 s16, $0xFFF  }
0x18: {  	s16 =	smov.u32 @p2 s2;
	p2 =	sne.s32 s11, s7  }
.Ltmp1:
0x19: {  	p1 =	slt.u32 s11, $0x2;
	(pc) =	sbr.rel @!p2 .LBB1_6-.Ltmp1, $4  }
0x1a: {  	s15 =	simm.s32 @!p1 $0x2  }
0x1b: {  	s13 =	smov.u32 s10;
	p0 =	por !p0, !p0;
	_ =	swait.ge @!p1 [sflag:s15], $0x2000  }
0x1c: {  	s12 =	smov.u32 s9;
	[sflag:s15] =	ssyncset.done @!p1 $0x0;
	s9 =	smov.u32 s14  }
0x1d: {  	s11 =	sadd.s32 $0x1, s11;
	[sflag:s15] =	ssyncadd.s32 @!p1 $0xFFFFE000;
	s10 =	smov.u32 s16  }
.LBB1_1:
0x1e: {  	p1 =	sge.u32 s11, s5  }
0x1f: {  	s14 =	sand.u32 @!p1 $0x1FFFFFF, s9  }
0x20: {  	s15 =	smulhi.u32 @!p1 $0x147AE15, s14;
	_ =	sdelay $0x1  }
0x21: {  	s15 =	smul.u32 @!p1 $0xC8, s15  }
0x22: {  	s16 =	sxor.u32 @!p1 $0xFFFFFFFF, s11;
	s17 =	smul.u32 @!p1 $0xC80, s10  }
0x23: {  	s31 =	sadd.s32 $0xFFFFFFFF, s11;
	s16 =	sshll.u32 @!p1 s16, $0xD;
	s14 =	ssub.s32 @!p1 s14, s15  }
0x24: {  	s15 =	sand.u32 @!p1 $0x2000, s16;
	s16 =	sadd.s32 @!p1 s6, s17;
	s14 =	sshll.u32 @!p1 s14, $0x4  }
0x25: {  	s17 =	simm.s32 @!p1 $0x6400;
	s14 =	sadd.s32 @!p1 s14, s16;
	s16 =	simm.s32 @!p1 $0x40  }
0x26: {  	[tilespmem:s15], [sflag:$0x1] =	stream.strided.gather @!p1 [hbm4b:s14+s16], $0x2000, s17, s16, $0x38;
	[tilespmem:$0x8080] =	vst v63  }
0x27: {  	p1 =	sge.u32 s31, s5  }
.Ltmp2:
0x28: {  	_ = 	snop;
	(pc) =	sbr.rel @p1 .LBB1_5-.Ltmp2, $1  }
0x29: {  	_ =	sdelay $0x3  }
0x2a: {  	s14 =	simm.s32 $0x1  }
0x2b: {  	_ =	swait.ge [sflag:s4], $0x2000;
	s14 =	simm.s32 @!p0 $0x0  }
0x2c: {  	[sflag:s4] =	ssyncset.done $0x0;
	s15 =	sshll.u32 s14, $0xD  }
0x2d: {  	[sflag:s4] =	ssyncadd.s32 $0xFFFFE000;
	s18 =	sor.u32 $0x20, s15  }
0x2e: {  	s14 =	smul.u32 $0x8100, s14;
	v3 =	vld [tilespmem:s18+$0x10]  }
0x2f: {  	s30 =	sand.u32 $0x1, s11;
	v2 =	vld [tilespmem:s18+$0xFFFFFFF0]  }
0x30: {  	s15 =	smul.u32 $0x8100, s30;
	s14 =	sshrl.u32 s14, $0x2;
	v0 =	vld [tilespmem:s18+$0x0]  }
0x31: {  	v1 =	vld [tilespmem:s18+$0xFFFFFFE0];
	s16 =	sor.u32 $0x4000, s14  }
0x32: {  	s31 =	sshrl.u32 s15, $0x2;
	s15 =	sadd.s32 $0x0, s16  }
0x33: {  	s17 =	simm.s32 $0x4;
	s18 =	sadd.s32 $0x40, s18;
	s14 =	sor.u32 $0x4000, s31;
	[tilespmem:s15+$0x1830 ss:$0x81] =	vst.msk $0xffff, v3  }
.LBB1_3:
0x34: {  	v3 =	vld [tilespmem:s18+$0x10];
	p1 =	sne.s32 s17, $0x1FC;
	[tilespmem:s15+$0x810 ss:$0x81] =	vst.msk $0xffff, v2;
	s19 =	smov.u32 s17;
	s17 =	sadd.s32 $0x4, s17  }
.Ltmp3:
0x35: {  	v2 =	vld [tilespmem:s18+$0xFFFFFFF0];
	[tilespmem:s15+$0x1020 ss:$0x81] =	vst.msk $0xffff, v0;
	(pc) =	sbr.rel @p1 .LBB1_3-.Ltmp3, $4  }
0x36: {  	v0 =	vld [tilespmem:s18+$0x0];
	[tilespmem:s15+$0x0 ss:$0x81] =	vst.msk $0xffff, v1  }
0x37: {  	s15 =	sshra.s32 s19, $0x2;
	v1 =	vld [tilespmem:s18+$0xFFFFFFE0]  }
0x38: {  	s15 =	sadd.s32 s15, s16  }
0x39: {  	s18 =	sadd.s32 $0x40, s18;
	[tilespmem:s15+$0x1830 ss:$0x81] =	vst.msk $0xffff, v3  }
.Ltmp4:
0x3a: {  	_ = 	snop;
	(pc) =	sbr.rel .LBB1_4-.Ltmp4, $1  }
0x3b: {  	_ =	sdelay $0x3  }
.LBB1_6:
0x3c: {  	_ =	sfence.sel $0x180000  }
0x3d: {  	s2 =	simm.s32 $0x1;
	[bflag:$0x0] =	sbarrier.arrive $0xFFFF  }
0x3e: {  	s31 =	simm.s32 $0x2;
	[sflag:s2] =	ssyncpa.u1 $0x1  }
0x3f: {  	[sflag:s31] =	ssyncpa.u1 $0x1  }
0x40: {  	p0 =	sne.s32 s0, $0x0;
	_ =	strace $0x9000004A  }
0x41: {  	s0 =	sadd.s32 @!p0 $0x100000, s1;
	[bflag:$0x2] =	sbarrier.arrive $0xFFFF  }
0x42: {  	[sflag:s0] =	ssyncadd.tile.s32 @!p0 $0x1;
	_ =	shalt  }
.Lfunc_end1:
_tile_overlayer_lowered:
.L_overlay_start_2:
0x43: {  	(tag) =	ssettag $0x2  }
0x44: {  	s0 =	rddreg [dreg:$0x0];
	s2 =	stileid.u32  }
0x45: {  	s1 =	rddreg [dreg:$0x1];
	p0 =	sne.s32 s2, $0x0  }
0x46: {  	s3 =	rddreg [dreg:$0x2];
	[bflag:$0x3] =	sbarrier.arrive $0xFFFF;
	s2 =	simm.s32 @!p0 $0x1C01  }
0x47: {  	[timem:s3], [sflag:s2] =	dma.local @!p0 [hbm:s0], s1  }
0x48: {  	s0 =	simm.s32 @!p0 $0x1  }
0x49: {  	_ =	swait.ge @!p0 [sflag:s0], s1  }
0x4a: {  	s1 =	ssub.s32 @!p0 $0x0, s1;
	[sflag:s0] =	ssyncset.done @!p0 $0x0  }
0x4b: {  	[sflag:s0] =	ssyncadd.s32 @!p0 s1  }
0x4c: {  	[bflag:$0x3] =	sbarrier.arrive $0xFFFF  }
0x4d: {  	_ =	shalt  }

</sc_bundles>
